<compile_context>
chip_gen: v7x
topology: tpu7x:2x2x1
jax: 0.10.2.dev20260603
libtpu: 0.0.44.dev20260713+nightly
codegen_flags: <defaults>
</compile_context>

<pallas_src>
import jax
import jax.numpy as jnp
from jax import lax
from jax.experimental import pallas as pl
from jax.experimental.pallas import tpu as pltpu
from jax.experimental.pallas import tpu_sc as plsc

_INFO = plsc.get_sparse_core_info()
_NC = _INFO.num_cores
_NS = _INFO.num_subcores
_L = _INFO.num_lanes
_NW = _NC * _NS

_BATCH = 16384
_D = 32
_BPW = _BATCH // _NW
_NU = 1000000


def _lane_helpers():
    lanes = lax.iota(jnp.int32, _L)
    onehots = [lanes == k for k in range(_L)]
    dnums = lax.GatherDimensionNumbers(
        offset_dims=(), collapsed_slice_dims=(0,), start_index_map=(0,))

    def shuffle(t, idx):
        return lax.gather(t, idx[:, None], dnums, slice_sizes=(1,),
                          mode=lax.GatherScatterMode.PROMISE_IN_BOUNDS)

    return lanes, onehots, shuffle


def _user_body(users_hbm, eu_hbm, bu_hbm, urows_hbm, buv_hbm,
               idx_u, rows_u, rows1d, buw, buv_v, semrow, semb):
    wid = lax.axis_index("s") * _NC + lax.axis_index("c")
    base = wid * _BPW

    pltpu.sync_copy(users_hbm.at[pl.ds(base, _BPW)], idx_u)

    def issue(g, carry):
        b = g * _L
        su16 = idx_u[pl.ds(b, _L)]
        for k in range(_L):
            r = b + k
            pltpu.async_copy(
                eu_hbm.at[pl.ds(su16[k], 1)],
                rows_u.at[pl.ds(r, 1)], semrow)
            st = pl.multiple_of(jnp.minimum(su16[k] & ~7, _NU - _L), 8)
            pltpu.async_copy(
                bu_hbm.at[pl.ds(st, _L)],
                buw.at[pl.ds(pl.multiple_of(r * _L, 8), _L)], semb)
        return carry

    lax.fori_loop(0, _BPW // _L, issue, 0)

    pltpu.make_async_copy(bu_hbm.at[pl.ds(0, _BPW * _L)], buw, semb).wait()

    lanes, onehots, shuffle = _lane_helpers()

    def bias_sel(g, carry):
        b = g * _L
        su16 = idx_u[pl.ds(b, _L)]
        posv = su16 - jnp.minimum(su16 & ~7, _NU - _L)
        acc = jnp.zeros((_L,), jnp.float32)
        for k in range(_L):
            w = buw[pl.ds(pl.multiple_of((b + k) * _L, 8), _L)]
            val = shuffle(w, jnp.full((_L,), posv[k], jnp.int32))
            acc = acc + jnp.where(onehots[k], val, 0.0)
        buv_v[pl.ds(b, _L)] = acc
        return carry

    lax.fori_loop(0, _BPW // _L, bias_sel, 0)

    pltpu.make_async_copy(eu_hbm.at[pl.ds(0, _BPW)], rows_u,
                          semrow).wait()

    def relayout(r, carry):
        o = pl.multiple_of(r * _D, 8)
        rows1d[pl.ds(o, _L)] = rows_u[r, pl.ds(0, _L)]
        rows1d[pl.ds(o + _L, _L)] = rows_u[r, pl.ds(_L, _L)]
        return carry

    lax.fori_loop(0, _BPW, relayout, 0)
    pltpu.sync_copy(rows1d, urows_hbm.at[pl.ds(base * _D, _BPW * _D)])
    pltpu.sync_copy(buv_v, buv_hbm.at[pl.ds(base, _BPW)])


def _movie_body(movies_hbm, em_hbm, bm_hbm, urows_hbm, buv_hbm, out_hbm,
                idx_m, rows_m, urows1d, bmv_v, buv_v, out_v, semrow, sem):
    wid = lax.axis_index("s") * _NC + lax.axis_index("c")
    base = wid * _BPW

    pltpu.sync_copy(movies_hbm.at[pl.ds(base, _BPW)], idx_m)

    cpb = pltpu.async_copy(bm_hbm.at[idx_m], bmv_v, sem)
    cpu = pltpu.async_copy(urows_hbm.at[pl.ds(base * _D, _BPW * _D)],
                           urows1d, sem)
    cpv = pltpu.async_copy(buv_hbm.at[pl.ds(base, _BPW)], buv_v, sem)

    def issue(g, carry):
        b = g * _L
        sm16 = idx_m[pl.ds(b, _L)]
        for k in range(_L):
            r = b + k
            pltpu.async_copy(
                em_hbm.at[pl.ds(sm16[k], 1)],
                rows_m.at[pl.ds(r, 1)], semrow)
        return carry

    lax.fori_loop(0, _BPW // _L, issue, 0)

    cpb.wait()
    cpu.wait()
    cpv.wait()
    pltpu.make_async_copy(em_hbm.at[pl.ds(0, _BPW)], rows_m,
                          semrow).wait()

    lanes, onehots, shuffle = _lane_helpers()
    shuf8 = (lanes + 8) % _L
    shuf4 = (lanes + 4) % _L
    shuf2 = (lanes + 2) % _L
    shuf1 = (lanes + 1) % _L

    def chunk(c, carry):
        b = c * _L
        dot = bmv_v[pl.ds(b, _L)] + buv_v[pl.ds(b, _L)]
        for k in range(_L):
            r = b + k
            o = pl.multiple_of(r * _D, 8)
            t = (urows1d[pl.ds(o, _L)] * rows_m[r, pl.ds(0, _L)] +
                 urows1d[pl.ds(o + _L, _L)] * rows_m[r, pl.ds(_L, _L)])
            t = t + shuffle(t, shuf8)
            t = t + shuffle(t, shuf4)
            t = t + shuffle(t, shuf2)
            t = t + shuffle(t, shuf1)
            dot = dot + jnp.where(onehots[k], t, 0.0)
        out_v[pl.ds(b, _L)] = 5.25 / (1.0 + jnp.exp(-dot))
        return carry

    lax.fori_loop(0, _BPW // _L, chunk, 0)

    pltpu.sync_copy(out_v, out_hbm.at[pl.ds(base, _BPW)])


def kernel(users, movies, embedding_user, embedding_movie, bias_user,
           bias_movie):
    mesh = plsc.VectorSubcoreMesh(core_axis_name="c", subcore_axis_name="s")

    k_user = pl.kernel(
        _user_body,
        mesh=mesh,
        out_type=(jax.ShapeDtypeStruct((_BATCH * _D,), jnp.float32),
                  jax.ShapeDtypeStruct((_BATCH,), jnp.float32)),
        scratch_types=[
            pltpu.VMEM((_BPW,), jnp.int32),
            pltpu.VMEM((_BPW, _D), jnp.float32),
            pltpu.VMEM((_BPW * _D,), jnp.float32),
            pltpu.VMEM((_BPW * _L,), jnp.float32),
            pltpu.VMEM((_BPW,), jnp.float32),
            pltpu.SemaphoreType.DMA,
            pltpu.SemaphoreType.DMA,
        ],
    )
    urows, buv = k_user(users.astype(jnp.int32), embedding_user, bias_user)

    k_movie = pl.kernel(
        _movie_body,
        mesh=mesh,
        out_type=jax.ShapeDtypeStruct((_BATCH,), jnp.float32),
        scratch_types=[
            pltpu.VMEM((_BPW,), jnp.int32),
            pltpu.VMEM((_BPW, _D), jnp.float32),
            pltpu.VMEM((_BPW * _D,), jnp.float32),
            pltpu.VMEM((_BPW,), jnp.float32),
            pltpu.VMEM((_BPW,), jnp.float32),
            pltpu.VMEM((_BPW,), jnp.float32),
            pltpu.SemaphoreType.DMA,
            pltpu.SemaphoreType.DMA,
        ],
    )
    return k_movie(movies.astype(jnp.int32), embedding_movie, bias_movie,
                   urows, buv)

# --- scband reference (transcript-rebuilt; emitter-appended) ---
"""Pipeline reference for scband-collabmodel-11501922418902 (READ-ONLY COPY).

The authoritative reference and input builder live on the scoring server;
editing this copy changes nothing except your own understanding.
"""

import jax, jax.numpy as jnp
import numpy as np

USER_SIZE = 1000000
MOVIE_SIZE = 100000
EMBED_DIM = 32
BATCH = 16384


def setup_inputs(seed: int = 0) -> dict:
    key = jax.random.key(seed)
    k1, k2, k3, k4 = jax.random.split(key, 4)
    users = jax.random.randint(k1, (BATCH,), 0, USER_SIZE, dtype=jnp.int64 if jax.config.jax_enable_x64 else jnp.int32)
    movies = jax.random.randint(k2, (BATCH,), 0, MOVIE_SIZE, dtype=jnp.int64 if jax.config.jax_enable_x64 else jnp.int32)
    embedding_user = jax.random.normal(k3, (USER_SIZE, EMBED_DIM), dtype=jnp.float32) * 0.01
    embedding_movie = jax.random.normal(k4, (MOVIE_SIZE, EMBED_DIM), dtype=jnp.float32) * 0.01
    bias_user = jnp.zeros((USER_SIZE,), dtype=jnp.float32)
    bias_movie = jnp.zeros((MOVIE_SIZE,), dtype=jnp.float32)
    return {
        "users": users,
        "movies": movies,
        "embedding_user": embedding_user,
        "embedding_movie": embedding_movie,
        "bias_user": bias_user,
        "bias_movie": bias_movie,
    }


def reference(users, movies, embedding_user, embedding_movie, bias_user, bias_movie):
    # embedding lookups (gather)
    user_total = jnp.take(embedding_user, users, axis=0)    # [B, D]
    movie_total = jnp.take(embedding_movie, movies, axis=0)  # [B, D]
    # per-row dot product == user_total[B,1,D] @ movie_total[B,D,1] squeezed
    dot = jnp.sum(user_total * movie_total, axis=-1)          # [B]
    raw_predict = dot + jnp.take(bias_movie, movies) + jnp.take(bias_user, users)
    squashed_predict = jax.nn.sigmoid(raw_predict) * 5.25
    return squashed_predict

if __name__ == "__main__":
    import jax
    _d = setup_inputs()
    print(jax.jit(kernel)(*tuple(_d.values())))

</pallas_src>

<mosaic_0001>
#map = affine_map<(d0, d1) -> (0)>
#map1 = affine_map<(d0, d1) -> (0, 0)>
module attributes {stable_mosaic.version = 14 : i64} {
  func.func @_movie_body(%arg0: i32, %arg1: i32, %arg2: memref<16384xi32, #tpu.memory_space<hbm>>, %arg3: memref<100000x32xf32, #tpu.memory_space<hbm>>, %arg4: memref<100000xf32, #tpu.memory_space<hbm>>, %arg5: memref<524288xf32, #tpu.memory_space<hbm>>, %arg6: memref<16384xf32, #tpu.memory_space<hbm>>, %arg7: memref<16384xf32, #tpu.memory_space<hbm>>, %arg8: memref<512xi32, #tpu.memory_space<vmem>>, %arg9: memref<512x32xf32, #tpu.memory_space<vmem>>, %arg10: memref<16384xf32, #tpu.memory_space<vmem>>, %arg11: memref<512xf32, #tpu.memory_space<vmem>>, %arg12: memref<512xf32, #tpu.memory_space<vmem>>, %arg13: memref<512xf32, #tpu.memory_space<vmem>>, %arg14: memref<!tpu.dma_semaphore, #tpu.memory_space<semaphore_mem>>, %arg15: memref<!tpu.dma_semaphore, #tpu.memory_space<semaphore_mem>>) attributes {dimension_semantics = [#tpu.dimension_semantics<core_parallel>, #tpu.dimension_semantics<subcore_parallel>], iteration_bounds = array<i64: 2, 16>, scalar_prefetch = 0 : i64, scratch_operands = 8 : i64, tpu.core_type = #tpu.core_type<sc_vector_subcore>, window_params = [{transform_indices = #map}, {transform_indices = #map1}, {transform_indices = #map}, {transform_indices = #map}, {transform_indices = #map}, {transform_indices = #map}]} {
    %mul3A = arith.constant 2 : i32
    %mul3A_0 = arith.muli %arg1, %mul3A : i32
    %add3A = arith.addi %mul3A_0, %arg0 : i32
    %mul3A_1 = arith.constant 512 : i32
    %mul3A_2 = arith.muli %add3A, %mul3A_1 : i32
    "tpu.region"() ({
      %run_scoped3A = tpu.sem_alloc : memref<!tpu.dma_semaphore, #tpu.memory_space<semaphore_mem>>
      %dma_start3A_173 = tpu.memref_slice %arg2[%mul3A_2] : memref<16384xi32, #tpu.memory_space<hbm>> -> memref<512xi32, #tpu.memory_space<hbm>>
      %dma_start3A_174 = tpu.memref_slice %arg2[%mul3A_2] : memref<16384xi32, #tpu.memory_space<hbm>> -> memref<512xi32, #tpu.memory_space<hbm>>
      tpu.enqueue_dma source(%dma_start3A_174 : memref<512xi32, #tpu.memory_space<hbm>>) target(%arg8 : memref<512xi32, #tpu.memory_space<vmem>>) target_semaphore(%run_scoped3A : memref<!tpu.dma_semaphore, #tpu.memory_space<semaphore_mem>>)
      %dma_wait3A_175 = tpu.memref_slice %arg2[%mul3A_2] : memref<16384xi32, #tpu.memory_space<hbm>> -> memref<512xi32, #tpu.memory_space<hbm>>
      %dma_wait3A_176 = tpu.memref_slice %arg2[%mul3A_2] : memref<16384xi32, #tpu.memory_space<hbm>> -> memref<512xi32, #tpu.memory_space<hbm>>
      tpu.wait_dma2 semaphore(%run_scoped3A : memref<!tpu.dma_semaphore, #tpu.memory_space<semaphore_mem>>) src(%dma_wait3A_176 : memref<512xi32, #tpu.memory_space<hbm>>) dst(%arg8 : memref<512xi32, #tpu.memory_space<vmem>>)
      tpu.yield
    }) : () -> ()
    %dma_start3A = arith.constant 0 : i32
    %dma_start3A_3 = tpu.memref_slice %arg4[%dma_start3A] : memref<100000xf32, #tpu.memory_space<hbm>> -> memref<100000xf32, #tpu.memory_space<hbm>>
    tpu.enqueue_indirect_dma source(%dma_start3A_3 : memref<100000xf32, #tpu.memory_space<hbm>>) target(%arg11 : memref<512xf32, #tpu.memory_space<vmem>>) offsets(%arg8 : memref<512xi32, #tpu.memory_space<vmem>>) semaphore(%arg15 : memref<!tpu.dma_semaphore, #tpu.memory_space<semaphore_mem>>)
    %mul3A_4 = arith.constant 32 : i32
    %mul3A_5 = arith.muli %mul3A_2, %mul3A_4 : i32
    %dma_start3A_6 = tpu.memref_slice %arg5[%mul3A_5] : memref<524288xf32, #tpu.memory_space<hbm>> -> memref<16384xf32, #tpu.memory_space<hbm>>
    %dma_start3A_7 = tpu.memref_slice %arg5[%mul3A_5] : memref<524288xf32, #tpu.memory_space<hbm>> -> memref<16384xf32, #tpu.memory_space<hbm>>
    tpu.enqueue_dma source(%dma_start3A_7 : memref<16384xf32, #tpu.memory_space<hbm>>) target(%arg10 : memref<16384xf32, #tpu.memory_space<vmem>>) target_semaphore(%arg15 : memref<!tpu.dma_semaphore, #tpu.memory_space<semaphore_mem>>)
    %dma_start3A_8 = tpu.memref_slice %arg6[%mul3A_2] : memref<16384xf32, #tpu.memory_space<hbm>> -> memref<512xf32, #tpu.memory_space<hbm>>
    %dma_start3A_9 = tpu.memref_slice %arg6[%mul3A_2] : memref<16384xf32, #tpu.memory_space<hbm>> -> memref<512xf32, #tpu.memory_space<hbm>>
    tpu.enqueue_dma source(%dma_start3A_9 : memref<512xf32, #tpu.memory_space<hbm>>) target(%arg12 : memref<512xf32, #tpu.memory_space<vmem>>) target_semaphore(%arg15 : memref<!tpu.dma_semaphore, #tpu.memory_space<semaphore_mem>>)
    %scan3A = arith.constant 0 : i32
    %scan3A_10 = arith.constant 0 : i32
    %scan3A_11 = arith.constant 32 : i32
    %scan3A_12 = arith.addi %scan3A_10, %scan3A_11 : i32
    %scan3A_13 = arith.constant 1 : i32
    scf.for %scan3A_173 = %scan3A_10 to %scan3A_12 step %scan3A_13  : i32 {
      %mul3A_174 = arith.constant 16 : i32
      %mul3A_175 = arith.muli %scan3A_173, %mul3A_174 : i32
      %get3A = arith.index_cast %mul3A_175 : i32 to index
      %get3A_176 = tpu.vector_load %arg8[%get3A] {strides = array<i32>} : memref<512xi32, #tpu.memory_space<vmem>>, vector<16xi32>,
      %get3A_177 = vector.shape_cast %get3A_176 : vector<16xi32> to vector<16xi32>
      %add3A_178 = arith.constant 0 : i32
      %add3A_179 = arith.addi %mul3A_175, %add3A_178 : i32
      %slice3A = vector.extract_strided_slice %get3A_177 {offsets = [0], sizes = [1], strides = [1]} : vector<16xi32> to vector<1xi32>
      %squeeze3A = vector.extract %slice3A[0] : i32 from vector<1xi32>
      %dma_start3A_180 = arith.constant 0 : i32
      %dma_start3A_181 = tpu.memref_slice %arg9[%add3A_179, %dma_start3A_180] : memref<512x32xf32, #tpu.memory_space<vmem>> -> memref<1x32xf32, #tpu.memory_space<vmem>>
      %dma_start3A_182 = arith.constant 0 : i32
      %dma_start3A_183 = tpu.memref_slice %arg3[%squeeze3A, %dma_start3A_182] : memref<100000x32xf32, #tpu.memory_space<hbm>> -> memref<1x32xf32, #tpu.memory_space<hbm>>
      %dma_start3A_184 = arith.constant 0 : i32
      %dma_start3A_185 = tpu.memref_slice %arg9[%add3A_179, %dma_start3A_184] : memref<512x32xf32, #tpu.memory_space<vmem>> -> memref<1x32xf32, #tpu.memory_space<vmem>>
      %dma_start3A_186 = arith.constant 0 : i32
      %dma_start3A_187 = tpu.memref_slice %arg3[%squeeze3A, %dma_start3A_186] : memref<100000x32xf32, #tpu.memory_space<hbm>> -> memref<1x32xf32, #tpu.memory_space<hbm>>
      tpu.enqueue_dma source(%dma_start3A_187 : memref<1x32xf32, #tpu.memory_space<hbm>>) target(%dma_start3A_185 : memref<1x32xf32, #tpu.memory_space<vmem>>) target_semaphore(%arg14 : memref<!tpu.dma_semaphore, #tpu.memory_space<semaphore_mem>>)
      %add3A_188 = arith.constant 1 : i32
      %add3A_189 = arith.addi %mul3A_175, %add3A_188 : i32
      %slice3A_190 = vector.extract_strided_slice %get3A_177 {offsets = [1], sizes = [1], strides = [1]} : vector<16xi32> to vector<1xi32>
      %squeeze3A_191 = vector.extract %slice3A_190[0] : i32 from vector<1xi32>
      %dma_start3A_192 = arith.constant 0 : i32
      %dma_start3A_193 = tpu.memref_slice %arg9[%add3A_189, %dma_start3A_192] : memref<512x32xf32, #tpu.memory_space<vmem>> -> memref<1x32xf32, #tpu.memory_space<vmem>>
      %dma_start3A_194 = arith.constant 0 : i32
      %dma_start3A_195 = tpu.memref_slice %arg3[%squeeze3A_191, %dma_start3A_194] : memref<100000x32xf32, #tpu.memory_space<hbm>> -> memref<1x32xf32, #tpu.memory_space<hbm>>
      %dma_start3A_196 = arith.constant 0 : i32
      %dma_start3A_197 = tpu.memref_slice %arg9[%add3A_189, %dma_start3A_196] : memref<512x32xf32, #tpu.memory_space<vmem>> -> memref<1x32xf32, #tpu.memory_space<vmem>>
      %dma_start3A_198 = arith.constant 0 : i32
      %dma_start3A_199 = tpu.memref_slice %arg3[%squeeze3A_191, %dma_start3A_198] : memref<100000x32xf32, #tpu.memory_space<hbm>> -> memref<1x32xf32, #tpu.memory_space<hbm>>
      tpu.enqueue_dma source(%dma_start3A_199 : memref<1x32xf32, #tpu.memory_space<hbm>>) target(%dma_start3A_197 : memref<1x32xf32, #tpu.memory_space<vmem>>) target_semaphore(%arg14 : memref<!tpu.dma_semaphore, #tpu.memory_space<semaphore_mem>>)
      %add3A_200 = arith.constant 2 : i32
      %add3A_201 = arith.addi %mul3A_175, %add3A_200 : i32
      %slice3A_202 = vector.extract_strided_slice %get3A_177 {offsets = [2], sizes = [1], strides = [1]} : vector<16xi32> to vector<1xi32>
      %squeeze3A_203 = vector.extract %slice3A_202[0] : i32 from vector<1xi32>
      %dma_start3A_204 = arith.constant 0 : i32
      %dma_start3A_205 = tpu.memref_slice %arg9[%add3A_201, %dma_start3A_204] : memref<512x32xf32, #tpu.memory_space<vmem>> -> memref<1x32xf32, #tpu.memory_space<vmem>>
      %dma_start3A_206 = arith.constant 0 : i32
      %dma_start3A_207 = tpu.memref_slice %arg3[%squeeze3A_203, %dma_start3A_206] : memref<100000x32xf32, #tpu.memory_space<hbm>> -> memref<1x32xf32, #tpu.memory_space<hbm>>
      %dma_start3A_208 = arith.constant 0 : i32
      %dma_start3A_209 = tpu.memref_slice %arg9[%add3A_201, %dma_start3A_208] : memref<512x32xf32, #tpu.memory_space<vmem>> -> memref<1x32xf32, #tpu.memory_space<vmem>>
      %dma_start3A_210 = arith.constant 0 : i32
      %dma_start3A_211 = tpu.memref_slice %arg3[%squeeze3A_203, %dma_start3A_210] : memref<100000x32xf32, #tpu.memory_space<hbm>> -> memref<1x32xf32, #tpu.memory_space<hbm>>
      tpu.enqueue_dma source(%dma_start3A_211 : memref<1x32xf32, #tpu.memory_space<hbm>>) target(%dma_start3A_209 : memref<1x32xf32, #tpu.memory_space<vmem>>) target_semaphore(%arg14 : memref<!tpu.dma_semaphore, #tpu.memory_space<semaphore_mem>>)
      %add3A_212 = arith.constant 3 : i32
      %add3A_213 = arith.addi %mul3A_175, %add3A_212 : i32
      %slice3A_214 = vector.extract_strided_slice %get3A_177 {offsets = [3], sizes = [1], strides = [1]} : vector<16xi32> to vector<1xi32>
      %squeeze3A_215 = vector.extract %slice3A_214[0] : i32 from vector<1xi32>
      %dma_start3A_216 = arith.constant 0 : i32
      %dma_start3A_217 = tpu.memref_slice %arg9[%add3A_213, %dma_start3A_216] : memref<512x32xf32, #tpu.memory_space<vmem>> -> memref<1x32xf32, #tpu.memory_space<vmem>>
      %dma_start3A_218 = arith.constant 0 : i32
      %dma_start3A_219 = tpu.memref_slice %arg3[%squeeze3A_215, %dma_start3A_218] : memref<100000x32xf32, #tpu.memory_space<hbm>> -> memref<1x32xf32, #tpu.memory_space<hbm>>
      %dma_start3A_220 = arith.constant 0 : i32
      %dma_start3A_221 = tpu.memref_slice %arg9[%add3A_213, %dma_start3A_220] : memref<512x32xf32, #tpu.memory_space<vmem>> -> memref<1x32xf32, #tpu.memory_space<vmem>>
      %dma_start3A_222 = arith.constant 0 : i32
      %dma_start3A_223 = tpu.memref_slice %arg3[%squeeze3A_215, %dma_start3A_222] : memref<100000x32xf32, #tpu.memory_space<hbm>> -> memref<1x32xf32, #tpu.memory_space<hbm>>
      tpu.enqueue_dma source(%dma_start3A_223 : memref<1x32xf32, #tpu.memory_space<hbm>>) target(%dma_start3A_221 : memref<1x32xf32, #tpu.memory_space<vmem>>) target_semaphore(%arg14 : memref<!tpu.dma_semaphore, #tpu.memory_space<semaphore_mem>>)
      %add3A_224 = arith.constant 4 : i32
      %add3A_225 = arith.addi %mul3A_175, %add3A_224 : i32
      %slice3A_226 = vector.extract_strided_slice %get3A_177 {offsets = [4], sizes = [1], strides = [1]} : vector<16xi32> to vector<1xi32>
      %squeeze3A_227 = vector.extract %slice3A_226[0] : i32 from vector<1xi32>
      %dma_start3A_228 = arith.constant 0 : i32
      %dma_start3A_229 = tpu.memref_slice %arg9[%add3A_225, %dma_start3A_228] : memref<512x32xf32, #tpu.memory_space<vmem>> -> memref<1x32xf32, #tpu.memory_space<vmem>>
      %dma_start3A_230 = arith.constant 0 : i32
      %dma_start3A_231 = tpu.memref_slice %arg3[%squeeze3A_227, %dma_start3A_230] : memref<100000x32xf32, #tpu.memory_space<hbm>> -> memref<1x32xf32, #tpu.memory_space<hbm>>
      %dma_start3A_232 = arith.constant 0 : i32
      %dma_start3A_233 = tpu.memref_slice %arg9[%add3A_225, %dma_start3A_232] : memref<512x32xf32, #tpu.memory_space<vmem>> -> memref<1x32xf32, #tpu.memory_space<vmem>>
      %dma_start3A_234 = arith.constant 0 : i32
      %dma_start3A_235 = tpu.memref_slice %arg3[%squeeze3A_227, %dma_start3A_234] : memref<100000x32xf32, #tpu.memory_space<hbm>> -> memref<1x32xf32, #tpu.memory_space<hbm>>
      tpu.enqueue_dma source(%dma_start3A_235 : memref<1x32xf32, #tpu.memory_space<hbm>>) target(%dma_start3A_233 : memref<1x32xf32, #tpu.memory_space<vmem>>) target_semaphore(%arg14 : memref<!tpu.dma_semaphore, #tpu.memory_space<semaphore_mem>>)
      %add3A_236 = arith.constant 5 : i32
      %add3A_237 = arith.addi %mul3A_175, %add3A_236 : i32
      %slice3A_238 = vector.extract_strided_slice %get3A_177 {offsets = [5], sizes = [1], strides = [1]} : vector<16xi32> to vector<1xi32>
      %squeeze3A_239 = vector.extract %slice3A_238[0] : i32 from vector<1xi32>
      %dma_start3A_240 = arith.constant 0 : i32
      %dma_start3A_241 = tpu.memref_slice %arg9[%add3A_237, %dma_start3A_240] : memref<512x32xf32, #tpu.memory_space<vmem>> -> memref<1x32xf32, #tpu.memory_space<vmem>>
      %dma_start3A_242 = arith.constant 0 : i32
      %dma_start3A_243 = tpu.memref_slice %arg3[%squeeze3A_239, %dma_start3A_242] : memref<100000x32xf32, #tpu.memory_space<hbm>> -> memref<1x32xf32, #tpu.memory_space<hbm>>
      %dma_start3A_244 = arith.constant 0 : i32
      %dma_start3A_245 = tpu.memref_slice %arg9[%add3A_237, %dma_start3A_244] : memref<512x32xf32, #tpu.memory_space<vmem>> -> memref<1x32xf32, #tpu.memory_space<vmem>>
      %dma_start3A_246 = arith.constant 0 : i32
      %dma_start3A_247 = tpu.memref_slice %arg3[%squeeze3A_239, %dma_start3A_246] : memref<100000x32xf32, #tpu.memory_space<hbm>> -> memref<1x32xf32, #tpu.memory_space<hbm>>
      tpu.enqueue_dma source(%dma_start3A_247 : memref<1x32xf32, #tpu.memory_space<hbm>>) target(%dma_start3A_245 : memref<1x32xf32, #tpu.memory_space<vmem>>) target_semaphore(%arg14 : memref<!tpu.dma_semaphore, #tpu.memory_space<semaphore_mem>>)
      %add3A_248 = arith.constant 6 : i32
      %add3A_249 = arith.addi %mul3A_175, %add3A_248 : i32
      %slice3A_250 = vector.extract_strided_slice %get3A_177 {offsets = [6], sizes = [1], strides = [1]} : vector<16xi32> to vector<1xi32>
      %squeeze3A_251 = vector.extract %slice3A_250[0] : i32 from vector<1xi32>
      %dma_start3A_252 = arith.constant 0 : i32
      %dma_start3A_253 = tpu.memref_slice %arg9[%add3A_249, %dma_start3A_252] : memref<512x32xf32, #tpu.memory_space<vmem>> -> memref<1x32xf32, #tpu.memory_space<vmem>>
      %dma_start3A_254 = arith.constant 0 : i32
      %dma_start3A_255 = tpu.memref_slice %arg3[%squeeze3A_251, %dma_start3A_254] : memref<100000x32xf32, #tpu.memory_space<hbm>> -> memref<1x32xf32, #tpu.memory_space<hbm>>
      %dma_start3A_256 = arith.constant 0 : i32
      %dma_start3A_257 = tpu.memref_slice %arg9[%add3A_249, %dma_start3A_256] : memref<512x32xf32, #tpu.memory_space<vmem>> -> memref<1x32xf32, #tpu.memory_space<vmem>>
      %dma_start3A_258 = arith.constant 0 : i32
      %dma_start3A_259 = tpu.memref_slice %arg3[%squeeze3A_251, %dma_start3A_258] : memref<100000x32xf32, #tpu.memory_space<hbm>> -> memref<1x32xf32, #tpu.memory_space<hbm>>
      tpu.enqueue_dma source(%dma_start3A_259 : memref<1x32xf32, #tpu.memory_space<hbm>>) target(%dma_start3A_257 : memref<1x32xf32, #tpu.memory_space<vmem>>) target_semaphore(%arg14 : memref<!tpu.dma_semaphore, #tpu.memory_space<semaphore_mem>>)
      %add3A_260 = arith.constant 7 : i32
      %add3A_261 = arith.addi %mul3A_175, %add3A_260 : i32
      %slice3A_262 = vector.extract_strided_slice %get3A_177 {offsets = [7], sizes = [1], strides = [1]} : vector<16xi32> to vector<1xi32>
      %squeeze3A_263 = vector.extract %slice3A_262[0] : i32 from vector<1xi32>
      %dma_start3A_264 = arith.constant 0 : i32
      %dma_start3A_265 = tpu.memref_slice %arg9[%add3A_261, %dma_start3A_264] : memref<512x32xf32, #tpu.memory_space<vmem>> -> memref<1x32xf32, #tpu.memory_space<vmem>>
      %dma_start3A_266 = arith.constant 0 : i32
      %dma_start3A_267 = tpu.memref_slice %arg3[%squeeze3A_263, %dma_start3A_266] : memref<100000x32xf32, #tpu.memory_space<hbm>> -> memref<1x32xf32, #tpu.memory_space<hbm>>
      %dma_start3A_268 = arith.constant 0 : i32
      %dma_start3A_269 = tpu.memref_slice %arg9[%add3A_261, %dma_start3A_268] : memref<512x32xf32, #tpu.memory_space<vmem>> -> memref<1x32xf32, #tpu.memory_space<vmem>>
      %dma_start3A_270 = arith.constant 0 : i32
      %dma_start3A_271 = tpu.memref_slice %arg3[%squeeze3A_263, %dma_start3A_270] : memref<100000x32xf32, #tpu.memory_space<hbm>> -> memref<1x32xf32, #tpu.memory_space<hbm>>
      tpu.enqueue_dma source(%dma_start3A_271 : memref<1x32xf32, #tpu.memory_space<hbm>>) target(%dma_start3A_269 : memref<1x32xf32, #tpu.memory_space<vmem>>) target_semaphore(%arg14 : memref<!tpu.dma_semaphore, #tpu.memory_space<semaphore_mem>>)
      %add3A_272 = arith.constant 8 : i32
      %add3A_273 = arith.addi %mul3A_175, %add3A_272 : i32
      %slice3A_274 = vector.extract_strided_slice %get3A_177 {offsets = [8], sizes = [1], strides = [1]} : vector<16xi32> to vector<1xi32>
      %squeeze3A_275 = vector.extract %slice3A_274[0] : i32 from vector<1xi32>
      %dma_start3A_276 = arith.constant 0 : i32
      %dma_start3A_277 = tpu.memref_slice %arg9[%add3A_273, %dma_start3A_276] : memref<512x32xf32, #tpu.memory_space<vmem>> -> memref<1x32xf32, #tpu.memory_space<vmem>>
      %dma_start3A_278 = arith.constant 0 : i32
      %dma_start3A_279 = tpu.memref_slice %arg3[%squeeze3A_275, %dma_start3A_278] : memref<100000x32xf32, #tpu.memory_space<hbm>> -> memref<1x32xf32, #tpu.memory_space<hbm>>
      %dma_start3A_280 = arith.constant 0 : i32
      %dma_start3A_281 = tpu.memref_slice %arg9[%add3A_273, %dma_start3A_280] : memref<512x32xf32, #tpu.memory_space<vmem>> -> memref<1x32xf32, #tpu.memory_space<vmem>>
      %dma_start3A_282 = arith.constant 0 : i32
      %dma_start3A_283 = tpu.memref_slice %arg3[%squeeze3A_275, %dma_start3A_282] : memref<100000x32xf32, #tpu.memory_space<hbm>> -> memref<1x32xf32, #tpu.memory_space<hbm>>
      tpu.enqueue_dma source(%dma_start3A_283 : memref<1x32xf32, #tpu.memory_space<hbm>>) target(%dma_start3A_281 : memref<1x32xf32, #tpu.memory_space<vmem>>) target_semaphore(%arg14 : memref<!tpu.dma_semaphore, #tpu.memory_space<semaphore_mem>>)
      %add3A_284 = arith.constant 9 : i32
      %add3A_285 = arith.addi %mul3A_175, %add3A_284 : i32
      %slice3A_286 = vector.extract_strided_slice %get3A_177 {offsets = [9], sizes = [1], strides = [1]} : vector<16xi32> to vector<1xi32>
      %squeeze3A_287 = vector.extract %slice3A_286[0] : i32 from vector<1xi32>
      %dma_start3A_288 = arith.constant 0 : i32
      %dma_start3A_289 = tpu.memref_slice %arg9[%add3A_285, %dma_start3A_288] : memref<512x32xf32, #tpu.memory_space<vmem>> -> memref<1x32xf32, #tpu.memory_space<vmem>>
      %dma_start3A_290 = arith.constant 0 : i32
      %dma_start3A_291 = tpu.memref_slice %arg3[%squeeze3A_287, %dma_start3A_290] : memref<100000x32xf32, #tpu.memory_space<hbm>> -> memref<1x32xf32, #tpu.memory_space<hbm>>
      %dma_start3A_292 = arith.constant 0 : i32
      %dma_start3A_293 = tpu.memref_slice %arg9[%add3A_285, %dma_start3A_292] : memref<512x32xf32, #tpu.memory_space<vmem>> -> memref<1x32xf32, #tpu.memory_space<vmem>>
      %dma_start3A_294 = arith.constant 0 : i32
      %dma_start3A_295 = tpu.memref_slice %arg3[%squeeze3A_287, %dma_start3A_294] : memref<100000x32xf32, #tpu.memory_space<hbm>> -> memref<1x32xf32, #tpu.memory_space<hbm>>
      tpu.enqueue_dma source(%dma_start3A_295 : memref<1x32xf32, #tpu.memory_space<hbm>>) target(%dma_start3A_293 : memref<1x32xf32, #tpu.memory_space<vmem>>) target_semaphore(%arg14 : memref<!tpu.dma_semaphore, #tpu.memory_space<semaphore_mem>>)
      %add3A_296 = arith.constant 10 : i32
      %add3A_297 = arith.addi %mul3A_175, %add3A_296 : i32
      %slice3A_298 = vector.extract_strided_slice %get3A_177 {offsets = [10], sizes = [1], strides = [1]} : vector<16xi32> to vector<1xi32>
      %squeeze3A_299 = vector.extract %slice3A_298[0] : i32 from vector<1xi32>
      %dma_start3A_300 = arith.constant 0 : i32
      %dma_start3A_301 = tpu.memref_slice %arg9[%add3A_297, %dma_start3A_300] : memref<512x32xf32, #tpu.memory_space<vmem>> -> memref<1x32xf32, #tpu.memory_space<vmem>>
      %dma_start3A_302 = arith.constant 0 : i32
      %dma_start3A_303 = tpu.memref_slice %arg3[%squeeze3A_299, %dma_start3A_302] : memref<100000x32xf32, #tpu.memory_space<hbm>> -> memref<1x32xf32, #tpu.memory_space<hbm>>
      %dma_start3A_304 = arith.constant 0 : i32
      %dma_start3A_305 = tpu.memref_slice %arg9[%add3A_297, %dma_start3A_304] : memref<512x32xf32, #tpu.memory_space<vmem>> -> memref<1x32xf32, #tpu.memory_space<vmem>>
      %dma_start3A_306 = arith.constant 0 : i32
      %dma_start3A_307 = tpu.memref_slice %arg3[%squeeze3A_299, %dma_start3A_306] : memref<100000x32xf32, #tpu.memory_space<hbm>> -> memref<1x32xf32, #tpu.memory_space<hbm>>
      tpu.enqueue_dma source(%dma_start3A_307 : memref<1x32xf32, #tpu.memory_space<hbm>>) target(%dma_start3A_305 : memref<1x32xf32, #tpu.memory_space<vmem>>) target_semaphore(%arg14 : memref<!tpu.dma_semaphore, #tpu.memory_space<semaphore_mem>>)
      %add3A_308 = arith.constant 11 : i32
      %add3A_309 = arith.addi %mul3A_175, %add3A_308 : i32
      %slice3A_310 = vector.extract_strided_slice %get3A_177 {offsets = [11], sizes = [1], strides = [1]} : vector<16xi32> to vector<1xi32>
      %squeeze3A_311 = vector.extract %slice3A_310[0] : i32 from vector<1xi32>
      %dma_start3A_312 = arith.constant 0 : i32
      %dma_start3A_313 = tpu.memref_slice %arg9[%add3A_309, %dma_start3A_312] : memref<512x32xf32, #tpu.memory_space<vmem>> -> memref<1x32xf32, #tpu.memory_space<vmem>>
      %dma_start3A_314 = arith.constant 0 : i32
      %dma_start3A_315 = tpu.memref_slice %arg3[%squeeze3A_311, %dma_start3A_314] : memref<100000x32xf32, #tpu.memory_space<hbm>> -> memref<1x32xf32, #tpu.memory_space<hbm>>
      %dma_start3A_316 = arith.constant 0 : i32
      %dma_start3A_317 = tpu.memref_slice %arg9[%add3A_309, %dma_start3A_316] : memref<512x32xf32, #tpu.memory_space<vmem>> -> memref<1x32xf32, #tpu.memory_space<vmem>>
      %dma_start3A_318 = arith.constant 0 : i32
      %dma_start3A_319 = tpu.memref_slice %arg3[%squeeze3A_311, %dma_start3A_318] : memref<100000x32xf32, #tpu.memory_space<hbm>> -> memref<1x32xf32, #tpu.memory_space<hbm>>
      tpu.enqueue_dma source(%dma_start3A_319 : memref<1x32xf32, #tpu.memory_space<hbm>>) target(%dma_start3A_317 : memref<1x32xf32, #tpu.memory_space<vmem>>) target_semaphore(%arg14 : memref<!tpu.dma_semaphore, #tpu.memory_space<semaphore_mem>>)
      %add3A_320 = arith.constant 12 : i32
      %add3A_321 = arith.addi %mul3A_175, %add3A_320 : i32
      %slice3A_322 = vector.extract_strided_slice %get3A_177 {offsets = [12], sizes = [1], strides = [1]} : vector<16xi32> to vector<1xi32>
      %squeeze3A_323 = vector.extract %slice3A_322[0] : i32 from vector<1xi32>
      %dma_start3A_324 = arith.constant 0 : i32
      %dma_start3A_325 = tpu.memref_slice %arg9[%add3A_321, %dma_start3A_324] : memref<512x32xf32, #tpu.memory_space<vmem>> -> memref<1x32xf32, #tpu.memory_space<vmem>>
      %dma_start3A_326 = arith.constant 0 : i32
      %dma_start3A_327 = tpu.memref_slice %arg3[%squeeze3A_323, %dma_start3A_326] : memref<100000x32xf32, #tpu.memory_space<hbm>> -> memref<1x32xf32, #tpu.memory_space<hbm>>
      %dma_start3A_328 = arith.constant 0 : i32
      %dma_start3A_329 = tpu.memref_slice %arg9[%add3A_321, %dma_start3A_328] : memref<512x32xf32, #tpu.memory_space<vmem>> -> memref<1x32xf32, #tpu.memory_space<vmem>>
      %dma_start3A_330 = arith.constant 0 : i32
      %dma_start3A_331 = tpu.memref_slice %arg3[%squeeze3A_323, %dma_start3A_330] : memref<100000x32xf32, #tpu.memory_space<hbm>> -> memref<1x32xf32, #tpu.memory_space<hbm>>
      tpu.enqueue_dma source(%dma_start3A_331 : memref<1x32xf32, #tpu.memory_space<hbm>>) target(%dma_start3A_329 : memref<1x32xf32, #tpu.memory_space<vmem>>) target_semaphore(%arg14 : memref<!tpu.dma_semaphore, #tpu.memory_space<semaphore_mem>>)
      %add3A_332 = arith.constant 13 : i32
      %add3A_333 = arith.addi %mul3A_175, %add3A_332 : i32
      %slice3A_334 = vector.extract_strided_slice %get3A_177 {offsets = [13], sizes = [1], strides = [1]} : vector<16xi32> to vector<1xi32>
      %squeeze3A_335 = vector.extract %slice3A_334[0] : i32 from vector<1xi32>
      %dma_start3A_336 = arith.constant 0 : i32
      %dma_start3A_337 = tpu.memref_slice %arg9[%add3A_333, %dma_start3A_336] : memref<512x32xf32, #tpu.memory_space<vmem>> -> memref<1x32xf32, #tpu.memory_space<vmem>>
      %dma_start3A_338 = arith.constant 0 : i32
      %dma_start3A_339 = tpu.memref_slice %arg3[%squeeze3A_335, %dma_start3A_338] : memref<100000x32xf32, #tpu.memory_space<hbm>> -> memref<1x32xf32, #tpu.memory_space<hbm>>
      %dma_start3A_340 = arith.constant 0 : i32
      %dma_start3A_341 = tpu.memref_slice %arg9[%add3A_333, %dma_start3A_340] : memref<512x32xf32, #tpu.memory_space<vmem>> -> memref<1x32xf32, #tpu.memory_space<vmem>>
      %dma_start3A_342 = arith.constant 0 : i32
      %dma_start3A_343 = tpu.memref_slice %arg3[%squeeze3A_335, %dma_start3A_342] : memref<100000x32xf32, #tpu.memory_space<hbm>> -> memref<1x32xf32, #tpu.memory_space<hbm>>
      tpu.enqueue_dma source(%dma_start3A_343 : memref<1x32xf32, #tpu.memory_space<hbm>>) target(%dma_start3A_341 : memref<1x32xf32, #tpu.memory_space<vmem>>) target_semaphore(%arg14 : memref<!tpu.dma_semaphore, #tpu.memory_space<semaphore_mem>>)
      %add3A_344 = arith.constant 14 : i32
      %add3A_345 = arith.addi %mul3A_175, %add3A_344 : i32
      %slice3A_346 = vector.extract_strided_slice %get3A_177 {offsets = [14], sizes = [1], strides = [1]} : vector<16xi32> to vector<1xi32>
      %squeeze3A_347 = vector.extract %slice3A_346[0] : i32 from vector<1xi32>
      %dma_start3A_348 = arith.constant 0 : i32
      %dma_start3A_349 = tpu.memref_slice %arg9[%add3A_345, %dma_start3A_348] : memref<512x32xf32, #tpu.memory_space<vmem>> -> memref<1x32xf32, #tpu.memory_space<vmem>>
      %dma_start3A_350 = arith.constant 0 : i32
      %dma_start3A_351 = tpu.memref_slice %arg3[%squeeze3A_347, %dma_start3A_350] : memref<100000x32xf32, #tpu.memory_space<hbm>> -> memref<1x32xf32, #tpu.memory_space<hbm>>
      %dma_start3A_352 = arith.constant 0 : i32
      %dma_start3A_353 = tpu.memref_slice %arg9[%add3A_345, %dma_start3A_352] : memref<512x32xf32, #tpu.memory_space<vmem>> -> memref<1x32xf32, #tpu.memory_space<vmem>>
      %dma_start3A_354 = arith.constant 0 : i32
      %dma_start3A_355 = tpu.memref_slice %arg3[%squeeze3A_347, %dma_start3A_354] : memref<100000x32xf32, #tpu.memory_space<hbm>> -> memref<1x32xf32, #tpu.memory_space<hbm>>
      tpu.enqueue_dma source(%dma_start3A_355 : memref<1x32xf32, #tpu.memory_space<hbm>>) target(%dma_start3A_353 : memref<1x32xf32, #tpu.memory_space<vmem>>) target_semaphore(%arg14 : memref<!tpu.dma_semaphore, #tpu.memory_space<semaphore_mem>>)
      %add3A_356 = arith.constant 15 : i32
      %add3A_357 = arith.addi %mul3A_175, %add3A_356 : i32
      %slice3A_358 = vector.extract_strided_slice %get3A_177 {offsets = [15], sizes = [1], strides = [1]} : vector<16xi32> to vector<1xi32>
      %squeeze3A_359 = vector.extract %slice3A_358[0] : i32 from vector<1xi32>
      %dma_start3A_360 = arith.constant 0 : i32
      %dma_start3A_361 = tpu.memref_slice %arg9[%add3A_357, %dma_start3A_360] : memref<512x32xf32, #tpu.memory_space<vmem>> -> memref<1x32xf32, #tpu.memory_space<vmem>>
      %dma_start3A_362 = arith.constant 0 : i32
      %dma_start3A_363 = tpu.memref_slice %arg3[%squeeze3A_359, %dma_start3A_362] : memref<100000x32xf32, #tpu.memory_space<hbm>> -> memref<1x32xf32, #tpu.memory_space<hbm>>
      %dma_start3A_364 = arith.constant 0 : i32
      %dma_start3A_365 = tpu.memref_slice %arg9[%add3A_357, %dma_start3A_364] : memref<512x32xf32, #tpu.memory_space<vmem>> -> memref<1x32xf32, #tpu.memory_space<vmem>>
      %dma_start3A_366 = arith.constant 0 : i32
      %dma_start3A_367 = tpu.memref_slice %arg3[%squeeze3A_359, %dma_start3A_366] : memref<100000x32xf32, #tpu.memory_space<hbm>> -> memref<1x32xf32, #tpu.memory_space<hbm>>
      tpu.enqueue_dma source(%dma_start3A_367 : memref<1x32xf32, #tpu.memory_space<hbm>>) target(%dma_start3A_365 : memref<1x32xf32, #tpu.memory_space<vmem>>) target_semaphore(%arg14 : memref<!tpu.dma_semaphore, #tpu.memory_space<semaphore_mem>>)
    }
    %scan3A_14 = arith.constant 32 : i32
    %dma_wait3A = arith.constant 0 : i32
    %dma_wait3A_15 = tpu.memref_slice %arg4[%dma_wait3A] : memref<100000xf32, #tpu.memory_space<hbm>> -> memref<100000xf32, #tpu.memory_space<hbm>>
    tpu.wait_indirect_dma semaphore(%arg15 : memref<!tpu.dma_semaphore, #tpu.memory_space<semaphore_mem>>) src(%dma_wait3A_15 : memref<100000xf32, #tpu.memory_space<hbm>>) dst(%arg11 : memref<512xf32, #tpu.memory_space<vmem>>)
    %dma_wait3A_16 = tpu.memref_slice %arg5[%mul3A_5] : memref<524288xf32, #tpu.memory_space<hbm>> -> memref<16384xf32, #tpu.memory_space<hbm>>
    %dma_wait3A_17 = tpu.memref_slice %arg5[%mul3A_5] : memref<524288xf32, #tpu.memory_space<hbm>> -> memref<16384xf32, #tpu.memory_space<hbm>>
    tpu.wait_dma2 semaphore(%arg15 : memref<!tpu.dma_semaphore, #tpu.memory_space<semaphore_mem>>) src(%dma_wait3A_17 : memref<16384xf32, #tpu.memory_space<hbm>>) dst(%arg10 : memref<16384xf32, #tpu.memory_space<vmem>>)
    %dma_wait3A_18 = tpu.memref_slice %arg6[%mul3A_2] : memref<16384xf32, #tpu.memory_space<hbm>> -> memref<512xf32, #tpu.memory_space<hbm>>
    %dma_wait3A_19 = tpu.memref_slice %arg6[%mul3A_2] : memref<16384xf32, #tpu.memory_space<hbm>> -> memref<512xf32, #tpu.memory_space<hbm>>
    tpu.wait_dma2 semaphore(%arg15 : memref<!tpu.dma_semaphore, #tpu.memory_space<semaphore_mem>>) src(%dma_wait3A_19 : memref<512xf32, #tpu.memory_space<hbm>>) dst(%arg12 : memref<512xf32, #tpu.memory_space<vmem>>)
    %dma_wait3A_20 = arith.constant 0 : i32
    %dma_wait3A_21 = arith.constant 0 : i32
    %dma_wait3A_22 = tpu.memref_slice %arg3[%dma_wait3A_20, %dma_wait3A_21] : memref<100000x32xf32, #tpu.memory_space<hbm>> -> memref<512x32xf32, #tpu.memory_space<hbm>>
    %dma_wait3A_23 = arith.constant 0 : i32
    %dma_wait3A_24 = arith.constant 0 : i32
    %dma_wait3A_25 = tpu.memref_slice %arg3[%dma_wait3A_23, %dma_wait3A_24] : memref<100000x32xf32, #tpu.memory_space<hbm>> -> memref<512x32xf32, #tpu.memory_space<hbm>>
    tpu.wait_dma2 semaphore(%arg14 : memref<!tpu.dma_semaphore, #tpu.memory_space<semaphore_mem>>) src(%dma_wait3A_25 : memref<512x32xf32, #tpu.memory_space<hbm>>) dst(%arg9 : memref<512x32xf32, #tpu.memory_space<vmem>>)
    %iota3A = tpu.iota {dimensions = array<i32: 0>} : vector<16xi32>
    %eq3A = arith.constant 0 : i32
    %eq3A_26 = vector.broadcast %eq3A : i32 to vector<16xi32>
    %eq3A_27 = arith.cmpi eq, %iota3A, %eq3A_26 : vector<16xi32>
    %eq3A_28 = arith.constant 1 : i32
    %eq3A_29 = vector.broadcast %eq3A_28 : i32 to vector<16xi32>
    %eq3A_30 = arith.cmpi eq, %iota3A, %eq3A_29 : vector<16xi32>
    %eq3A_31 = arith.constant 2 : i32
    %eq3A_32 = vector.broadcast %eq3A_31 : i32 to vector<16xi32>
    %eq3A_33 = arith.cmpi eq, %iota3A, %eq3A_32 : vector<16xi32>
    %eq3A_34 = arith.constant 3 : i32
    %eq3A_35 = vector.broadcast %eq3A_34 : i32 to vector<16xi32>
    %eq3A_36 = arith.cmpi eq, %iota3A, %eq3A_35 : vector<16xi32>
    %eq3A_37 = arith.constant 4 : i32
    %eq3A_38 = vector.broadcast %eq3A_37 : i32 to vector<16xi32>
    %eq3A_39 = arith.cmpi eq, %iota3A, %eq3A_38 : vector<16xi32>
    %eq3A_40 = arith.constant 5 : i32
    %eq3A_41 = vector.broadcast %eq3A_40 : i32 to vector<16xi32>
    %eq3A_42 = arith.cmpi eq, %iota3A, %eq3A_41 : vector<16xi32>
    %eq3A_43 = arith.constant 6 : i32
    %eq3A_44 = vector.broadcast %eq3A_43 : i32 to vector<16xi32>
    %eq3A_45 = arith.cmpi eq, %iota3A, %eq3A_44 : vector<16xi32>
    %eq3A_46 = arith.constant 7 : i32
    %eq3A_47 = vector.broadcast %eq3A_46 : i32 to vector<16xi32>
    %eq3A_48 = arith.cmpi eq, %iota3A, %eq3A_47 : vector<16xi32>
    %eq3A_49 = arith.constant 8 : i32
    %eq3A_50 = vector.broadcast %eq3A_49 : i32 to vector<16xi32>
    %eq3A_51 = arith.cmpi eq, %iota3A, %eq3A_50 : vector<16xi32>
    %eq3A_52 = arith.constant 9 : i32
    %eq3A_53 = vector.broadcast %eq3A_52 : i32 to vector<16xi32>
    %eq3A_54 = arith.cmpi eq, %iota3A, %eq3A_53 : vector<16xi32>
    %eq3A_55 = arith.constant 10 : i32
    %eq3A_56 = vector.broadcast %eq3A_55 : i32 to vector<16xi32>
    %eq3A_57 = arith.cmpi eq, %iota3A, %eq3A_56 : vector<16xi32>
    %eq3A_58 = arith.constant 11 : i32
    %eq3A_59 = vector.broadcast %eq3A_58 : i32 to vector<16xi32>
    %eq3A_60 = arith.cmpi eq, %iota3A, %eq3A_59 : vector<16xi32>
    %eq3A_61 = arith.constant 12 : i32
    %eq3A_62 = vector.broadcast %eq3A_61 : i32 to vector<16xi32>
    %eq3A_63 = arith.cmpi eq, %iota3A, %eq3A_62 : vector<16xi32>
    %eq3A_64 = arith.constant 13 : i32
    %eq3A_65 = vector.broadcast %eq3A_64 : i32 to vector<16xi32>
    %eq3A_66 = arith.cmpi eq, %iota3A, %eq3A_65 : vector<16xi32>
    %eq3A_67 = arith.constant 14 : i32
    %eq3A_68 = vector.broadcast %eq3A_67 : i32 to vector<16xi32>
    %eq3A_69 = arith.cmpi eq, %iota3A, %eq3A_68 : vector<16xi32>
    %eq3A_70 = arith.constant 15 : i32
    %eq3A_71 = vector.broadcast %eq3A_70 : i32 to vector<16xi32>
    %eq3A_72 = arith.cmpi eq, %iota3A, %eq3A_71 : vector<16xi32>
    %add3A_73 = arith.constant 8 : i32
    %add3A_74 = vector.broadcast %add3A_73 : i32 to vector<16xi32>
    %add3A_75 = arith.addi %iota3A, %add3A_74 : vector<16xi32>
    %jit3A = arith.constant 16 : i32
    %eq3A_76 = arith.constant 0 : i32
    %eq3A_77 = arith.cmpi eq, %jit3A, %eq3A_76 : i32
    %jit3A_78 = arith.constant 1 : i32
    %select_n3A = arith.select %eq3A_77, %jit3A_78, %jit3A : i32
    %rem3A = vector.broadcast %select_n3A : i32 to vector<16xi32>
    %rem3A_79 = arith.remsi %add3A_75, %rem3A : vector<16xi32>
    %ne3A = arith.constant 0 : i32
    %ne3A_80 = vector.broadcast %ne3A : i32 to vector<16xi32>
    %ne3A_81 = arith.cmpi ne, %rem3A_79, %ne3A_80 : vector<16xi32>
    %lt3A = arith.constant 0 : i32
    %lt3A_82 = vector.broadcast %lt3A : i32 to vector<16xi32>
    %lt3A_83 = arith.cmpi slt, %rem3A_79, %lt3A_82 : vector<16xi32>
    %lt3A_84 = arith.constant 0 : i32
    %lt3A_85 = arith.cmpi slt, %select_n3A, %lt3A_84 : i32
    %ne3A_86 = vector.broadcast %lt3A_85 : i1 to vector<16xi1>
    %ne3A_87 = vector.broadcast %ne3A_86 : vector<16xi1> to vector<16xi1>
    %ne3A_88 = arith.xori %lt3A_83, %ne3A_87 : vector<16xi1>
    %and3A = arith.andi %ne3A_88, %ne3A_81 : vector<16xi1>
    %add3A_89 = vector.broadcast %select_n3A : i32 to vector<16xi32>
    %add3A_90 = arith.addi %rem3A_79, %add3A_89 : vector<16xi32>
    %select_n3A_91 = arith.select %and3A, %add3A_90, %rem3A_79 : vector<16xi1>, vector<16xi32>
    %add3A_92 = arith.constant 4 : i32
    %add3A_93 = vector.broadcast %add3A_92 : i32 to vector<16xi32>
    %add3A_94 = arith.addi %iota3A, %add3A_93 : vector<16xi32>
    %jit3A_95 = arith.constant 16 : i32
    %eq3A_96 = arith.constant 0 : i32
    %eq3A_97 = arith.cmpi eq, %jit3A_95, %eq3A_96 : i32
    %jit3A_98 = arith.constant 1 : i32
    %select_n3A_99 = arith.select %eq3A_97, %jit3A_98, %jit3A_95 : i32
    %rem3A_100 = vector.broadcast %select_n3A_99 : i32 to vector<16xi32>
    %rem3A_101 = arith.remsi %add3A_94, %rem3A_100 : vector<16xi32>
    %ne3A_102 = arith.constant 0 : i32
    %ne3A_103 = vector.broadcast %ne3A_102 : i32 to vector<16xi32>
    %ne3A_104 = arith.cmpi ne, %rem3A_101, %ne3A_103 : vector<16xi32>
    %lt3A_105 = arith.constant 0 : i32
    %lt3A_106 = vector.broadcast %lt3A_105 : i32 to vector<16xi32>
    %lt3A_107 = arith.cmpi slt, %rem3A_101, %lt3A_106 : vector<16xi32>
    %lt3A_108 = arith.constant 0 : i32
    %lt3A_109 = arith.cmpi slt, %select_n3A_99, %lt3A_108 : i32
    %ne3A_110 = vector.broadcast %lt3A_109 : i1 to vector<16xi1>
    %ne3A_111 = vector.broadcast %ne3A_110 : vector<16xi1> to vector<16xi1>
    %ne3A_112 = arith.xori %lt3A_107, %ne3A_111 : vector<16xi1>
    %and3A_113 = arith.andi %ne3A_112, %ne3A_104 : vector<16xi1>
    %add3A_114 = vector.broadcast %select_n3A_99 : i32 to vector<16xi32>
    %add3A_115 = arith.addi %rem3A_101, %add3A_114 : vector<16xi32>
    %select_n3A_116 = arith.select %and3A_113, %add3A_115, %rem3A_101 : vector<16xi1>, vector<16xi32>
    %add3A_117 = arith.constant 2 : i32
    %add3A_118 = vector.broadcast %add3A_117 : i32 to vector<16xi32>
    %add3A_119 = arith.addi %iota3A, %add3A_118 : vector<16xi32>
    %jit3A_120 = arith.constant 16 : i32
    %eq3A_121 = arith.constant 0 : i32
    %eq3A_122 = arith.cmpi eq, %jit3A_120, %eq3A_121 : i32
    %jit3A_123 = arith.constant 1 : i32
    %select_n3A_124 = arith.select %eq3A_122, %jit3A_123, %jit3A_120 : i32
    %rem3A_125 = vector.broadcast %select_n3A_124 : i32 to vector<16xi32>
    %rem3A_126 = arith.remsi %add3A_119, %rem3A_125 : vector<16xi32>
    %ne3A_127 = arith.constant 0 : i32
    %ne3A_128 = vector.broadcast %ne3A_127 : i32 to vector<16xi32>
    %ne3A_129 = arith.cmpi ne, %rem3A_126, %ne3A_128 : vector<16xi32>
    %lt3A_130 = arith.constant 0 : i32
    %lt3A_131 = vector.broadcast %lt3A_130 : i32 to vector<16xi32>
    %lt3A_132 = arith.cmpi slt, %rem3A_126, %lt3A_131 : vector<16xi32>
    %lt3A_133 = arith.constant 0 : i32
    %lt3A_134 = arith.cmpi slt, %select_n3A_124, %lt3A_133 : i32
    %ne3A_135 = vector.broadcast %lt3A_134 : i1 to vector<16xi1>
    %ne3A_136 = vector.broadcast %ne3A_135 : vector<16xi1> to vector<16xi1>
    %ne3A_137 = arith.xori %lt3A_132, %ne3A_136 : vector<16xi1>
    %and3A_138 = arith.andi %ne3A_137, %ne3A_129 : vector<16xi1>
    %add3A_139 = vector.broadcast %select_n3A_124 : i32 to vector<16xi32>
    %add3A_140 = arith.addi %rem3A_126, %add3A_139 : vector<16xi32>
    %select_n3A_141 = arith.select %and3A_138, %add3A_140, %rem3A_126 : vector<16xi1>, vector<16xi32>
    %add3A_142 = arith.constant 1 : i32
    %add3A_143 = vector.broadcast %add3A_142 : i32 to vector<16xi32>
    %add3A_144 = arith.addi %iota3A, %add3A_143 : vector<16xi32>
    %jit3A_145 = arith.constant 16 : i32
    %eq3A_146 = arith.constant 0 : i32
    %eq3A_147 = arith.cmpi eq, %jit3A_145, %eq3A_146 : i32
    %jit3A_148 = arith.constant 1 : i32
    %select_n3A_149 = arith.select %eq3A_147, %jit3A_148, %jit3A_145 : i32
    %rem3A_150 = vector.broadcast %select_n3A_149 : i32 to vector<16xi32>
    %rem3A_151 = arith.remsi %add3A_144, %rem3A_150 : vector<16xi32>
    %ne3A_152 = arith.constant 0 : i32
    %ne3A_153 = vector.broadcast %ne3A_152 : i32 to vector<16xi32>
    %ne3A_154 = arith.cmpi ne, %rem3A_151, %ne3A_153 : vector<16xi32>
    %lt3A_155 = arith.constant 0 : i32
    %lt3A_156 = vector.broadcast %lt3A_155 : i32 to vector<16xi32>
    %lt3A_157 = arith.cmpi slt, %rem3A_151, %lt3A_156 : vector<16xi32>
    %lt3A_158 = arith.constant 0 : i32
    %lt3A_159 = arith.cmpi slt, %select_n3A_149, %lt3A_158 : i32
    %ne3A_160 = vector.broadcast %lt3A_159 : i1 to vector<16xi1>
    %ne3A_161 = vector.broadcast %ne3A_160 : vector<16xi1> to vector<16xi1>
    %ne3A_162 = arith.xori %lt3A_157, %ne3A_161 : vector<16xi1>
    %and3A_163 = arith.andi %ne3A_162, %ne3A_154 : vector<16xi1>
    %add3A_164 = vector.broadcast %select_n3A_149 : i32 to vector<16xi32>
    %add3A_165 = arith.addi %rem3A_151, %add3A_164 : vector<16xi32>
    %select_n3A_166 = arith.select %and3A_163, %add3A_165, %rem3A_151 : vector<16xi1>, vector<16xi32>
    %scan3A_167 = arith.constant 0 : i32
    %scan3A_168 = arith.constant 0 : i32
    %scan3A_169 = arith.constant 32 : i32
    %scan3A_170 = arith.addi %scan3A_168, %scan3A_169 : i32
    %scan3A_171 = arith.constant 1 : i32
    scf.for %scan3A_173 = %scan3A_168 to %scan3A_170 step %scan3A_171  : i32 {
      %mul3A_174 = arith.constant 16 : i32
      %mul3A_175 = arith.muli %scan3A_173, %mul3A_174 : i32
      %get3A = arith.index_cast %mul3A_175 : i32 to index
      %get3A_176 = tpu.vector_load %arg11[%get3A] {strides = array<i32>} : memref<512xf32, #tpu.memory_space<vmem>>, vector<16xf32>,
      %get3A_177 = vector.shape_cast %get3A_176 : vector<16xf32> to vector<16xf32>
      %get3A_178 = arith.index_cast %mul3A_175 : i32 to index
      %get3A_179 = tpu.vector_load %arg12[%get3A_178] {strides = array<i32>} : memref<512xf32, #tpu.memory_space<vmem>>, vector<16xf32>,
      %get3A_180 = vector.shape_cast %get3A_179 : vector<16xf32> to vector<16xf32>
      %add3A_181 = arith.addf %get3A_177, %get3A_180 : vector<16xf32>
      %add3A_182 = arith.constant 0 : i32
      %add3A_183 = arith.addi %mul3A_175, %add3A_182 : i32
      %mul3A_184 = arith.constant 32 : i32
      %mul3A_185 = arith.muli %add3A_183, %mul3A_184 : i32
      %multiple_of3A = tpu.assume_multiple %mul3A_185, 8 : i32
      %get3A_186 = arith.index_cast %multiple_of3A : i32 to index
      %get3A_187 = tpu.vector_load %arg10[%get3A_186] {strides = array<i32>} : memref<16384xf32, #tpu.memory_space<vmem>>, vector<16xf32>,
      %get3A_188 = vector.shape_cast %get3A_187 : vector<16xf32> to vector<16xf32>
      %get3A_189 = arith.index_cast %add3A_183 : i32 to index
      %get3A_190 = arith.constant 0 : index
      %get3A_191 = tpu.vector_load %arg9[%get3A_189, %get3A_190] {strides = array<i32>} : memref<512x32xf32, #tpu.memory_space<vmem>>, vector<1x16xf32>,
      %get3A_192 = vector.shape_cast %get3A_191 : vector<1x16xf32> to vector<16xf32>
      %mul3A_193 = arith.mulf %get3A_188, %get3A_192 : vector<16xf32>
      %add3A_194 = arith.constant 16 : i32
      %add3A_195 = arith.addi %multiple_of3A, %add3A_194 : i32
      %get3A_196 = arith.index_cast %add3A_195 : i32 to index
      %get3A_197 = tpu.vector_load %arg10[%get3A_196] {strides = array<i32>} : memref<16384xf32, #tpu.memory_space<vmem>>, vector<16xf32>,
      %get3A_198 = vector.shape_cast %get3A_197 : vector<16xf32> to vector<16xf32>
      %get3A_199 = arith.index_cast %add3A_183 : i32 to index
      %get3A_200 = arith.constant 16 : index
      %get3A_201 = tpu.vector_load %arg9[%get3A_199, %get3A_200] {strides = array<i32>} : memref<512x32xf32, #tpu.memory_space<vmem>>, vector<1x16xf32>,
      %get3A_202 = vector.shape_cast %get3A_201 : vector<1x16xf32> to vector<16xf32>
      %mul3A_203 = arith.mulf %get3A_198, %get3A_202 : vector<16xf32>
      %add3A_204 = arith.addf %mul3A_193, %mul3A_203 : vector<16xf32>
      %broadcast_in_dim3A = vector.shape_cast %select_n3A_91 : vector<16xi32> to vector<16x1xi32>
      %gather3A = vector.shape_cast %broadcast_in_dim3A : vector<16x1xi32> to vector<16xi32>
      %gather3A_205 = tpu.dynamic_gather %add3A_204[%gather3A] in [0] : vector<16xf32>, vector<16xi32> -> vector<16xf32>
      %add3A_206 = arith.addf %add3A_204, %gather3A_205 : vector<16xf32>
      %broadcast_in_dim3A_207 = vector.shape_cast %select_n3A_116 : vector<16xi32> to vector<16x1xi32>
      %gather3A_208 = vector.shape_cast %broadcast_in_dim3A_207 : vector<16x1xi32> to vector<16xi32>
      %gather3A_209 = tpu.dynamic_gather %add3A_206[%gather3A_208] in [0] : vector<16xf32>, vector<16xi32> -> vector<16xf32>
      %add3A_210 = arith.addf %add3A_206, %gather3A_209 : vector<16xf32>
      %broadcast_in_dim3A_211 = vector.shape_cast %select_n3A_141 : vector<16xi32> to vector<16x1xi32>
      %gather3A_212 = vector.shape_cast %broadcast_in_dim3A_211 : vector<16x1xi32> to vector<16xi32>
      %gather3A_213 = tpu.dynamic_gather %add3A_210[%gather3A_212] in [0] : vector<16xf32>, vector<16xi32> -> vector<16xf32>
      %add3A_214 = arith.addf %add3A_210, %gather3A_213 : vector<16xf32>
      %broadcast_in_dim3A_215 = vector.shape_cast %select_n3A_166 : vector<16xi32> to vector<16x1xi32>
      %gather3A_216 = vector.shape_cast %broadcast_in_dim3A_215 : vector<16x1xi32> to vector<16xi32>
      %gather3A_217 = tpu.dynamic_gather %add3A_214[%gather3A_216] in [0] : vector<16xf32>, vector<16xi32> -> vector<16xf32>
      %add3A_218 = arith.addf %add3A_214, %gather3A_217 : vector<16xf32>
      %jit3A_219 = arith.constant 0.000000e+00 : f32
      %broadcast_in_dim3A_220 = vector.broadcast %jit3A_219 : f32 to vector<16xf32>
      %select_n3A_221 = arith.select %eq3A_27, %add3A_218, %broadcast_in_dim3A_220 : vector<16xi1>, vector<16xf32>
      %add3A_222 = arith.addf %add3A_181, %select_n3A_221 : vector<16xf32>
      %add3A_223 = arith.constant 1 : i32
      %add3A_224 = arith.addi %mul3A_175, %add3A_223 : i32
      %mul3A_225 = arith.constant 32 : i32
      %mul3A_226 = arith.muli %add3A_224, %mul3A_225 : i32
      %multiple_of3A_227 = tpu.assume_multiple %mul3A_226, 8 : i32
      %get3A_228 = arith.index_cast %multiple_of3A_227 : i32 to index
      %get3A_229 = tpu.vector_load %arg10[%get3A_228] {strides = array<i32>} : memref<16384xf32, #tpu.memory_space<vmem>>, vector<16xf32>,
      %get3A_230 = vector.shape_cast %get3A_229 : vector<16xf32> to vector<16xf32>
      %get3A_231 = arith.index_cast %add3A_224 : i32 to index
      %get3A_232 = arith.constant 0 : index
      %get3A_233 = tpu.vector_load %arg9[%get3A_231, %get3A_232] {strides = array<i32>} : memref<512x32xf32, #tpu.memory_space<vmem>>, vector<1x16xf32>,
      %get3A_234 = vector.shape_cast %get3A_233 : vector<1x16xf32> to vector<16xf32>
      %mul3A_235 = arith.mulf %get3A_230, %get3A_234 : vector<16xf32>
      %add3A_236 = arith.constant 16 : i32
      %add3A_237 = arith.addi %multiple_of3A_227, %add3A_236 : i32
      %get3A_238 = arith.index_cast %add3A_237 : i32 to index
      %get3A_239 = tpu.vector_load %arg10[%get3A_238] {strides = array<i32>} : memref<16384xf32, #tpu.memory_space<vmem>>, vector<16xf32>,
      %get3A_240 = vector.shape_cast %get3A_239 : vector<16xf32> to vector<16xf32>
      %get3A_241 = arith.index_cast %add3A_224 : i32 to index
      %get3A_242 = arith.constant 16 : index
      %get3A_243 = tpu.vector_load %arg9[%get3A_241, %get3A_242] {strides = array<i32>} : memref<512x32xf32, #tpu.memory_space<vmem>>, vector<1x16xf32>,
      %get3A_244 = vector.shape_cast %get3A_243 : vector<1x16xf32> to vector<16xf32>
      %mul3A_245 = arith.mulf %get3A_240, %get3A_244 : vector<16xf32>
      %add3A_246 = arith.addf %mul3A_235, %mul3A_245 : vector<16xf32>
      %broadcast_in_dim3A_247 = vector.shape_cast %select_n3A_91 : vector<16xi32> to vector<16x1xi32>
      %gather3A_248 = vector.shape_cast %broadcast_in_dim3A_247 : vector<16x1xi32> to vector<16xi32>
      %gather3A_249 = tpu.dynamic_gather %add3A_246[%gather3A_248] in [0] : vector<16xf32>, vector<16xi32> -> vector<16xf32>
      %add3A_250 = arith.addf %add3A_246, %gather3A_249 : vector<16xf32>
      %broadcast_in_dim3A_251 = vector.shape_cast %select_n3A_116 : vector<16xi32> to vector<16x1xi32>
      %gather3A_252 = vector.shape_cast %broadcast_in_dim3A_251 : vector<16x1xi32> to vector<16xi32>
      %gather3A_253 = tpu.dynamic_gather %add3A_250[%gather3A_252] in [0] : vector<16xf32>, vector<16xi32> -> vector<16xf32>
      %add3A_254 = arith.addf %add3A_250, %gather3A_253 : vector<16xf32>
      %broadcast_in_dim3A_255 = vector.shape_cast %select_n3A_141 : vector<16xi32> to vector<16x1xi32>
      %gather3A_256 = vector.shape_cast %broadcast_in_dim3A_255 : vector<16x1xi32> to vector<16xi32>
      %gather3A_257 = tpu.dynamic_gather %add3A_254[%gather3A_256] in [0] : vector<16xf32>, vector<16xi32> -> vector<16xf32>
      %add3A_258 = arith.addf %add3A_254, %gather3A_257 : vector<16xf32>
      %broadcast_in_dim3A_259 = vector.shape_cast %select_n3A_166 : vector<16xi32> to vector<16x1xi32>
      %gather3A_260 = vector.shape_cast %broadcast_in_dim3A_259 : vector<16x1xi32> to vector<16xi32>
      %gather3A_261 = tpu.dynamic_gather %add3A_258[%gather3A_260] in [0] : vector<16xf32>, vector<16xi32> -> vector<16xf32>
      %add3A_262 = arith.addf %add3A_258, %gather3A_261 : vector<16xf32>
      %jit3A_263 = arith.constant 0.000000e+00 : f32
      %broadcast_in_dim3A_264 = vector.broadcast %jit3A_263 : f32 to vector<16xf32>
      %select_n3A_265 = arith.select %eq3A_30, %add3A_262, %broadcast_in_dim3A_264 : vector<16xi1>, vector<16xf32>
      %add3A_266 = arith.addf %add3A_222, %select_n3A_265 : vector<16xf32>
      %add3A_267 = arith.constant 2 : i32
      %add3A_268 = arith.addi %mul3A_175, %add3A_267 : i32
      %mul3A_269 = arith.constant 32 : i32
      %mul3A_270 = arith.muli %add3A_268, %mul3A_269 : i32
      %multiple_of3A_271 = tpu.assume_multiple %mul3A_270, 8 : i32
      %get3A_272 = arith.index_cast %multiple_of3A_271 : i32 to index
      %get3A_273 = tpu.vector_load %arg10[%get3A_272] {strides = array<i32>} : memref<16384xf32, #tpu.memory_space<vmem>>, vector<16xf32>,
      %get3A_274 = vector.shape_cast %get3A_273 : vector<16xf32> to vector<16xf32>
      %get3A_275 = arith.index_cast %add3A_268 : i32 to index
      %get3A_276 = arith.constant 0 : index
      %get3A_277 = tpu.vector_load %arg9[%get3A_275, %get3A_276] {strides = array<i32>} : memref<512x32xf32, #tpu.memory_space<vmem>>, vector<1x16xf32>,
      %get3A_278 = vector.shape_cast %get3A_277 : vector<1x16xf32> to vector<16xf32>
      %mul3A_279 = arith.mulf %get3A_274, %get3A_278 : vector<16xf32>
      %add3A_280 = arith.constant 16 : i32
      %add3A_281 = arith.addi %multiple_of3A_271, %add3A_280 : i32
      %get3A_282 = arith.index_cast %add3A_281 : i32 to index
      %get3A_283 = tpu.vector_load %arg10[%get3A_282] {strides = array<i32>} : memref<16384xf32, #tpu.memory_space<vmem>>, vector<16xf32>,
      %get3A_284 = vector.shape_cast %get3A_283 : vector<16xf32> to vector<16xf32>
      %get3A_285 = arith.index_cast %add3A_268 : i32 to index
      %get3A_286 = arith.constant 16 : index
      %get3A_287 = tpu.vector_load %arg9[%get3A_285, %get3A_286] {strides = array<i32>} : memref<512x32xf32, #tpu.memory_space<vmem>>, vector<1x16xf32>,
      %get3A_288 = vector.shape_cast %get3A_287 : vector<1x16xf32> to vector<16xf32>
      %mul3A_289 = arith.mulf %get3A_284, %get3A_288 : vector<16xf32>
      %add3A_290 = arith.addf %mul3A_279, %mul3A_289 : vector<16xf32>
      %broadcast_in_dim3A_291 = vector.shape_cast %select_n3A_91 : vector<16xi32> to vector<16x1xi32>
      %gather3A_292 = vector.shape_cast %broadcast_in_dim3A_291 : vector<16x1xi32> to vector<16xi32>
      %gather3A_293 = tpu.dynamic_gather %add3A_290[%gather3A_292] in [0] : vector<16xf32>, vector<16xi32> -> vector<16xf32>
      %add3A_294 = arith.addf %add3A_290, %gather3A_293 : vector<16xf32>
      %broadcast_in_dim3A_295 = vector.shape_cast %select_n3A_116 : vector<16xi32> to vector<16x1xi32>
      %gather3A_296 = vector.shape_cast %broadcast_in_dim3A_295 : vector<16x1xi32> to vector<16xi32>
      %gather3A_297 = tpu.dynamic_gather %add3A_294[%gather3A_296] in [0] : vector<16xf32>, vector<16xi32> -> vector<16xf32>
      %add3A_298 = arith.addf %add3A_294, %gather3A_297 : vector<16xf32>
      %broadcast_in_dim3A_299 = vector.shape_cast %select_n3A_141 : vector<16xi32> to vector<16x1xi32>
      %gather3A_300 = vector.shape_cast %broadcast_in_dim3A_299 : vector<16x1xi32> to vector<16xi32>
      %gather3A_301 = tpu.dynamic_gather %add3A_298[%gather3A_300] in [0] : vector<16xf32>, vector<16xi32> -> vector<16xf32>
      %add3A_302 = arith.addf %add3A_298, %gather3A_301 : vector<16xf32>
      %broadcast_in_dim3A_303 = vector.shape_cast %select_n3A_166 : vector<16xi32> to vector<16x1xi32>
      %gather3A_304 = vector.shape_cast %broadcast_in_dim3A_303 : vector<16x1xi32> to vector<16xi32>
      %gather3A_305 = tpu.dynamic_gather %add3A_302[%gather3A_304] in [0] : vector<16xf32>, vector<16xi32> -> vector<16xf32>
      %add3A_306 = arith.addf %add3A_302, %gather3A_305 : vector<16xf32>
      %jit3A_307 = arith.constant 0.000000e+00 : f32
      %broadcast_in_dim3A_308 = vector.broadcast %jit3A_307 : f32 to vector<16xf32>
      %select_n3A_309 = arith.select %eq3A_33, %add3A_306, %broadcast_in_dim3A_308 : vector<16xi1>, vector<16xf32>
      %add3A_310 = arith.addf %add3A_266, %select_n3A_309 : vector<16xf32>
      %add3A_311 = arith.constant 3 : i32
      %add3A_312 = arith.addi %mul3A_175, %add3A_311 : i32
      %mul3A_313 = arith.constant 32 : i32
      %mul3A_314 = arith.muli %add3A_312, %mul3A_313 : i32
      %multiple_of3A_315 = tpu.assume_multiple %mul3A_314, 8 : i32
      %get3A_316 = arith.index_cast %multiple_of3A_315 : i32 to index
      %get3A_317 = tpu.vector_load %arg10[%get3A_316] {strides = array<i32>} : memref<16384xf32, #tpu.memory_space<vmem>>, vector<16xf32>,
      %get3A_318 = vector.shape_cast %get3A_317 : vector<16xf32> to vector<16xf32>
      %get3A_319 = arith.index_cast %add3A_312 : i32 to index
      %get3A_320 = arith.constant 0 : index
      %get3A_321 = tpu.vector_load %arg9[%get3A_319, %get3A_320] {strides = array<i32>} : memref<512x32xf32, #tpu.memory_space<vmem>>, vector<1x16xf32>,
      %get3A_322 = vector.shape_cast %get3A_321 : vector<1x16xf32> to vector<16xf32>
      %mul3A_323 = arith.mulf %get3A_318, %get3A_322 : vector<16xf32>
      %add3A_324 = arith.constant 16 : i32
      %add3A_325 = arith.addi %multiple_of3A_315, %add3A_324 : i32
      %get3A_326 = arith.index_cast %add3A_325 : i32 to index
      %get3A_327 = tpu.vector_load %arg10[%get3A_326] {strides = array<i32>} : memref<16384xf32, #tpu.memory_space<vmem>>, vector<16xf32>,
      %get3A_328 = vector.shape_cast %get3A_327 : vector<16xf32> to vector<16xf32>
      %get3A_329 = arith.index_cast %add3A_312 : i32 to index
      %get3A_330 = arith.constant 16 : index
      %get3A_331 = tpu.vector_load %arg9[%get3A_329, %get3A_330] {strides = array<i32>} : memref<512x32xf32, #tpu.memory_space<vmem>>, vector<1x16xf32>,
      %get3A_332 = vector.shape_cast %get3A_331 : vector<1x16xf32> to vector<16xf32>
      %mul3A_333 = arith.mulf %get3A_328, %get3A_332 : vector<16xf32>
      %add3A_334 = arith.addf %mul3A_323, %mul3A_333 : vector<16xf32>
      %broadcast_in_dim3A_335 = vector.shape_cast %select_n3A_91 : vector<16xi32> to vector<16x1xi32>
      %gather3A_336 = vector.shape_cast %broadcast_in_dim3A_335 : vector<16x1xi32> to vector<16xi32>
      %gather3A_337 = tpu.dynamic_gather %add3A_334[%gather3A_336] in [0] : vector<16xf32>, vector<16xi32> -> vector<16xf32>
      %add3A_338 = arith.addf %add3A_334, %gather3A_337 : vector<16xf32>
      %broadcast_in_dim3A_339 = vector.shape_cast %select_n3A_116 : vector<16xi32> to vector<16x1xi32>
      %gather3A_340 = vector.shape_cast %broadcast_in_dim3A_339 : vector<16x1xi32> to vector<16xi32>
      %gather3A_341 = tpu.dynamic_gather %add3A_338[%gather3A_340] in [0] : vector<16xf32>, vector<16xi32> -> vector<16xf32>
      %add3A_342 = arith.addf %add3A_338, %gather3A_341 : vector<16xf32>
      %broadcast_in_dim3A_343 = vector.shape_cast %select_n3A_141 : vector<16xi32> to vector<16x1xi32>
      %gather3A_344 = vector.shape_cast %broadcast_in_dim3A_343 : vector<16x1xi32> to vector<16xi32>
      %gather3A_345 = tpu.dynamic_gather %add3A_342[%gather3A_344] in [0] : vector<16xf32>, vector<16xi32> -> vector<16xf32>
      %add3A_346 = arith.addf %add3A_342, %gather3A_345 : vector<16xf32>
      %broadcast_in_dim3A_347 = vector.shape_cast %select_n3A_166 : vector<16xi32> to vector<16x1xi32>
      %gather3A_348 = vector.shape_cast %broadcast_in_dim3A_347 : vector<16x1xi32> to vector<16xi32>
      %gather3A_349 = tpu.dynamic_gather %add3A_346[%gather3A_348] in [0] : vector<16xf32>, vector<16xi32> -> vector<16xf32>
      %add3A_350 = arith.addf %add3A_346, %gather3A_349 : vector<16xf32>
      %jit3A_351 = arith.constant 0.000000e+00 : f32
      %broadcast_in_dim3A_352 = vector.broadcast %jit3A_351 : f32 to vector<16xf32>
      %select_n3A_353 = arith.select %eq3A_36, %add3A_350, %broadcast_in_dim3A_352 : vector<16xi1>, vector<16xf32>
      %add3A_354 = arith.addf %add3A_310, %select_n3A_353 : vector<16xf32>
      %add3A_355 = arith.constant 4 : i32
      %add3A_356 = arith.addi %mul3A_175, %add3A_355 : i32
      %mul3A_357 = arith.constant 32 : i32
      %mul3A_358 = arith.muli %add3A_356, %mul3A_357 : i32
      %multiple_of3A_359 = tpu.assume_multiple %mul3A_358, 8 : i32
      %get3A_360 = arith.index_cast %multiple_of3A_359 : i32 to index
      %get3A_361 = tpu.vector_load %arg10[%get3A_360] {strides = array<i32>} : memref<16384xf32, #tpu.memory_space<vmem>>, vector<16xf32>,
      %get3A_362 = vector.shape_cast %get3A_361 : vector<16xf32> to vector<16xf32>
      %get3A_363 = arith.index_cast %add3A_356 : i32 to index
      %get3A_364 = arith.constant 0 : index
      %get3A_365 = tpu.vector_load %arg9[%get3A_363, %get3A_364] {strides = array<i32>} : memref<512x32xf32, #tpu.memory_space<vmem>>, vector<1x16xf32>,
      %get3A_366 = vector.shape_cast %get3A_365 : vector<1x16xf32> to vector<16xf32>
      %mul3A_367 = arith.mulf %get3A_362, %get3A_366 : vector<16xf32>
      %add3A_368 = arith.constant 16 : i32
      %add3A_369 = arith.addi %multiple_of3A_359, %add3A_368 : i32
      %get3A_370 = arith.index_cast %add3A_369 : i32 to index
      %get3A_371 = tpu.vector_load %arg10[%get3A_370] {strides = array<i32>} : memref<16384xf32, #tpu.memory_space<vmem>>, vector<16xf32>,
      %get3A_372 = vector.shape_cast %get3A_371 : vector<16xf32> to vector<16xf32>
      %get3A_373 = arith.index_cast %add3A_356 : i32 to index
      %get3A_374 = arith.constant 16 : index
      %get3A_375 = tpu.vector_load %arg9[%get3A_373, %get3A_374] {strides = array<i32>} : memref<512x32xf32, #tpu.memory_space<vmem>>, vector<1x16xf32>,
      %get3A_376 = vector.shape_cast %get3A_375 : vector<1x16xf32> to vector<16xf32>
      %mul3A_377 = arith.mulf %get3A_372, %get3A_376 : vector<16xf32>
      %add3A_378 = arith.addf %mul3A_367, %mul3A_377 : vector<16xf32>
      %broadcast_in_dim3A_379 = vector.shape_cast %select_n3A_91 : vector<16xi32> to vector<16x1xi32>
      %gather3A_380 = vector.shape_cast %broadcast_in_dim3A_379 : vector<16x1xi32> to vector<16xi32>
      %gather3A_381 = tpu.dynamic_gather %add3A_378[%gather3A_380] in [0] : vector<16xf32>, vector<16xi32> -> vector<16xf32>
      %add3A_382 = arith.addf %add3A_378, %gather3A_381 : vector<16xf32>
      %broadcast_in_dim3A_383 = vector.shape_cast %select_n3A_116 : vector<16xi32> to vector<16x1xi32>
      %gather3A_384 = vector.shape_cast %broadcast_in_dim3A_383 : vector<16x1xi32> to vector<16xi32>
      %gather3A_385 = tpu.dynamic_gather %add3A_382[%gather3A_384] in [0] : vector<16xf32>, vector<16xi32> -> vector<16xf32>
      %add3A_386 = arith.addf %add3A_382, %gather3A_385 : vector<16xf32>
      %broadcast_in_dim3A_387 = vector.shape_cast %select_n3A_141 : vector<16xi32> to vector<16x1xi32>
      %gather3A_388 = vector.shape_cast %broadcast_in_dim3A_387 : vector<16x1xi32> to vector<16xi32>
      %gather3A_389 = tpu.dynamic_gather %add3A_386[%gather3A_388] in [0] : vector<16xf32>, vector<16xi32> -> vector<16xf32>
      %add3A_390 = arith.addf %add3A_386, %gather3A_389 : vector<16xf32>
      %broadcast_in_dim3A_391 = vector.shape_cast %select_n3A_166 : vector<16xi32> to vector<16x1xi32>
      %gather3A_392 = vector.shape_cast %broadcast_in_dim3A_391 : vector<16x1xi32> to vector<16xi32>
      %gather3A_393 = tpu.dynamic_gather %add3A_390[%gather3A_392] in [0] : vector<16xf32>, vector<16xi32> -> vector<16xf32>
      %add3A_394 = arith.addf %add3A_390, %gather3A_393 : vector<16xf32>
      %jit3A_395 = arith.constant 0.000000e+00 : f32
      %broadcast_in_dim3A_396 = vector.broadcast %jit3A_395 : f32 to vector<16xf32>
      %select_n3A_397 = arith.select %eq3A_39, %add3A_394, %broadcast_in_dim3A_396 : vector<16xi1>, vector<16xf32>
      %add3A_398 = arith.addf %add3A_354, %select_n3A_397 : vector<16xf32>
      %add3A_399 = arith.constant 5 : i32
      %add3A_400 = arith.addi %mul3A_175, %add3A_399 : i32
      %mul3A_401 = arith.constant 32 : i32
      %mul3A_402 = arith.muli %add3A_400, %mul3A_401 : i32
      %multiple_of3A_403 = tpu.assume_multiple %mul3A_402, 8 : i32
      %get3A_404 = arith.index_cast %multiple_of3A_403 : i32 to index
      %get3A_405 = tpu.vector_load %arg10[%get3A_404] {strides = array<i32>} : memref<16384xf32, #tpu.memory_space<vmem>>, vector<16xf32>,
      %get3A_406 = vector.shape_cast %get3A_405 : vector<16xf32> to vector<16xf32>
      %get3A_407 = arith.index_cast %add3A_400 : i32 to index
      %get3A_408 = arith.constant 0 : index
      %get3A_409 = tpu.vector_load %arg9[%get3A_407, %get3A_408] {strides = array<i32>} : memref<512x32xf32, #tpu.memory_space<vmem>>, vector<1x16xf32>,
      %get3A_410 = vector.shape_cast %get3A_409 : vector<1x16xf32> to vector<16xf32>
      %mul3A_411 = arith.mulf %get3A_406, %get3A_410 : vector<16xf32>
      %add3A_412 = arith.constant 16 : i32
      %add3A_413 = arith.addi %multiple_of3A_403, %add3A_412 : i32
      %get3A_414 = arith.index_cast %add3A_413 : i32 to index
      %get3A_415 = tpu.vector_load %arg10[%get3A_414] {strides = array<i32>} : memref<16384xf32, #tpu.memory_space<vmem>>, vector<16xf32>,
      %get3A_416 = vector.shape_cast %get3A_415 : vector<16xf32> to vector<16xf32>
      %get3A_417 = arith.index_cast %add3A_400 : i32 to index
      %get3A_418 = arith.constant 16 : index
      %get3A_419 = tpu.vector_load %arg9[%get3A_417, %get3A_418] {strides = array<i32>} : memref<512x32xf32, #tpu.memory_space<vmem>>, vector<1x16xf32>,
      %get3A_420 = vector.shape_cast %get3A_419 : vector<1x16xf32> to vector<16xf32>
      %mul3A_421 = arith.mulf %get3A_416, %get3A_420 : vector<16xf32>
      %add3A_422 = arith.addf %mul3A_411, %mul3A_421 : vector<16xf32>
      %broadcast_in_dim3A_423 = vector.shape_cast %select_n3A_91 : vector<16xi32> to vector<16x1xi32>
      %gather3A_424 = vector.shape_cast %broadcast_in_dim3A_423 : vector<16x1xi32> to vector<16xi32>
      %gather3A_425 = tpu.dynamic_gather %add3A_422[%gather3A_424] in [0] : vector<16xf32>, vector<16xi32> -> vector<16xf32>
      %add3A_426 = arith.addf %add3A_422, %gather3A_425 : vector<16xf32>
      %broadcast_in_dim3A_427 = vector.shape_cast %select_n3A_116 : vector<16xi32> to vector<16x1xi32>
      %gather3A_428 = vector.shape_cast %broadcast_in_dim3A_427 : vector<16x1xi32> to vector<16xi32>
      %gather3A_429 = tpu.dynamic_gather %add3A_426[%gather3A_428] in [0] : vector<16xf32>, vector<16xi32> -> vector<16xf32>
      %add3A_430 = arith.addf %add3A_426, %gather3A_429 : vector<16xf32>
      %broadcast_in_dim3A_431 = vector.shape_cast %select_n3A_141 : vector<16xi32> to vector<16x1xi32>
      %gather3A_432 = vector.shape_cast %broadcast_in_dim3A_431 : vector<16x1xi32> to vector<16xi32>
      %gather3A_433 = tpu.dynamic_gather %add3A_430[%gather3A_432] in [0] : vector<16xf32>, vector<16xi32> -> vector<16xf32>
      %add3A_434 = arith.addf %add3A_430, %gather3A_433 : vector<16xf32>
      %broadcast_in_dim3A_435 = vector.shape_cast %select_n3A_166 : vector<16xi32> to vector<16x1xi32>
      %gather3A_436 = vector.shape_cast %broadcast_in_dim3A_435 : vector<16x1xi32> to vector<16xi32>
      %gather3A_437 = tpu.dynamic_gather %add3A_434[%gather3A_436] in [0] : vector<16xf32>, vector<16xi32> -> vector<16xf32>
      %add3A_438 = arith.addf %add3A_434, %gather3A_437 : vector<16xf32>
      %jit3A_439 = arith.constant 0.000000e+00 : f32
      %broadcast_in_dim3A_440 = vector.broadcast %jit3A_439 : f32 to vector<16xf32>
      %select_n3A_441 = arith.select %eq3A_42, %add3A_438, %broadcast_in_dim3A_440 : vector<16xi1>, vector<16xf32>
      %add3A_442 = arith.addf %add3A_398, %select_n3A_441 : vector<16xf32>
      %add3A_443 = arith.constant 6 : i32
      %add3A_444 = arith.addi %mul3A_175, %add3A_443 : i32
      %mul3A_445 = arith.constant 32 : i32
      %mul3A_446 = arith.muli %add3A_444, %mul3A_445 : i32
      %multiple_of3A_447 = tpu.assume_multiple %mul3A_446, 8 : i32
      %get3A_448 = arith.index_cast %multiple_of3A_447 : i32 to index
      %get3A_449 = tpu.vector_load %arg10[%get3A_448] {strides = array<i32>} : memref<16384xf32, #tpu.memory_space<vmem>>, vector<16xf32>,
      %get3A_450 = vector.shape_cast %get3A_449 : vector<16xf32> to vector<16xf32>
      %get3A_451 = arith.index_cast %add3A_444 : i32 to index
      %get3A_452 = arith.constant 0 : index
      %get3A_453 = tpu.vector_load %arg9[%get3A_451, %get3A_452] {strides = array<i32>} : memref<512x32xf32, #tpu.memory_space<vmem>>, vector<1x16xf32>,
      %get3A_454 = vector.shape_cast %get3A_453 : vector<1x16xf32> to vector<16xf32>
      %mul3A_455 = arith.mulf %get3A_450, %get3A_454 : vector<16xf32>
      %add3A_456 = arith.constant 16 : i32
      %add3A_457 = arith.addi %multiple_of3A_447, %add3A_456 : i32
      %get3A_458 = arith.index_cast %add3A_457 : i32 to index
      %get3A_459 = tpu.vector_load %arg10[%get3A_458] {strides = array<i32>} : memref<16384xf32, #tpu.memory_space<vmem>>, vector<16xf32>,
      %get3A_460 = vector.shape_cast %get3A_459 : vector<16xf32> to vector<16xf32>
      %get3A_461 = arith.index_cast %add3A_444 : i32 to index
      %get3A_462 = arith.constant 16 : index
      %get3A_463 = tpu.vector_load %arg9[%get3A_461, %get3A_462] {strides = array<i32>} : memref<512x32xf32, #tpu.memory_space<vmem>>, vector<1x16xf32>,
      %get3A_464 = vector.shape_cast %get3A_463 : vector<1x16xf32> to vector<16xf32>
      %mul3A_465 = arith.mulf %get3A_460, %get3A_464 : vector<16xf32>
      %add3A_466 = arith.addf %mul3A_455, %mul3A_465 : vector<16xf32>
      %broadcast_in_dim3A_467 = vector.shape_cast %select_n3A_91 : vector<16xi32> to vector<16x1xi32>
      %gather3A_468 = vector.shape_cast %broadcast_in_dim3A_467 : vector<16x1xi32> to vector<16xi32>
      %gather3A_469 = tpu.dynamic_gather %add3A_466[%gather3A_468] in [0] : vector<16xf32>, vector<16xi32> -> vector<16xf32>
      %add3A_470 = arith.addf %add3A_466, %gather3A_469 : vector<16xf32>
      %broadcast_in_dim3A_471 = vector.shape_cast %select_n3A_116 : vector<16xi32> to vector<16x1xi32>
      %gather3A_472 = vector.shape_cast %broadcast_in_dim3A_471 : vector<16x1xi32> to vector<16xi32>
      %gather3A_473 = tpu.dynamic_gather %add3A_470[%gather3A_472] in [0] : vector<16xf32>, vector<16xi32> -> vector<16xf32>
      %add3A_474 = arith.addf %add3A_470, %gather3A_473 : vector<16xf32>
      %broadcast_in_dim3A_475 = vector.shape_cast %select_n3A_141 : vector<16xi32> to vector<16x1xi32>
      %gather3A_476 = vector.shape_cast %broadcast_in_dim3A_475 : vector<16x1xi32> to vector<16xi32>
      %gather3A_477 = tpu.dynamic_gather %add3A_474[%gather3A_476] in [0] : vector<16xf32>, vector<16xi32> -> vector<16xf32>
      %add3A_478 = arith.addf %add3A_474, %gather3A_477 : vector<16xf32>
      %broadcast_in_dim3A_479 = vector.shape_cast %select_n3A_166 : vector<16xi32> to vector<16x1xi32>
      %gather3A_480 = vector.shape_cast %broadcast_in_dim3A_479 : vector<16x1xi32> to vector<16xi32>
      %gather3A_481 = tpu.dynamic_gather %add3A_478[%gather3A_480] in [0] : vector<16xf32>, vector<16xi32> -> vector<16xf32>
      %add3A_482 = arith.addf %add3A_478, %gather3A_481 : vector<16xf32>
      %jit3A_483 = arith.constant 0.000000e+00 : f32
      %broadcast_in_dim3A_484 = vector.broadcast %jit3A_483 : f32 to vector<16xf32>
      %select_n3A_485 = arith.select %eq3A_45, %add3A_482, %broadcast_in_dim3A_484 : vector<16xi1>, vector<16xf32>
      %add3A_486 = arith.addf %add3A_442, %select_n3A_485 : vector<16xf32>
      %add3A_487 = arith.constant 7 : i32
      %add3A_488 = arith.addi %mul3A_175, %add3A_487 : i32
      %mul3A_489 = arith.constant 32 : i32
      %mul3A_490 = arith.muli %add3A_488, %mul3A_489 : i32
      %multiple_of3A_491 = tpu.assume_multiple %mul3A_490, 8 : i32
      %get3A_492 = arith.index_cast %multiple_of3A_491 : i32 to index
      %get3A_493 = tpu.vector_load %arg10[%get3A_492] {strides = array<i32>} : memref<16384xf32, #tpu.memory_space<vmem>>, vector<16xf32>,
      %get3A_494 = vector.shape_cast %get3A_493 : vector<16xf32> to vector<16xf32>
      %get3A_495 = arith.index_cast %add3A_488 : i32 to index
      %get3A_496 = arith.constant 0 : index
      %get3A_497 = tpu.vector_load %arg9[%get3A_495, %get3A_496] {strides = array<i32>} : memref<512x32xf32, #tpu.memory_space<vmem>>, vector<1x16xf32>,
      %get3A_498 = vector.shape_cast %get3A_497 : vector<1x16xf32> to vector<16xf32>
      %mul3A_499 = arith.mulf %get3A_494, %get3A_498 : vector<16xf32>
      %add3A_500 = arith.constant 16 : i32
      %add3A_501 = arith.addi %multiple_of3A_491, %add3A_500 : i32
      %get3A_502 = arith.index_cast %add3A_501 : i32 to index
      %get3A_503 = tpu.vector_load %arg10[%get3A_502] {strides = array<i32>} : memref<16384xf32, #tpu.memory_space<vmem>>, vector<16xf32>,
      %get3A_504 = vector.shape_cast %get3A_503 : vector<16xf32> to vector<16xf32>
      %get3A_505 = arith.index_cast %add3A_488 : i32 to index
      %get3A_506 = arith.constant 16 : index
      %get3A_507 = tpu.vector_load %arg9[%get3A_505, %get3A_506] {strides = array<i32>} : memref<512x32xf32, #tpu.memory_space<vmem>>, vector<1x16xf32>,
      %get3A_508 = vector.shape_cast %get3A_507 : vector<1x16xf32> to vector<16xf32>
      %mul3A_509 = arith.mulf %get3A_504, %get3A_508 : vector<16xf32>
      %add3A_510 = arith.addf %mul3A_499, %mul3A_509 : vector<16xf32>
      %broadcast_in_dim3A_511 = vector.shape_cast %select_n3A_91 : vector<16xi32> to vector<16x1xi32>
      %gather3A_512 = vector.shape_cast %broadcast_in_dim3A_511 : vector<16x1xi32> to vector<16xi32>
      %gather3A_513 = tpu.dynamic_gather %add3A_510[%gather3A_512] in [0] : vector<16xf32>, vector<16xi32> -> vector<16xf32>
      %add3A_514 = arith.addf %add3A_510, %gather3A_513 : vector<16xf32>
      %broadcast_in_dim3A_515 = vector.shape_cast %select_n3A_116 : vector<16xi32> to vector<16x1xi32>
      %gather3A_516 = vector.shape_cast %broadcast_in_dim3A_515 : vector<16x1xi32> to vector<16xi32>
      %gather3A_517 = tpu.dynamic_gather %add3A_514[%gather3A_516] in [0] : vector<16xf32>, vector<16xi32> -> vector<16xf32>
      %add3A_518 = arith.addf %add3A_514, %gather3A_517 : vector<16xf32>
      %broadcast_in_dim3A_519 = vector.shape_cast %select_n3A_141 : vector<16xi32> to vector<16x1xi32>
      %gather3A_520 = vector.shape_cast %broadcast_in_dim3A_519 : vector<16x1xi32> to vector<16xi32>
      %gather3A_521 = tpu.dynamic_gather %add3A_518[%gather3A_520] in [0] : vector<16xf32>, vector<16xi32> -> vector<16xf32>
      %add3A_522 = arith.addf %add3A_518, %gather3A_521 : vector<16xf32>
      %broadcast_in_dim3A_523 = vector.shape_cast %select_n3A_166 : vector<16xi32> to vector<16x1xi32>
      %gather3A_524 = vector.shape_cast %broadcast_in_dim3A_523 : vector<16x1xi32> to vector<16xi32>
      %gather3A_525 = tpu.dynamic_gather %add3A_522[%gather3A_524] in [0] : vector<16xf32>, vector<16xi32> -> vector<16xf32>
      %add3A_526 = arith.addf %add3A_522, %gather3A_525 : vector<16xf32>
      %jit3A_527 = arith.constant 0.000000e+00 : f32
      %broadcast_in_dim3A_528 = vector.broadcast %jit3A_527 : f32 to vector<16xf32>
      %select_n3A_529 = arith.select %eq3A_48, %add3A_526, %broadcast_in_dim3A_528 : vector<16xi1>, vector<16xf32>
      %add3A_530 = arith.addf %add3A_486, %select_n3A_529 : vector<16xf32>
      %add3A_531 = arith.constant 8 : i32
      %add3A_532 = arith.addi %mul3A_175, %add3A_531 : i32
      %mul3A_533 = arith.constant 32 : i32
      %mul3A_534 = arith.muli %add3A_532, %mul3A_533 : i32
      %multiple_of3A_535 = tpu.assume_multiple %mul3A_534, 8 : i32
      %get3A_536 = arith.index_cast %multiple_of3A_535 : i32 to index
      %get3A_537 = tpu.vector_load %arg10[%get3A_536] {strides = array<i32>} : memref<16384xf32, #tpu.memory_space<vmem>>, vector<16xf32>,
      %get3A_538 = vector.shape_cast %get3A_537 : vector<16xf32> to vector<16xf32>
      %get3A_539 = arith.index_cast %add3A_532 : i32 to index
      %get3A_540 = arith.constant 0 : index
      %get3A_541 = tpu.vector_load %arg9[%get3A_539, %get3A_540] {strides = array<i32>} : memref<512x32xf32, #tpu.memory_space<vmem>>, vector<1x16xf32>,
      %get3A_542 = vector.shape_cast %get3A_541 : vector<1x16xf32> to vector<16xf32>
      %mul3A_543 = arith.mulf %get3A_538, %get3A_542 : vector<16xf32>
      %add3A_544 = arith.constant 16 : i32
      %add3A_545 = arith.addi %multiple_of3A_535, %add3A_544 : i32
      %get3A_546 = arith.index_cast %add3A_545 : i32 to index
      %get3A_547 = tpu.vector_load %arg10[%get3A_546] {strides = array<i32>} : memref<16384xf32, #tpu.memory_space<vmem>>, vector<16xf32>,
      %get3A_548 = vector.shape_cast %get3A_547 : vector<16xf32> to vector<16xf32>
      %get3A_549 = arith.index_cast %add3A_532 : i32 to index
      %get3A_550 = arith.constant 16 : index
      %get3A_551 = tpu.vector_load %arg9[%get3A_549, %get3A_550] {strides = array<i32>} : memref<512x32xf32, #tpu.memory_space<vmem>>, vector<1x16xf32>,
      %get3A_552 = vector.shape_cast %get3A_551 : vector<1x16xf32> to vector<16xf32>
      %mul3A_553 = arith.mulf %get3A_548, %get3A_552 : vector<16xf32>
      %add3A_554 = arith.addf %mul3A_543, %mul3A_553 : vector<16xf32>
      %broadcast_in_dim3A_555 = vector.shape_cast %select_n3A_91 : vector<16xi32> to vector<16x1xi32>
      %gather3A_556 = vector.shape_cast %broadcast_in_dim3A_555 : vector<16x1xi32> to vector<16xi32>
      %gather3A_557 = tpu.dynamic_gather %add3A_554[%gather3A_556] in [0] : vector<16xf32>, vector<16xi32> -> vector<16xf32>
      %add3A_558 = arith.addf %add3A_554, %gather3A_557 : vector<16xf32>
      %broadcast_in_dim3A_559 = vector.shape_cast %select_n3A_116 : vector<16xi32> to vector<16x1xi32>
      %gather3A_560 = vector.shape_cast %broadcast_in_dim3A_559 : vector<16x1xi32> to vector<16xi32>
      %gather3A_561 = tpu.dynamic_gather %add3A_558[%gather3A_560] in [0] : vector<16xf32>, vector<16xi32> -> vector<16xf32>
      %add3A_562 = arith.addf %add3A_558, %gather3A_561 : vector<16xf32>
      %broadcast_in_dim3A_563 = vector.shape_cast %select_n3A_141 : vector<16xi32> to vector<16x1xi32>
      %gather3A_564 = vector.shape_cast %broadcast_in_dim3A_563 : vector<16x1xi32> to vector<16xi32>
      %gather3A_565 = tpu.dynamic_gather %add3A_562[%gather3A_564] in [0] : vector<16xf32>, vector<16xi32> -> vector<16xf32>
      %add3A_566 = arith.addf %add3A_562, %gather3A_565 : vector<16xf32>
      %broadcast_in_dim3A_567 = vector.shape_cast %select_n3A_166 : vector<16xi32> to vector<16x1xi32>
      %gather3A_568 = vector.shape_cast %broadcast_in_dim3A_567 : vector<16x1xi32> to vector<16xi32>
      %gather3A_569 = tpu.dynamic_gather %add3A_566[%gather3A_568] in [0] : vector<16xf32>, vector<16xi32> -> vector<16xf32>
      %add3A_570 = arith.addf %add3A_566, %gather3A_569 : vector<16xf32>
      %jit3A_571 = arith.constant 0.000000e+00 : f32
      %broadcast_in_dim3A_572 = vector.broadcast %jit3A_571 : f32 to vector<16xf32>
      %select_n3A_573 = arith.select %eq3A_51, %add3A_570, %broadcast_in_dim3A_572 : vector<16xi1>, vector<16xf32>
      %add3A_574 = arith.addf %add3A_530, %select_n3A_573 : vector<16xf32>
      %add3A_575 = arith.constant 9 : i32
      %add3A_576 = arith.addi %mul3A_175, %add3A_575 : i32
      %mul3A_577 = arith.constant 32 : i32
      %mul3A_578 = arith.muli %add3A_576, %mul3A_577 : i32
      %multiple_of3A_579 = tpu.assume_multiple %mul3A_578, 8 : i32
      %get3A_580 = arith.index_cast %multiple_of3A_579 : i32 to index
      %get3A_581 = tpu.vector_load %arg10[%get3A_580] {strides = array<i32>} : memref<16384xf32, #tpu.memory_space<vmem>>, vector<16xf32>,
      %get3A_582 = vector.shape_cast %get3A_581 : vector<16xf32> to vector<16xf32>
      %get3A_583 = arith.index_cast %add3A_576 : i32 to index
      %get3A_584 = arith.constant 0 : index
      %get3A_585 = tpu.vector_load %arg9[%get3A_583, %get3A_584] {strides = array<i32>} : memref<512x32xf32, #tpu.memory_space<vmem>>, vector<1x16xf32>,
      %get3A_586 = vector.shape_cast %get3A_585 : vector<1x16xf32> to vector<16xf32>
      %mul3A_587 = arith.mulf %get3A_582, %get3A_586 : vector<16xf32>
      %add3A_588 = arith.constant 16 : i32
      %add3A_589 = arith.addi %multiple_of3A_579, %add3A_588 : i32
      %get3A_590 = arith.index_cast %add3A_589 : i32 to index
      %get3A_591 = tpu.vector_load %arg10[%get3A_590] {strides = array<i32>} : memref<16384xf32, #tpu.memory_space<vmem>>, vector<16xf32>,
      %get3A_592 = vector.shape_cast %get3A_591 : vector<16xf32> to vector<16xf32>
      %get3A_593 = arith.index_cast %add3A_576 : i32 to index
      %get3A_594 = arith.constant 16 : index
      %get3A_595 = tpu.vector_load %arg9[%get3A_593, %get3A_594] {strides = array<i32>} : memref<512x32xf32, #tpu.memory_space<vmem>>, vector<1x16xf32>,
      %get3A_596 = vector.shape_cast %get3A_595 : vector<1x16xf32> to vector<16xf32>
      %mul3A_597 = arith.mulf %get3A_592, %get3A_596 : vector<16xf32>
      %add3A_598 = arith.addf %mul3A_587, %mul3A_597 : vector<16xf32>
      %broadcast_in_dim3A_599 = vector.shape_cast %select_n3A_91 : vector<16xi32> to vector<16x1xi32>
      %gather3A_600 = vector.shape_cast %broadcast_in_dim3A_599 : vector<16x1xi32> to vector<16xi32>
      %gather3A_601 = tpu.dynamic_gather %add3A_598[%gather3A_600] in [0] : vector<16xf32>, vector<16xi32> -> vector<16xf32>
      %add3A_602 = arith.addf %add3A_598, %gather3A_601 : vector<16xf32>
      %broadcast_in_dim3A_603 = vector.shape_cast %select_n3A_116 : vector<16xi32> to vector<16x1xi32>
      %gather3A_604 = vector.shape_cast %broadcast_in_dim3A_603 : vector<16x1xi32> to vector<16xi32>
      %gather3A_605 = tpu.dynamic_gather %add3A_602[%gather3A_604] in [0] : vector<16xf32>, vector<16xi32> -> vector<16xf32>
      %add3A_606 = arith.addf %add3A_602, %gather3A_605 : vector<16xf32>
      %broadcast_in_dim3A_607 = vector.shape_cast %select_n3A_141 : vector<16xi32> to vector<16x1xi32>
      %gather3A_608 = vector.shape_cast %broadcast_in_dim3A_607 : vector<16x1xi32> to vector<16xi32>
      %gather3A_609 = tpu.dynamic_gather %add3A_606[%gather3A_608] in [0] : vector<16xf32>, vector<16xi32> -> vector<16xf32>
      %add3A_610 = arith.addf %add3A_606, %gather3A_609 : vector<16xf32>
      %broadcast_in_dim3A_611 = vector.shape_cast %select_n3A_166 : vector<16xi32> to vector<16x1xi32>
      %gather3A_612 = vector.shape_cast %broadcast_in_dim3A_611 : vector<16x1xi32> to vector<16xi32>
      %gather3A_613 = tpu.dynamic_gather %add3A_610[%gather3A_612] in [0] : vector<16xf32>, vector<16xi32> -> vector<16xf32>
      %add3A_614 = arith.addf %add3A_610, %gather3A_613 : vector<16xf32>
      %jit3A_615 = arith.constant 0.000000e+00 : f32
      %broadcast_in_dim3A_616 = vector.broadcast %jit3A_615 : f32 to vector<16xf32>
      %select_n3A_617 = arith.select %eq3A_54, %add3A_614, %broadcast_in_dim3A_616 : vector<16xi1>, vector<16xf32>
      %add3A_618 = arith.addf %add3A_574, %select_n3A_617 : vector<16xf32>
      %add3A_619 = arith.constant 10 : i32
      %add3A_620 = arith.addi %mul3A_175, %add3A_619 : i32
      %mul3A_621 = arith.constant 32 : i32
      %mul3A_622 = arith.muli %add3A_620, %mul3A_621 : i32
      %multiple_of3A_623 = tpu.assume_multiple %mul3A_622, 8 : i32
      %get3A_624 = arith.index_cast %multiple_of3A_623 : i32 to index
      %get3A_625 = tpu.vector_load %arg10[%get3A_624] {strides = array<i32>} : memref<16384xf32, #tpu.memory_space<vmem>>, vector<16xf32>,
      %get3A_626 = vector.shape_cast %get3A_625 : vector<16xf32> to vector<16xf32>
      %get3A_627 = arith.index_cast %add3A_620 : i32 to index
      %get3A_628 = arith.constant 0 : index
      %get3A_629 = tpu.vector_load %arg9[%get3A_627, %get3A_628] {strides = array<i32>} : memref<512x32xf32, #tpu.memory_space<vmem>>, vector<1x16xf32>,
      %get3A_630 = vector.shape_cast %get3A_629 : vector<1x16xf32> to vector<16xf32>
      %mul3A_631 = arith.mulf %get3A_626, %get3A_630 : vector<16xf32>
      %add3A_632 = arith.constant 16 : i32
      %add3A_633 = arith.addi %multiple_of3A_623, %add3A_632 : i32
      %get3A_634 = arith.index_cast %add3A_633 : i32 to index
      %get3A_635 = tpu.vector_load %arg10[%get3A_634] {strides = array<i32>} : memref<16384xf32, #tpu.memory_space<vmem>>, vector<16xf32>,
      %get3A_636 = vector.shape_cast %get3A_635 : vector<16xf32> to vector<16xf32>
      %get3A_637 = arith.index_cast %add3A_620 : i32 to index
      %get3A_638 = arith.constant 16 : index
      %get3A_639 = tpu.vector_load %arg9[%get3A_637, %get3A_638] {strides = array<i32>} : memref<512x32xf32, #tpu.memory_space<vmem>>, vector<1x16xf32>,
      %get3A_640 = vector.shape_cast %get3A_639 : vector<1x16xf32> to vector<16xf32>
      %mul3A_641 = arith.mulf %get3A_636, %get3A_640 : vector<16xf32>
      %add3A_642 = arith.addf %mul3A_631, %mul3A_641 : vector<16xf32>
      %broadcast_in_dim3A_643 = vector.shape_cast %select_n3A_91 : vector<16xi32> to vector<16x1xi32>
      %gather3A_644 = vector.shape_cast %broadcast_in_dim3A_643 : vector<16x1xi32> to vector<16xi32>
      %gather3A_645 = tpu.dynamic_gather %add3A_642[%gather3A_644] in [0] : vector<16xf32>, vector<16xi32> -> vector<16xf32>
      %add3A_646 = arith.addf %add3A_642, %gather3A_645 : vector<16xf32>
      %broadcast_in_dim3A_647 = vector.shape_cast %select_n3A_116 : vector<16xi32> to vector<16x1xi32>
      %gather3A_648 = vector.shape_cast %broadcast_in_dim3A_647 : vector<16x1xi32> to vector<16xi32>
      %gather3A_649 = tpu.dynamic_gather %add3A_646[%gather3A_648] in [0] : vector<16xf32>, vector<16xi32> -> vector<16xf32>
      %add3A_650 = arith.addf %add3A_646, %gather3A_649 : vector<16xf32>
      %broadcast_in_dim3A_651 = vector.shape_cast %select_n3A_141 : vector<16xi32> to vector<16x1xi32>
      %gather3A_652 = vector.shape_cast %broadcast_in_dim3A_651 : vector<16x1xi32> to vector<16xi32>
      %gather3A_653 = tpu.dynamic_gather %add3A_650[%gather3A_652] in [0] : vector<16xf32>, vector<16xi32> -> vector<16xf32>
      %add3A_654 = arith.addf %add3A_650, %gather3A_653 : vector<16xf32>
      %broadcast_in_dim3A_655 = vector.shape_cast %select_n3A_166 : vector<16xi32> to vector<16x1xi32>
      %gather3A_656 = vector.shape_cast %broadcast_in_dim3A_655 : vector<16x1xi32> to vector<16xi32>
      %gather3A_657 = tpu.dynamic_gather %add3A_654[%gather3A_656] in [0] : vector<16xf32>, vector<16xi32> -> vector<16xf32>
      %add3A_658 = arith.addf %add3A_654, %gather3A_657 : vector<16xf32>
      %jit3A_659 = arith.constant 0.000000e+00 : f32
      %broadcast_in_dim3A_660 = vector.broadcast %jit3A_659 : f32 to vector<16xf32>
      %select_n3A_661 = arith.select %eq3A_57, %add3A_658, %broadcast_in_dim3A_660 : vector<16xi1>, vector<16xf32>
      %add3A_662 = arith.addf %add3A_618, %select_n3A_661 : vector<16xf32>
      %add3A_663 = arith.constant 11 : i32
      %add3A_664 = arith.addi %mul3A_175, %add3A_663 : i32
      %mul3A_665 = arith.constant 32 : i32
      %mul3A_666 = arith.muli %add3A_664, %mul3A_665 : i32
      %multiple_of3A_667 = tpu.assume_multiple %mul3A_666, 8 : i32
      %get3A_668 = arith.index_cast %multiple_of3A_667 : i32 to index
      %get3A_669 = tpu.vector_load %arg10[%get3A_668] {strides = array<i32>} : memref<16384xf32, #tpu.memory_space<vmem>>, vector<16xf32>,
      %get3A_670 = vector.shape_cast %get3A_669 : vector<16xf32> to vector<16xf32>
      %get3A_671 = arith.index_cast %add3A_664 : i32 to index
      %get3A_672 = arith.constant 0 : index
      %get3A_673 = tpu.vector_load %arg9[%get3A_671, %get3A_672] {strides = array<i32>} : memref<512x32xf32, #tpu.memory_space<vmem>>, vector<1x16xf32>,
      %get3A_674 = vector.shape_cast %get3A_673 : vector<1x16xf32> to vector<16xf32>
      %mul3A_675 = arith.mulf %get3A_670, %get3A_674 : vector<16xf32>
      %add3A_676 = arith.constant 16 : i32
      %add3A_677 = arith.addi %multiple_of3A_667, %add3A_676 : i32
      %get3A_678 = arith.index_cast %add3A_677 : i32 to index
      %get3A_679 = tpu.vector_load %arg10[%get3A_678] {strides = array<i32>} : memref<16384xf32, #tpu.memory_space<vmem>>, vector<16xf32>,
      %get3A_680 = vector.shape_cast %get3A_679 : vector<16xf32> to vector<16xf32>
      %get3A_681 = arith.index_cast %add3A_664 : i32 to index
      %get3A_682 = arith.constant 16 : index
      %get3A_683 = tpu.vector_load %arg9[%get3A_681, %get3A_682] {strides = array<i32>} : memref<512x32xf32, #tpu.memory_space<vmem>>, vector<1x16xf32>,
      %get3A_684 = vector.shape_cast %get3A_683 : vector<1x16xf32> to vector<16xf32>
      %mul3A_685 = arith.mulf %get3A_680, %get3A_684 : vector<16xf32>
      %add3A_686 = arith.addf %mul3A_675, %mul3A_685 : vector<16xf32>
      %broadcast_in_dim3A_687 = vector.shape_cast %select_n3A_91 : vector<16xi32> to vector<16x1xi32>
      %gather3A_688 = vector.shape_cast %broadcast_in_dim3A_687 : vector<16x1xi32> to vector<16xi32>
      %gather3A_689 = tpu.dynamic_gather %add3A_686[%gather3A_688] in [0] : vector<16xf32>, vector<16xi32> -> vector<16xf32>
      %add3A_690 = arith.addf %add3A_686, %gather3A_689 : vector<16xf32>
      %broadcast_in_dim3A_691 = vector.shape_cast %select_n3A_116 : vector<16xi32> to vector<16x1xi32>
      %gather3A_692 = vector.shape_cast %broadcast_in_dim3A_691 : vector<16x1xi32> to vector<16xi32>
      %gather3A_693 = tpu.dynamic_gather %add3A_690[%gather3A_692] in [0] : vector<16xf32>, vector<16xi32> -> vector<16xf32>
      %add3A_694 = arith.addf %add3A_690, %gather3A_693 : vector<16xf32>
      %broadcast_in_dim3A_695 = vector.shape_cast %select_n3A_141 : vector<16xi32> to vector<16x1xi32>
      %gather3A_696 = vector.shape_cast %broadcast_in_dim3A_695 : vector<16x1xi32> to vector<16xi32>
      %gather3A_697 = tpu.dynamic_gather %add3A_694[%gather3A_696] in [0] : vector<16xf32>, vector<16xi32> -> vector<16xf32>
      %add3A_698 = arith.addf %add3A_694, %gather3A_697 : vector<16xf32>
      %broadcast_in_dim3A_699 = vector.shape_cast %select_n3A_166 : vector<16xi32> to vector<16x1xi32>
      %gather3A_700 = vector.shape_cast %broadcast_in_dim3A_699 : vector<16x1xi32> to vector<16xi32>
      %gather3A_701 = tpu.dynamic_gather %add3A_698[%gather3A_700] in [0] : vector<16xf32>, vector<16xi32> -> vector<16xf32>
      %add3A_702 = arith.addf %add3A_698, %gather3A_701 : vector<16xf32>
      %jit3A_703 = arith.constant 0.000000e+00 : f32
      %broadcast_in_dim3A_704 = vector.broadcast %jit3A_703 : f32 to vector<16xf32>
      %select_n3A_705 = arith.select %eq3A_60, %add3A_702, %broadcast_in_dim3A_704 : vector<16xi1>, vector<16xf32>
      %add3A_706 = arith.addf %add3A_662, %select_n3A_705 : vector<16xf32>
      %add3A_707 = arith.constant 12 : i32
      %add3A_708 = arith.addi %mul3A_175, %add3A_707 : i32
      %mul3A_709 = arith.constant 32 : i32
      %mul3A_710 = arith.muli %add3A_708, %mul3A_709 : i32
      %multiple_of3A_711 = tpu.assume_multiple %mul3A_710, 8 : i32
      %get3A_712 = arith.index_cast %multiple_of3A_711 : i32 to index
      %get3A_713 = tpu.vector_load %arg10[%get3A_712] {strides = array<i32>} : memref<16384xf32, #tpu.memory_space<vmem>>, vector<16xf32>,
      %get3A_714 = vector.shape_cast %get3A_713 : vector<16xf32> to vector<16xf32>
      %get3A_715 = arith.index_cast %add3A_708 : i32 to index
      %get3A_716 = arith.constant 0 : index
      %get3A_717 = tpu.vector_load %arg9[%get3A_715, %get3A_716] {strides = array<i32>} : memref<512x32xf32, #tpu.memory_space<vmem>>, vector<1x16xf32>,
      %get3A_718 = vector.shape_cast %get3A_717 : vector<1x16xf32> to vector<16xf32>
      %mul3A_719 = arith.mulf %get3A_714, %get3A_718 : vector<16xf32>
      %add3A_720 = arith.constant 16 : i32
      %add3A_721 = arith.addi %multiple_of3A_711, %add3A_720 : i32
      %get3A_722 = arith.index_cast %add3A_721 : i32 to index
      %get3A_723 = tpu.vector_load %arg10[%get3A_722] {strides = array<i32>} : memref<16384xf32, #tpu.memory_space<vmem>>, vector<16xf32>,
      %get3A_724 = vector.shape_cast %get3A_723 : vector<16xf32> to vector<16xf32>
      %get3A_725 = arith.index_cast %add3A_708 : i32 to index
      %get3A_726 = arith.constant 16 : index
      %get3A_727 = tpu.vector_load %arg9[%get3A_725, %get3A_726] {strides = array<i32>} : memref<512x32xf32, #tpu.memory_space<vmem>>, vector<1x16xf32>,
      %get3A_728 = vector.shape_cast %get3A_727 : vector<1x16xf32> to vector<16xf32>
      %mul3A_729 = arith.mulf %get3A_724, %get3A_728 : vector<16xf32>
      %add3A_730 = arith.addf %mul3A_719, %mul3A_729 : vector<16xf32>
      %broadcast_in_dim3A_731 = vector.shape_cast %select_n3A_91 : vector<16xi32> to vector<16x1xi32>
      %gather3A_732 = vector.shape_cast %broadcast_in_dim3A_731 : vector<16x1xi32> to vector<16xi32>
      %gather3A_733 = tpu.dynamic_gather %add3A_730[%gather3A_732] in [0] : vector<16xf32>, vector<16xi32> -> vector<16xf32>
      %add3A_734 = arith.addf %add3A_730, %gather3A_733 : vector<16xf32>
      %broadcast_in_dim3A_735 = vector.shape_cast %select_n3A_116 : vector<16xi32> to vector<16x1xi32>
      %gather3A_736 = vector.shape_cast %broadcast_in_dim3A_735 : vector<16x1xi32> to vector<16xi32>
      %gather3A_737 = tpu.dynamic_gather %add3A_734[%gather3A_736] in [0] : vector<16xf32>, vector<16xi32> -> vector<16xf32>
      %add3A_738 = arith.addf %add3A_734, %gather3A_737 : vector<16xf32>
      %broadcast_in_dim3A_739 = vector.shape_cast %select_n3A_141 : vector<16xi32> to vector<16x1xi32>
      %gather3A_740 = vector.shape_cast %broadcast_in_dim3A_739 : vector<16x1xi32> to vector<16xi32>
      %gather3A_741 = tpu.dynamic_gather %add3A_738[%gather3A_740] in [0] : vector<16xf32>, vector<16xi32> -> vector<16xf32>
      %add3A_742 = arith.addf %add3A_738, %gather3A_741 : vector<16xf32>
      %broadcast_in_dim3A_743 = vector.shape_cast %select_n3A_166 : vector<16xi32> to vector<16x1xi32>
      %gather3A_744 = vector.shape_cast %broadcast_in_dim3A_743 : vector<16x1xi32> to vector<16xi32>
      %gather3A_745 = tpu.dynamic_gather %add3A_742[%gather3A_744] in [0] : vector<16xf32>, vector<16xi32> -> vector<16xf32>
      %add3A_746 = arith.addf %add3A_742, %gather3A_745 : vector<16xf32>
      %jit3A_747 = arith.constant 0.000000e+00 : f32
      %broadcast_in_dim3A_748 = vector.broadcast %jit3A_747 : f32 to vector<16xf32>
      %select_n3A_749 = arith.select %eq3A_63, %add3A_746, %broadcast_in_dim3A_748 : vector<16xi1>, vector<16xf32>
      %add3A_750 = arith.addf %add3A_706, %select_n3A_749 : vector<16xf32>
      %add3A_751 = arith.constant 13 : i32
      %add3A_752 = arith.addi %mul3A_175, %add3A_751 : i32
      %mul3A_753 = arith.constant 32 : i32
      %mul3A_754 = arith.muli %add3A_752, %mul3A_753 : i32
      %multiple_of3A_755 = tpu.assume_multiple %mul3A_754, 8 : i32
      %get3A_756 = arith.index_cast %multiple_of3A_755 : i32 to index
      %get3A_757 = tpu.vector_load %arg10[%get3A_756] {strides = array<i32>} : memref<16384xf32, #tpu.memory_space<vmem>>, vector<16xf32>,
      %get3A_758 = vector.shape_cast %get3A_757 : vector<16xf32> to vector<16xf32>
      %get3A_759 = arith.index_cast %add3A_752 : i32 to index
      %get3A_760 = arith.constant 0 : index
      %get3A_761 = tpu.vector_load %arg9[%get3A_759, %get3A_760] {strides = array<i32>} : memref<512x32xf32, #tpu.memory_space<vmem>>, vector<1x16xf32>,
      %get3A_762 = vector.shape_cast %get3A_761 : vector<1x16xf32> to vector<16xf32>
      %mul3A_763 = arith.mulf %get3A_758, %get3A_762 : vector<16xf32>
      %add3A_764 = arith.constant 16 : i32
      %add3A_765 = arith.addi %multiple_of3A_755, %add3A_764 : i32
      %get3A_766 = arith.index_cast %add3A_765 : i32 to index
      %get3A_767 = tpu.vector_load %arg10[%get3A_766] {strides = array<i32>} : memref<16384xf32, #tpu.memory_space<vmem>>, vector<16xf32>,
      %get3A_768 = vector.shape_cast %get3A_767 : vector<16xf32> to vector<16xf32>
      %get3A_769 = arith.index_cast %add3A_752 : i32 to index
      %get3A_770 = arith.constant 16 : index
      %get3A_771 = tpu.vector_load %arg9[%get3A_769, %get3A_770] {strides = array<i32>} : memref<512x32xf32, #tpu.memory_space<vmem>>, vector<1x16xf32>,
      %get3A_772 = vector.shape_cast %get3A_771 : vector<1x16xf32> to vector<16xf32>
      %mul3A_773 = arith.mulf %get3A_768, %get3A_772 : vector<16xf32>
      %add3A_774 = arith.addf %mul3A_763, %mul3A_773 : vector<16xf32>
      %broadcast_in_dim3A_775 = vector.shape_cast %select_n3A_91 : vector<16xi32> to vector<16x1xi32>
      %gather3A_776 = vector.shape_cast %broadcast_in_dim3A_775 : vector<16x1xi32> to vector<16xi32>
      %gather3A_777 = tpu.dynamic_gather %add3A_774[%gather3A_776] in [0] : vector<16xf32>, vector<16xi32> -> vector<16xf32>
      %add3A_778 = arith.addf %add3A_774, %gather3A_777 : vector<16xf32>
      %broadcast_in_dim3A_779 = vector.shape_cast %select_n3A_116 : vector<16xi32> to vector<16x1xi32>
      %gather3A_780 = vector.shape_cast %broadcast_in_dim3A_779 : vector<16x1xi32> to vector<16xi32>
      %gather3A_781 = tpu.dynamic_gather %add3A_778[%gather3A_780] in [0] : vector<16xf32>, vector<16xi32> -> vector<16xf32>
      %add3A_782 = arith.addf %add3A_778, %gather3A_781 : vector<16xf32>
      %broadcast_in_dim3A_783 = vector.shape_cast %select_n3A_141 : vector<16xi32> to vector<16x1xi32>
      %gather3A_784 = vector.shape_cast %broadcast_in_dim3A_783 : vector<16x1xi32> to vector<16xi32>
      %gather3A_785 = tpu.dynamic_gather %add3A_782[%gather3A_784] in [0] : vector<16xf32>, vector<16xi32> -> vector<16xf32>
      %add3A_786 = arith.addf %add3A_782, %gather3A_785 : vector<16xf32>
      %broadcast_in_dim3A_787 = vector.shape_cast %select_n3A_166 : vector<16xi32> to vector<16x1xi32>
      %gather3A_788 = vector.shape_cast %broadcast_in_dim3A_787 : vector<16x1xi32> to vector<16xi32>
      %gather3A_789 = tpu.dynamic_gather %add3A_786[%gather3A_788] in [0] : vector<16xf32>, vector<16xi32> -> vector<16xf32>
      %add3A_790 = arith.addf %add3A_786, %gather3A_789 : vector<16xf32>
      %jit3A_791 = arith.constant 0.000000e+00 : f32
      %broadcast_in_dim3A_792 = vector.broadcast %jit3A_791 : f32 to vector<16xf32>
      %select_n3A_793 = arith.select %eq3A_66, %add3A_790, %broadcast_in_dim3A_792 : vector<16xi1>, vector<16xf32>
      %add3A_794 = arith.addf %add3A_750, %select_n3A_793 : vector<16xf32>
      %add3A_795 = arith.constant 14 : i32
      %add3A_796 = arith.addi %mul3A_175, %add3A_795 : i32
      %mul3A_797 = arith.constant 32 : i32
      %mul3A_798 = arith.muli %add3A_796, %mul3A_797 : i32
      %multiple_of3A_799 = tpu.assume_multiple %mul3A_798, 8 : i32
      %get3A_800 = arith.index_cast %multiple_of3A_799 : i32 to index
      %get3A_801 = tpu.vector_load %arg10[%get3A_800] {strides = array<i32>} : memref<16384xf32, #tpu.memory_space<vmem>>, vector<16xf32>,
      %get3A_802 = vector.shape_cast %get3A_801 : vector<16xf32> to vector<16xf32>
      %get3A_803 = arith.index_cast %add3A_796 : i32 to index
      %get3A_804 = arith.constant 0 : index
      %get3A_805 = tpu.vector_load %arg9[%get3A_803, %get3A_804] {strides = array<i32>} : memref<512x32xf32, #tpu.memory_space<vmem>>, vector<1x16xf32>,
      %get3A_806 = vector.shape_cast %get3A_805 : vector<1x16xf32> to vector<16xf32>
      %mul3A_807 = arith.mulf %get3A_802, %get3A_806 : vector<16xf32>
      %add3A_808 = arith.constant 16 : i32
      %add3A_809 = arith.addi %multiple_of3A_799, %add3A_808 : i32
      %get3A_810 = arith.index_cast %add3A_809 : i32 to index
      %get3A_811 = tpu.vector_load %arg10[%get3A_810] {strides = array<i32>} : memref<16384xf32, #tpu.memory_space<vmem>>, vector<16xf32>,
      %get3A_812 = vector.shape_cast %get3A_811 : vector<16xf32> to vector<16xf32>
      %get3A_813 = arith.index_cast %add3A_796 : i32 to index
      %get3A_814 = arith.constant 16 : index
      %get3A_815 = tpu.vector_load %arg9[%get3A_813, %get3A_814] {strides = array<i32>} : memref<512x32xf32, #tpu.memory_space<vmem>>, vector<1x16xf32>,
      %get3A_816 = vector.shape_cast %get3A_815 : vector<1x16xf32> to vector<16xf32>
      %mul3A_817 = arith.mulf %get3A_812, %get3A_816 : vector<16xf32>
      %add3A_818 = arith.addf %mul3A_807, %mul3A_817 : vector<16xf32>
      %broadcast_in_dim3A_819 = vector.shape_cast %select_n3A_91 : vector<16xi32> to vector<16x1xi32>
      %gather3A_820 = vector.shape_cast %broadcast_in_dim3A_819 : vector<16x1xi32> to vector<16xi32>
      %gather3A_821 = tpu.dynamic_gather %add3A_818[%gather3A_820] in [0] : vector<16xf32>, vector<16xi32> -> vector<16xf32>
      %add3A_822 = arith.addf %add3A_818, %gather3A_821 : vector<16xf32>
      %broadcast_in_dim3A_823 = vector.shape_cast %select_n3A_116 : vector<16xi32> to vector<16x1xi32>
      %gather3A_824 = vector.shape_cast %broadcast_in_dim3A_823 : vector<16x1xi32> to vector<16xi32>
      %gather3A_825 = tpu.dynamic_gather %add3A_822[%gather3A_824] in [0] : vector<16xf32>, vector<16xi32> -> vector<16xf32>
      %add3A_826 = arith.addf %add3A_822, %gather3A_825 : vector<16xf32>
      %broadcast_in_dim3A_827 = vector.shape_cast %select_n3A_141 : vector<16xi32> to vector<16x1xi32>
      %gather3A_828 = vector.shape_cast %broadcast_in_dim3A_827 : vector<16x1xi32> to vector<16xi32>
      %gather3A_829 = tpu.dynamic_gather %add3A_826[%gather3A_828] in [0] : vector<16xf32>, vector<16xi32> -> vector<16xf32>
      %add3A_830 = arith.addf %add3A_826, %gather3A_829 : vector<16xf32>
      %broadcast_in_dim3A_831 = vector.shape_cast %select_n3A_166 : vector<16xi32> to vector<16x1xi32>
      %gather3A_832 = vector.shape_cast %broadcast_in_dim3A_831 : vector<16x1xi32> to vector<16xi32>
      %gather3A_833 = tpu.dynamic_gather %add3A_830[%gather3A_832] in [0] : vector<16xf32>, vector<16xi32> -> vector<16xf32>
      %add3A_834 = arith.addf %add3A_830, %gather3A_833 : vector<16xf32>
      %jit3A_835 = arith.constant 0.000000e+00 : f32
      %broadcast_in_dim3A_836 = vector.broadcast %jit3A_835 : f32 to vector<16xf32>
      %select_n3A_837 = arith.select %eq3A_69, %add3A_834, %broadcast_in_dim3A_836 : vector<16xi1>, vector<16xf32>
      %add3A_838 = arith.addf %add3A_794, %select_n3A_837 : vector<16xf32>
      %add3A_839 = arith.constant 15 : i32
      %add3A_840 = arith.addi %mul3A_175, %add3A_839 : i32
      %mul3A_841 = arith.constant 32 : i32
      %mul3A_842 = arith.muli %add3A_840, %mul3A_841 : i32
      %multiple_of3A_843 = tpu.assume_multiple %mul3A_842, 8 : i32
      %get3A_844 = arith.index_cast %multiple_of3A_843 : i32 to index
      %get3A_845 = tpu.vector_load %arg10[%get3A_844] {strides = array<i32>} : memref<16384xf32, #tpu.memory_space<vmem>>, vector<16xf32>,
      %get3A_846 = vector.shape_cast %get3A_845 : vector<16xf32> to vector<16xf32>
      %get3A_847 = arith.index_cast %add3A_840 : i32 to index
      %get3A_848 = arith.constant 0 : index
      %get3A_849 = tpu.vector_load %arg9[%get3A_847, %get3A_848] {strides = array<i32>} : memref<512x32xf32, #tpu.memory_space<vmem>>, vector<1x16xf32>,
      %get3A_850 = vector.shape_cast %get3A_849 : vector<1x16xf32> to vector<16xf32>
      %mul3A_851 = arith.mulf %get3A_846, %get3A_850 : vector<16xf32>
      %add3A_852 = arith.constant 16 : i32
      %add3A_853 = arith.addi %multiple_of3A_843, %add3A_852 : i32
      %get3A_854 = arith.index_cast %add3A_853 : i32 to index
      %get3A_855 = tpu.vector_load %arg10[%get3A_854] {strides = array<i32>} : memref<16384xf32, #tpu.memory_space<vmem>>, vector<16xf32>,
      %get3A_856 = vector.shape_cast %get3A_855 : vector<16xf32> to vector<16xf32>
      %get3A_857 = arith.index_cast %add3A_840 : i32 to index
      %get3A_858 = arith.constant 16 : index
      %get3A_859 = tpu.vector_load %arg9[%get3A_857, %get3A_858] {strides = array<i32>} : memref<512x32xf32, #tpu.memory_space<vmem>>, vector<1x16xf32>,
      %get3A_860 = vector.shape_cast %get3A_859 : vector<1x16xf32> to vector<16xf32>
      %mul3A_861 = arith.mulf %get3A_856, %get3A_860 : vector<16xf32>
      %add3A_862 = arith.addf %mul3A_851, %mul3A_861 : vector<16xf32>
      %broadcast_in_dim3A_863 = vector.shape_cast %select_n3A_91 : vector<16xi32> to vector<16x1xi32>
      %gather3A_864 = vector.shape_cast %broadcast_in_dim3A_863 : vector<16x1xi32> to vector<16xi32>
      %gather3A_865 = tpu.dynamic_gather %add3A_862[%gather3A_864] in [0] : vector<16xf32>, vector<16xi32> -> vector<16xf32>
      %add3A_866 = arith.addf %add3A_862, %gather3A_865 : vector<16xf32>
      %broadcast_in_dim3A_867 = vector.shape_cast %select_n3A_116 : vector<16xi32> to vector<16x1xi32>
      %gather3A_868 = vector.shape_cast %broadcast_in_dim3A_867 : vector<16x1xi32> to vector<16xi32>
      %gather3A_869 = tpu.dynamic_gather %add3A_866[%gather3A_868] in [0] : vector<16xf32>, vector<16xi32> -> vector<16xf32>
      %add3A_870 = arith.addf %add3A_866, %gather3A_869 : vector<16xf32>
      %broadcast_in_dim3A_871 = vector.shape_cast %select_n3A_141 : vector<16xi32> to vector<16x1xi32>
      %gather3A_872 = vector.shape_cast %broadcast_in_dim3A_871 : vector<16x1xi32> to vector<16xi32>
      %gather3A_873 = tpu.dynamic_gather %add3A_870[%gather3A_872] in [0] : vector<16xf32>, vector<16xi32> -> vector<16xf32>
      %add3A_874 = arith.addf %add3A_870, %gather3A_873 : vector<16xf32>
      %broadcast_in_dim3A_875 = vector.shape_cast %select_n3A_166 : vector<16xi32> to vector<16x1xi32>
      %gather3A_876 = vector.shape_cast %broadcast_in_dim3A_875 : vector<16x1xi32> to vector<16xi32>
      %gather3A_877 = tpu.dynamic_gather %add3A_874[%gather3A_876] in [0] : vector<16xf32>, vector<16xi32> -> vector<16xf32>
      %add3A_878 = arith.addf %add3A_874, %gather3A_877 : vector<16xf32>
      %jit3A_879 = arith.constant 0.000000e+00 : f32
      %broadcast_in_dim3A_880 = vector.broadcast %jit3A_879 : f32 to vector<16xf32>
      %select_n3A_881 = arith.select %eq3A_72, %add3A_878, %broadcast_in_dim3A_880 : vector<16xi1>, vector<16xf32>
      %add3A_882 = arith.addf %add3A_838, %select_n3A_881 : vector<16xf32>
      %neg3A = arith.constant 0.000000e+00 : f32
      %neg3A_883 = vector.broadcast %neg3A : f32 to vector<16xf32>
      %neg3A_884 = arith.subf %neg3A_883, %add3A_882 : vector<16xf32>
      %exp3A = math.exp %neg3A_884 : vector<16xf32>
      %add3A_885 = arith.constant 1.000000e+00 : f32
      %add3A_886 = vector.broadcast %add3A_885 : f32 to vector<16xf32>
      %add3A_887 = arith.addf %add3A_886, %exp3A : vector<16xf32>
      %div3A = arith.constant 5.250000e+00 : f32
      %div3A_888 = vector.broadcast %div3A : f32 to vector<16xf32>
      %div3A_889 = arith.divf %div3A_888, %add3A_887 : vector<16xf32>
      %swap3A = arith.index_cast %mul3A_175 : i32 to index
      %swap3A_890 = tpu.vector_load %arg13[%swap3A] {strides = array<i32>} : memref<512xf32, #tpu.memory_space<vmem>>, vector<16xf32>,
      %swap3A_891 = vector.shape_cast %swap3A_890 : vector<16xf32> to vector<16xf32>
      %swap3A_892 = vector.shape_cast %div3A_889 : vector<16xf32> to vector<16xf32>
      tpu.vector_store %arg13[%swap3A], %swap3A_892 {strides = array<i32>} : memref<512xf32, #tpu.memory_space<vmem>>, vector<16xf32>,
    }
    %scan3A_172 = arith.constant 32 : i32
    "tpu.region"() ({
      %run_scoped3A = tpu.sem_alloc : memref<!tpu.dma_semaphore, #tpu.memory_space<semaphore_mem>>
      %dma_start3A_173 = tpu.memref_slice %arg7[%mul3A_2] : memref<16384xf32, #tpu.memory_space<hbm>> -> memref<512xf32, #tpu.memory_space<hbm>>
      %dma_start3A_174 = tpu.memref_slice %arg7[%mul3A_2] : memref<16384xf32, #tpu.memory_space<hbm>> -> memref<512xf32, #tpu.memory_space<hbm>>
      tpu.enqueue_dma source(%arg13 : memref<512xf32, #tpu.memory_space<vmem>>) target(%dma_start3A_174 : memref<512xf32, #tpu.memory_space<hbm>>) target_semaphore(%run_scoped3A : memref<!tpu.dma_semaphore, #tpu.memory_space<semaphore_mem>>)
      %dma_wait3A_175 = tpu.memref_slice %arg7[%mul3A_2] : memref<16384xf32, #tpu.memory_space<hbm>> -> memref<512xf32, #tpu.memory_space<hbm>>
      %dma_wait3A_176 = tpu.memref_slice %arg7[%mul3A_2] : memref<16384xf32, #tpu.memory_space<hbm>> -> memref<512xf32, #tpu.memory_space<hbm>>
      tpu.wait_dma2 semaphore(%run_scoped3A : memref<!tpu.dma_semaphore, #tpu.memory_space<semaphore_mem>>) src(%arg13 : memref<512xf32, #tpu.memory_space<vmem>>) dst(%dma_wait3A_176 : memref<512xf32, #tpu.memory_space<hbm>>)
      tpu.yield
    }) : () -> ()
    return
  }
}

#map = affine_map<(d0, d1) -> (0)>
#map1 = affine_map<(d0, d1) -> (0, 0)>
module attributes {stable_mosaic.version = 14 : i64} {
  func.func @_user_body(%arg0: i32, %arg1: i32, %arg2: memref<16384xi32, #tpu.memory_space<hbm>>, %arg3: memref<1000000x32xf32, #tpu.memory_space<hbm>>, %arg4: memref<1000000xf32, #tpu.memory_space<hbm>>, %arg5: memref<524288xf32, #tpu.memory_space<hbm>>, %arg6: memref<16384xf32, #tpu.memory_space<hbm>>, %arg7: memref<512xi32, #tpu.memory_space<vmem>>, %arg8: memref<512x32xf32, #tpu.memory_space<vmem>>, %arg9: memref<16384xf32, #tpu.memory_space<vmem>>, %arg10: memref<8192xf32, #tpu.memory_space<vmem>>, %arg11: memref<512xf32, #tpu.memory_space<vmem>>, %arg12: memref<!tpu.dma_semaphore, #tpu.memory_space<semaphore_mem>>, %arg13: memref<!tpu.dma_semaphore, #tpu.memory_space<semaphore_mem>>) attributes {dimension_semantics = [#tpu.dimension_semantics<core_parallel>, #tpu.dimension_semantics<subcore_parallel>], iteration_bounds = array<i64: 2, 16>, scalar_prefetch = 0 : i64, scratch_operands = 7 : i64, tpu.core_type = #tpu.core_type<sc_vector_subcore>, window_params = [{transform_indices = #map}, {transform_indices = #map1}, {transform_indices = #map}, {transform_indices = #map}, {transform_indices = #map}]} {
    %mul3A = arith.constant 2 : i32
    %mul3A_0 = arith.muli %arg1, %mul3A : i32
    %add3A = arith.addi %mul3A_0, %arg0 : i32
    %mul3A_1 = arith.constant 512 : i32
    %mul3A_2 = arith.muli %add3A, %mul3A_1 : i32
    "tpu.region"() ({
      %run_scoped3A = tpu.sem_alloc : memref<!tpu.dma_semaphore, #tpu.memory_space<semaphore_mem>>
      %dma_start3A = tpu.memref_slice %arg2[%mul3A_2] : memref<16384xi32, #tpu.memory_space<hbm>> -> memref<512xi32, #tpu.memory_space<hbm>>
      %dma_start3A_78 = tpu.memref_slice %arg2[%mul3A_2] : memref<16384xi32, #tpu.memory_space<hbm>> -> memref<512xi32, #tpu.memory_space<hbm>>
      tpu.enqueue_dma source(%dma_start3A_78 : memref<512xi32, #tpu.memory_space<hbm>>) target(%arg7 : memref<512xi32, #tpu.memory_space<vmem>>) target_semaphore(%run_scoped3A : memref<!tpu.dma_semaphore, #tpu.memory_space<semaphore_mem>>)
      %dma_wait3A_79 = tpu.memref_slice %arg2[%mul3A_2] : memref<16384xi32, #tpu.memory_space<hbm>> -> memref<512xi32, #tpu.memory_space<hbm>>
      %dma_wait3A_80 = tpu.memref_slice %arg2[%mul3A_2] : memref<16384xi32, #tpu.memory_space<hbm>> -> memref<512xi32, #tpu.memory_space<hbm>>
      tpu.wait_dma2 semaphore(%run_scoped3A : memref<!tpu.dma_semaphore, #tpu.memory_space<semaphore_mem>>) src(%dma_wait3A_80 : memref<512xi32, #tpu.memory_space<hbm>>) dst(%arg7 : memref<512xi32, #tpu.memory_space<vmem>>)
      tpu.yield
    }) : () -> ()
    %scan3A = arith.constant 0 : i32
    %scan3A_3 = arith.constant 0 : i32
    %scan3A_4 = arith.constant 32 : i32
    %scan3A_5 = arith.addi %scan3A_3, %scan3A_4 : i32
    %scan3A_6 = arith.constant 1 : i32
    scf.for %scan3A_78 = %scan3A_3 to %scan3A_5 step %scan3A_6  : i32 {
      %mul3A_79 = arith.constant 16 : i32
      %mul3A_80 = arith.muli %scan3A_78, %mul3A_79 : i32
      %get3A = arith.index_cast %mul3A_80 : i32 to index
      %get3A_81 = tpu.vector_load %arg7[%get3A] {strides = array<i32>} : memref<512xi32, #tpu.memory_space<vmem>>, vector<16xi32>,
      %get3A_82 = vector.shape_cast %get3A_81 : vector<16xi32> to vector<16xi32>
      %add3A_83 = arith.constant 0 : i32
      %add3A_84 = arith.addi %mul3A_80, %add3A_83 : i32
      %slice3A = vector.extract_strided_slice %get3A_82 {offsets = [0], sizes = [1], strides = [1]} : vector<16xi32> to vector<1xi32>
      %squeeze3A = vector.extract %slice3A[0] : i32 from vector<1xi32>
      %dma_start3A = arith.constant 0 : i32
      %dma_start3A_85 = tpu.memref_slice %arg8[%add3A_84, %dma_start3A] : memref<512x32xf32, #tpu.memory_space<vmem>> -> memref<1x32xf32, #tpu.memory_space<vmem>>
      %dma_start3A_86 = arith.constant 0 : i32
      %dma_start3A_87 = tpu.memref_slice %arg3[%squeeze3A, %dma_start3A_86] : memref<1000000x32xf32, #tpu.memory_space<hbm>> -> memref<1x32xf32, #tpu.memory_space<hbm>>
      %dma_start3A_88 = arith.constant 0 : i32
      %dma_start3A_89 = tpu.memref_slice %arg8[%add3A_84, %dma_start3A_88] : memref<512x32xf32, #tpu.memory_space<vmem>> -> memref<1x32xf32, #tpu.memory_space<vmem>>
      %dma_start3A_90 = arith.constant 0 : i32
      %dma_start3A_91 = tpu.memref_slice %arg3[%squeeze3A, %dma_start3A_90] : memref<1000000x32xf32, #tpu.memory_space<hbm>> -> memref<1x32xf32, #tpu.memory_space<hbm>>
      tpu.enqueue_dma source(%dma_start3A_91 : memref<1x32xf32, #tpu.memory_space<hbm>>) target(%dma_start3A_89 : memref<1x32xf32, #tpu.memory_space<vmem>>) target_semaphore(%arg12 : memref<!tpu.dma_semaphore, #tpu.memory_space<semaphore_mem>>)
      %slice3A_92 = vector.extract_strided_slice %get3A_82 {offsets = [0], sizes = [1], strides = [1]} : vector<16xi32> to vector<1xi32>
      %squeeze3A_93 = vector.extract %slice3A_92[0] : i32 from vector<1xi32>
      %and3A = arith.constant -8 : i32
      %and3A_94 = arith.andi %squeeze3A_93, %and3A : i32
      %min3A = arith.constant 999984 : i32
      %min3A_95 = arith.minsi %and3A_94, %min3A : i32
      %multiple_of3A = tpu.assume_multiple %min3A_95, 8 : i32
      %mul3A_96 = arith.constant 16 : i32
      %mul3A_97 = arith.muli %add3A_84, %mul3A_96 : i32
      %multiple_of3A_98 = tpu.assume_multiple %mul3A_97, 8 : i32
      %dma_start3A_99 = tpu.memref_slice %arg10[%multiple_of3A_98] : memref<8192xf32, #tpu.memory_space<vmem>> -> memref<16xf32, #tpu.memory_space<vmem>>
      %dma_start3A_100 = tpu.memref_slice %arg4[%multiple_of3A] : memref<1000000xf32, #tpu.memory_space<hbm>> -> memref<16xf32, #tpu.memory_space<hbm>>
      %dma_start3A_101 = tpu.memref_slice %arg10[%multiple_of3A_98] : memref<8192xf32, #tpu.memory_space<vmem>> -> memref<16xf32, #tpu.memory_space<vmem>>
      %dma_start3A_102 = tpu.memref_slice %arg4[%multiple_of3A] : memref<1000000xf32, #tpu.memory_space<hbm>> -> memref<16xf32, #tpu.memory_space<hbm>>
      tpu.enqueue_dma source(%dma_start3A_102 : memref<16xf32, #tpu.memory_space<hbm>>) target(%dma_start3A_101 : memref<16xf32, #tpu.memory_space<vmem>>) target_semaphore(%arg13 : memref<!tpu.dma_semaphore, #tpu.memory_space<semaphore_mem>>)
      %add3A_103 = arith.constant 1 : i32
      %add3A_104 = arith.addi %mul3A_80, %add3A_103 : i32
      %slice3A_105 = vector.extract_strided_slice %get3A_82 {offsets = [1], sizes = [1], strides = [1]} : vector<16xi32> to vector<1xi32>
      %squeeze3A_106 = vector.extract %slice3A_105[0] : i32 from vector<1xi32>
      %dma_start3A_107 = arith.constant 0 : i32
      %dma_start3A_108 = tpu.memref_slice %arg8[%add3A_104, %dma_start3A_107] : memref<512x32xf32, #tpu.memory_space<vmem>> -> memref<1x32xf32, #tpu.memory_space<vmem>>
      %dma_start3A_109 = arith.constant 0 : i32
      %dma_start3A_110 = tpu.memref_slice %arg3[%squeeze3A_106, %dma_start3A_109] : memref<1000000x32xf32, #tpu.memory_space<hbm>> -> memref<1x32xf32, #tpu.memory_space<hbm>>
      %dma_start3A_111 = arith.constant 0 : i32
      %dma_start3A_112 = tpu.memref_slice %arg8[%add3A_104, %dma_start3A_111] : memref<512x32xf32, #tpu.memory_space<vmem>> -> memref<1x32xf32, #tpu.memory_space<vmem>>
      %dma_start3A_113 = arith.constant 0 : i32
      %dma_start3A_114 = tpu.memref_slice %arg3[%squeeze3A_106, %dma_start3A_113] : memref<1000000x32xf32, #tpu.memory_space<hbm>> -> memref<1x32xf32, #tpu.memory_space<hbm>>
      tpu.enqueue_dma source(%dma_start3A_114 : memref<1x32xf32, #tpu.memory_space<hbm>>) target(%dma_start3A_112 : memref<1x32xf32, #tpu.memory_space<vmem>>) target_semaphore(%arg12 : memref<!tpu.dma_semaphore, #tpu.memory_space<semaphore_mem>>)
      %slice3A_115 = vector.extract_strided_slice %get3A_82 {offsets = [1], sizes = [1], strides = [1]} : vector<16xi32> to vector<1xi32>
      %squeeze3A_116 = vector.extract %slice3A_115[0] : i32 from vector<1xi32>
      %and3A_117 = arith.constant -8 : i32
      %and3A_118 = arith.andi %squeeze3A_116, %and3A_117 : i32
      %min3A_119 = arith.constant 999984 : i32
      %min3A_120 = arith.minsi %and3A_118, %min3A_119 : i32
      %multiple_of3A_121 = tpu.assume_multiple %min3A_120, 8 : i32
      %mul3A_122 = arith.constant 16 : i32
      %mul3A_123 = arith.muli %add3A_104, %mul3A_122 : i32
      %multiple_of3A_124 = tpu.assume_multiple %mul3A_123, 8 : i32
      %dma_start3A_125 = tpu.memref_slice %arg10[%multiple_of3A_124] : memref<8192xf32, #tpu.memory_space<vmem>> -> memref<16xf32, #tpu.memory_space<vmem>>
      %dma_start3A_126 = tpu.memref_slice %arg4[%multiple_of3A_121] : memref<1000000xf32, #tpu.memory_space<hbm>> -> memref<16xf32, #tpu.memory_space<hbm>>
      %dma_start3A_127 = tpu.memref_slice %arg10[%multiple_of3A_124] : memref<8192xf32, #tpu.memory_space<vmem>> -> memref<16xf32, #tpu.memory_space<vmem>>
      %dma_start3A_128 = tpu.memref_slice %arg4[%multiple_of3A_121] : memref<1000000xf32, #tpu.memory_space<hbm>> -> memref<16xf32, #tpu.memory_space<hbm>>
      tpu.enqueue_dma source(%dma_start3A_128 : memref<16xf32, #tpu.memory_space<hbm>>) target(%dma_start3A_127 : memref<16xf32, #tpu.memory_space<vmem>>) target_semaphore(%arg13 : memref<!tpu.dma_semaphore, #tpu.memory_space<semaphore_mem>>)
      %add3A_129 = arith.constant 2 : i32
      %add3A_130 = arith.addi %mul3A_80, %add3A_129 : i32
      %slice3A_131 = vector.extract_strided_slice %get3A_82 {offsets = [2], sizes = [1], strides = [1]} : vector<16xi32> to vector<1xi32>
      %squeeze3A_132 = vector.extract %slice3A_131[0] : i32 from vector<1xi32>
      %dma_start3A_133 = arith.constant 0 : i32
      %dma_start3A_134 = tpu.memref_slice %arg8[%add3A_130, %dma_start3A_133] : memref<512x32xf32, #tpu.memory_space<vmem>> -> memref<1x32xf32, #tpu.memory_space<vmem>>
      %dma_start3A_135 = arith.constant 0 : i32
      %dma_start3A_136 = tpu.memref_slice %arg3[%squeeze3A_132, %dma_start3A_135] : memref<1000000x32xf32, #tpu.memory_space<hbm>> -> memref<1x32xf32, #tpu.memory_space<hbm>>
      %dma_start3A_137 = arith.constant 0 : i32
      %dma_start3A_138 = tpu.memref_slice %arg8[%add3A_130, %dma_start3A_137] : memref<512x32xf32, #tpu.memory_space<vmem>> -> memref<1x32xf32, #tpu.memory_space<vmem>>
      %dma_start3A_139 = arith.constant 0 : i32
      %dma_start3A_140 = tpu.memref_slice %arg3[%squeeze3A_132, %dma_start3A_139] : memref<1000000x32xf32, #tpu.memory_space<hbm>> -> memref<1x32xf32, #tpu.memory_space<hbm>>
      tpu.enqueue_dma source(%dma_start3A_140 : memref<1x32xf32, #tpu.memory_space<hbm>>) target(%dma_start3A_138 : memref<1x32xf32, #tpu.memory_space<vmem>>) target_semaphore(%arg12 : memref<!tpu.dma_semaphore, #tpu.memory_space<semaphore_mem>>)
      %slice3A_141 = vector.extract_strided_slice %get3A_82 {offsets = [2], sizes = [1], strides = [1]} : vector<16xi32> to vector<1xi32>
      %squeeze3A_142 = vector.extract %slice3A_141[0] : i32 from vector<1xi32>
      %and3A_143 = arith.constant -8 : i32
      %and3A_144 = arith.andi %squeeze3A_142, %and3A_143 : i32
      %min3A_145 = arith.constant 999984 : i32
      %min3A_146 = arith.minsi %and3A_144, %min3A_145 : i32
      %multiple_of3A_147 = tpu.assume_multiple %min3A_146, 8 : i32
      %mul3A_148 = arith.constant 16 : i32
      %mul3A_149 = arith.muli %add3A_130, %mul3A_148 : i32
      %multiple_of3A_150 = tpu.assume_multiple %mul3A_149, 8 : i32
      %dma_start3A_151 = tpu.memref_slice %arg10[%multiple_of3A_150] : memref<8192xf32, #tpu.memory_space<vmem>> -> memref<16xf32, #tpu.memory_space<vmem>>
      %dma_start3A_152 = tpu.memref_slice %arg4[%multiple_of3A_147] : memref<1000000xf32, #tpu.memory_space<hbm>> -> memref<16xf32, #tpu.memory_space<hbm>>
      %dma_start3A_153 = tpu.memref_slice %arg10[%multiple_of3A_150] : memref<8192xf32, #tpu.memory_space<vmem>> -> memref<16xf32, #tpu.memory_space<vmem>>
      %dma_start3A_154 = tpu.memref_slice %arg4[%multiple_of3A_147] : memref<1000000xf32, #tpu.memory_space<hbm>> -> memref<16xf32, #tpu.memory_space<hbm>>
      tpu.enqueue_dma source(%dma_start3A_154 : memref<16xf32, #tpu.memory_space<hbm>>) target(%dma_start3A_153 : memref<16xf32, #tpu.memory_space<vmem>>) target_semaphore(%arg13 : memref<!tpu.dma_semaphore, #tpu.memory_space<semaphore_mem>>)
      %add3A_155 = arith.constant 3 : i32
      %add3A_156 = arith.addi %mul3A_80, %add3A_155 : i32
      %slice3A_157 = vector.extract_strided_slice %get3A_82 {offsets = [3], sizes = [1], strides = [1]} : vector<16xi32> to vector<1xi32>
      %squeeze3A_158 = vector.extract %slice3A_157[0] : i32 from vector<1xi32>
      %dma_start3A_159 = arith.constant 0 : i32
      %dma_start3A_160 = tpu.memref_slice %arg8[%add3A_156, %dma_start3A_159] : memref<512x32xf32, #tpu.memory_space<vmem>> -> memref<1x32xf32, #tpu.memory_space<vmem>>
      %dma_start3A_161 = arith.constant 0 : i32
      %dma_start3A_162 = tpu.memref_slice %arg3[%squeeze3A_158, %dma_start3A_161] : memref<1000000x32xf32, #tpu.memory_space<hbm>> -> memref<1x32xf32, #tpu.memory_space<hbm>>
      %dma_start3A_163 = arith.constant 0 : i32
      %dma_start3A_164 = tpu.memref_slice %arg8[%add3A_156, %dma_start3A_163] : memref<512x32xf32, #tpu.memory_space<vmem>> -> memref<1x32xf32, #tpu.memory_space<vmem>>
      %dma_start3A_165 = arith.constant 0 : i32
      %dma_start3A_166 = tpu.memref_slice %arg3[%squeeze3A_158, %dma_start3A_165] : memref<1000000x32xf32, #tpu.memory_space<hbm>> -> memref<1x32xf32, #tpu.memory_space<hbm>>
      tpu.enqueue_dma source(%dma_start3A_166 : memref<1x32xf32, #tpu.memory_space<hbm>>) target(%dma_start3A_164 : memref<1x32xf32, #tpu.memory_space<vmem>>) target_semaphore(%arg12 : memref<!tpu.dma_semaphore, #tpu.memory_space<semaphore_mem>>)
      %slice3A_167 = vector.extract_strided_slice %get3A_82 {offsets = [3], sizes = [1], strides = [1]} : vector<16xi32> to vector<1xi32>
      %squeeze3A_168 = vector.extract %slice3A_167[0] : i32 from vector<1xi32>
      %and3A_169 = arith.constant -8 : i32
      %and3A_170 = arith.andi %squeeze3A_168, %and3A_169 : i32
      %min3A_171 = arith.constant 999984 : i32
      %min3A_172 = arith.minsi %and3A_170, %min3A_171 : i32
      %multiple_of3A_173 = tpu.assume_multiple %min3A_172, 8 : i32
      %mul3A_174 = arith.constant 16 : i32
      %mul3A_175 = arith.muli %add3A_156, %mul3A_174 : i32
      %multiple_of3A_176 = tpu.assume_multiple %mul3A_175, 8 : i32
      %dma_start3A_177 = tpu.memref_slice %arg10[%multiple_of3A_176] : memref<8192xf32, #tpu.memory_space<vmem>> -> memref<16xf32, #tpu.memory_space<vmem>>
      %dma_start3A_178 = tpu.memref_slice %arg4[%multiple_of3A_173] : memref<1000000xf32, #tpu.memory_space<hbm>> -> memref<16xf32, #tpu.memory_space<hbm>>
      %dma_start3A_179 = tpu.memref_slice %arg10[%multiple_of3A_176] : memref<8192xf32, #tpu.memory_space<vmem>> -> memref<16xf32, #tpu.memory_space<vmem>>
      %dma_start3A_180 = tpu.memref_slice %arg4[%multiple_of3A_173] : memref<1000000xf32, #tpu.memory_space<hbm>> -> memref<16xf32, #tpu.memory_space<hbm>>
      tpu.enqueue_dma source(%dma_start3A_180 : memref<16xf32, #tpu.memory_space<hbm>>) target(%dma_start3A_179 : memref<16xf32, #tpu.memory_space<vmem>>) target_semaphore(%arg13 : memref<!tpu.dma_semaphore, #tpu.memory_space<semaphore_mem>>)
      %add3A_181 = arith.constant 4 : i32
      %add3A_182 = arith.addi %mul3A_80, %add3A_181 : i32
      %slice3A_183 = vector.extract_strided_slice %get3A_82 {offsets = [4], sizes = [1], strides = [1]} : vector<16xi32> to vector<1xi32>
      %squeeze3A_184 = vector.extract %slice3A_183[0] : i32 from vector<1xi32>
      %dma_start3A_185 = arith.constant 0 : i32
      %dma_start3A_186 = tpu.memref_slice %arg8[%add3A_182, %dma_start3A_185] : memref<512x32xf32, #tpu.memory_space<vmem>> -> memref<1x32xf32, #tpu.memory_space<vmem>>
      %dma_start3A_187 = arith.constant 0 : i32
      %dma_start3A_188 = tpu.memref_slice %arg3[%squeeze3A_184, %dma_start3A_187] : memref<1000000x32xf32, #tpu.memory_space<hbm>> -> memref<1x32xf32, #tpu.memory_space<hbm>>
      %dma_start3A_189 = arith.constant 0 : i32
      %dma_start3A_190 = tpu.memref_slice %arg8[%add3A_182, %dma_start3A_189] : memref<512x32xf32, #tpu.memory_space<vmem>> -> memref<1x32xf32, #tpu.memory_space<vmem>>
      %dma_start3A_191 = arith.constant 0 : i32
      %dma_start3A_192 = tpu.memref_slice %arg3[%squeeze3A_184, %dma_start3A_191] : memref<1000000x32xf32, #tpu.memory_space<hbm>> -> memref<1x32xf32, #tpu.memory_space<hbm>>
      tpu.enqueue_dma source(%dma_start3A_192 : memref<1x32xf32, #tpu.memory_space<hbm>>) target(%dma_start3A_190 : memref<1x32xf32, #tpu.memory_space<vmem>>) target_semaphore(%arg12 : memref<!tpu.dma_semaphore, #tpu.memory_space<semaphore_mem>>)
      %slice3A_193 = vector.extract_strided_slice %get3A_82 {offsets = [4], sizes = [1], strides = [1]} : vector<16xi32> to vector<1xi32>
      %squeeze3A_194 = vector.extract %slice3A_193[0] : i32 from vector<1xi32>
      %and3A_195 = arith.constant -8 : i32
      %and3A_196 = arith.andi %squeeze3A_194, %and3A_195 : i32
      %min3A_197 = arith.constant 999984 : i32
      %min3A_198 = arith.minsi %and3A_196, %min3A_197 : i32
      %multiple_of3A_199 = tpu.assume_multiple %min3A_198, 8 : i32
      %mul3A_200 = arith.constant 16 : i32
      %mul3A_201 = arith.muli %add3A_182, %mul3A_200 : i32
      %multiple_of3A_202 = tpu.assume_multiple %mul3A_201, 8 : i32
      %dma_start3A_203 = tpu.memref_slice %arg10[%multiple_of3A_202] : memref<8192xf32, #tpu.memory_space<vmem>> -> memref<16xf32, #tpu.memory_space<vmem>>
      %dma_start3A_204 = tpu.memref_slice %arg4[%multiple_of3A_199] : memref<1000000xf32, #tpu.memory_space<hbm>> -> memref<16xf32, #tpu.memory_space<hbm>>
      %dma_start3A_205 = tpu.memref_slice %arg10[%multiple_of3A_202] : memref<8192xf32, #tpu.memory_space<vmem>> -> memref<16xf32, #tpu.memory_space<vmem>>
      %dma_start3A_206 = tpu.memref_slice %arg4[%multiple_of3A_199] : memref<1000000xf32, #tpu.memory_space<hbm>> -> memref<16xf32, #tpu.memory_space<hbm>>
      tpu.enqueue_dma source(%dma_start3A_206 : memref<16xf32, #tpu.memory_space<hbm>>) target(%dma_start3A_205 : memref<16xf32, #tpu.memory_space<vmem>>) target_semaphore(%arg13 : memref<!tpu.dma_semaphore, #tpu.memory_space<semaphore_mem>>)
      %add3A_207 = arith.constant 5 : i32
      %add3A_208 = arith.addi %mul3A_80, %add3A_207 : i32
      %slice3A_209 = vector.extract_strided_slice %get3A_82 {offsets = [5], sizes = [1], strides = [1]} : vector<16xi32> to vector<1xi32>
      %squeeze3A_210 = vector.extract %slice3A_209[0] : i32 from vector<1xi32>
      %dma_start3A_211 = arith.constant 0 : i32
      %dma_start3A_212 = tpu.memref_slice %arg8[%add3A_208, %dma_start3A_211] : memref<512x32xf32, #tpu.memory_space<vmem>> -> memref<1x32xf32, #tpu.memory_space<vmem>>
      %dma_start3A_213 = arith.constant 0 : i32
      %dma_start3A_214 = tpu.memref_slice %arg3[%squeeze3A_210, %dma_start3A_213] : memref<1000000x32xf32, #tpu.memory_space<hbm>> -> memref<1x32xf32, #tpu.memory_space<hbm>>
      %dma_start3A_215 = arith.constant 0 : i32
      %dma_start3A_216 = tpu.memref_slice %arg8[%add3A_208, %dma_start3A_215] : memref<512x32xf32, #tpu.memory_space<vmem>> -> memref<1x32xf32, #tpu.memory_space<vmem>>
      %dma_start3A_217 = arith.constant 0 : i32
      %dma_start3A_218 = tpu.memref_slice %arg3[%squeeze3A_210, %dma_start3A_217] : memref<1000000x32xf32, #tpu.memory_space<hbm>> -> memref<1x32xf32, #tpu.memory_space<hbm>>
      tpu.enqueue_dma source(%dma_start3A_218 : memref<1x32xf32, #tpu.memory_space<hbm>>) target(%dma_start3A_216 : memref<1x32xf32, #tpu.memory_space<vmem>>) target_semaphore(%arg12 : memref<!tpu.dma_semaphore, #tpu.memory_space<semaphore_mem>>)
      %slice3A_219 = vector.extract_strided_slice %get3A_82 {offsets = [5], sizes = [1], strides = [1]} : vector<16xi32> to vector<1xi32>
      %squeeze3A_220 = vector.extract %slice3A_219[0] : i32 from vector<1xi32>
      %and3A_221 = arith.constant -8 : i32
      %and3A_222 = arith.andi %squeeze3A_220, %and3A_221 : i32
      %min3A_223 = arith.constant 999984 : i32
      %min3A_224 = arith.minsi %and3A_222, %min3A_223 : i32
      %multiple_of3A_225 = tpu.assume_multiple %min3A_224, 8 : i32
      %mul3A_226 = arith.constant 16 : i32
      %mul3A_227 = arith.muli %add3A_208, %mul3A_226 : i32
      %multiple_of3A_228 = tpu.assume_multiple %mul3A_227, 8 : i32
      %dma_start3A_229 = tpu.memref_slice %arg10[%multiple_of3A_228] : memref<8192xf32, #tpu.memory_space<vmem>> -> memref<16xf32, #tpu.memory_space<vmem>>
      %dma_start3A_230 = tpu.memref_slice %arg4[%multiple_of3A_225] : memref<1000000xf32, #tpu.memory_space<hbm>> -> memref<16xf32, #tpu.memory_space<hbm>>
      %dma_start3A_231 = tpu.memref_slice %arg10[%multiple_of3A_228] : memref<8192xf32, #tpu.memory_space<vmem>> -> memref<16xf32, #tpu.memory_space<vmem>>
      %dma_start3A_232 = tpu.memref_slice %arg4[%multiple_of3A_225] : memref<1000000xf32, #tpu.memory_space<hbm>> -> memref<16xf32, #tpu.memory_space<hbm>>
      tpu.enqueue_dma source(%dma_start3A_232 : memref<16xf32, #tpu.memory_space<hbm>>) target(%dma_start3A_231 : memref<16xf32, #tpu.memory_space<vmem>>) target_semaphore(%arg13 : memref<!tpu.dma_semaphore, #tpu.memory_space<semaphore_mem>>)
      %add3A_233 = arith.constant 6 : i32
      %add3A_234 = arith.addi %mul3A_80, %add3A_233 : i32
      %slice3A_235 = vector.extract_strided_slice %get3A_82 {offsets = [6], sizes = [1], strides = [1]} : vector<16xi32> to vector<1xi32>
      %squeeze3A_236 = vector.extract %slice3A_235[0] : i32 from vector<1xi32>
      %dma_start3A_237 = arith.constant 0 : i32
      %dma_start3A_238 = tpu.memref_slice %arg8[%add3A_234, %dma_start3A_237] : memref<512x32xf32, #tpu.memory_space<vmem>> -> memref<1x32xf32, #tpu.memory_space<vmem>>
      %dma_start3A_239 = arith.constant 0 : i32
      %dma_start3A_240 = tpu.memref_slice %arg3[%squeeze3A_236, %dma_start3A_239] : memref<1000000x32xf32, #tpu.memory_space<hbm>> -> memref<1x32xf32, #tpu.memory_space<hbm>>
      %dma_start3A_241 = arith.constant 0 : i32
      %dma_start3A_242 = tpu.memref_slice %arg8[%add3A_234, %dma_start3A_241] : memref<512x32xf32, #tpu.memory_space<vmem>> -> memref<1x32xf32, #tpu.memory_space<vmem>>
      %dma_start3A_243 = arith.constant 0 : i32
      %dma_start3A_244 = tpu.memref_slice %arg3[%squeeze3A_236, %dma_start3A_243] : memref<1000000x32xf32, #tpu.memory_space<hbm>> -> memref<1x32xf32, #tpu.memory_space<hbm>>
      tpu.enqueue_dma source(%dma_start3A_244 : memref<1x32xf32, #tpu.memory_space<hbm>>) target(%dma_start3A_242 : memref<1x32xf32, #tpu.memory_space<vmem>>) target_semaphore(%arg12 : memref<!tpu.dma_semaphore, #tpu.memory_space<semaphore_mem>>)
      %slice3A_245 = vector.extract_strided_slice %get3A_82 {offsets = [6], sizes = [1], strides = [1]} : vector<16xi32> to vector<1xi32>
      %squeeze3A_246 = vector.extract %slice3A_245[0] : i32 from vector<1xi32>
      %and3A_247 = arith.constant -8 : i32
      %and3A_248 = arith.andi %squeeze3A_246, %and3A_247 : i32
      %min3A_249 = arith.constant 999984 : i32
      %min3A_250 = arith.minsi %and3A_248, %min3A_249 : i32
      %multiple_of3A_251 = tpu.assume_multiple %min3A_250, 8 : i32
      %mul3A_252 = arith.constant 16 : i32
      %mul3A_253 = arith.muli %add3A_234, %mul3A_252 : i32
      %multiple_of3A_254 = tpu.assume_multiple %mul3A_253, 8 : i32
      %dma_start3A_255 = tpu.memref_slice %arg10[%multiple_of3A_254] : memref<8192xf32, #tpu.memory_space<vmem>> -> memref<16xf32, #tpu.memory_space<vmem>>
      %dma_start3A_256 = tpu.memref_slice %arg4[%multiple_of3A_251] : memref<1000000xf32, #tpu.memory_space<hbm>> -> memref<16xf32, #tpu.memory_space<hbm>>
      %dma_start3A_257 = tpu.memref_slice %arg10[%multiple_of3A_254] : memref<8192xf32, #tpu.memory_space<vmem>> -> memref<16xf32, #tpu.memory_space<vmem>>
      %dma_start3A_258 = tpu.memref_slice %arg4[%multiple_of3A_251] : memref<1000000xf32, #tpu.memory_space<hbm>> -> memref<16xf32, #tpu.memory_space<hbm>>
      tpu.enqueue_dma source(%dma_start3A_258 : memref<16xf32, #tpu.memory_space<hbm>>) target(%dma_start3A_257 : memref<16xf32, #tpu.memory_space<vmem>>) target_semaphore(%arg13 : memref<!tpu.dma_semaphore, #tpu.memory_space<semaphore_mem>>)
      %add3A_259 = arith.constant 7 : i32
      %add3A_260 = arith.addi %mul3A_80, %add3A_259 : i32
      %slice3A_261 = vector.extract_strided_slice %get3A_82 {offsets = [7], sizes = [1], strides = [1]} : vector<16xi32> to vector<1xi32>
      %squeeze3A_262 = vector.extract %slice3A_261[0] : i32 from vector<1xi32>
      %dma_start3A_263 = arith.constant 0 : i32
      %dma_start3A_264 = tpu.memref_slice %arg8[%add3A_260, %dma_start3A_263] : memref<512x32xf32, #tpu.memory_space<vmem>> -> memref<1x32xf32, #tpu.memory_space<vmem>>
      %dma_start3A_265 = arith.constant 0 : i32
      %dma_start3A_266 = tpu.memref_slice %arg3[%squeeze3A_262, %dma_start3A_265] : memref<1000000x32xf32, #tpu.memory_space<hbm>> -> memref<1x32xf32, #tpu.memory_space<hbm>>
      %dma_start3A_267 = arith.constant 0 : i32
      %dma_start3A_268 = tpu.memref_slice %arg8[%add3A_260, %dma_start3A_267] : memref<512x32xf32, #tpu.memory_space<vmem>> -> memref<1x32xf32, #tpu.memory_space<vmem>>
      %dma_start3A_269 = arith.constant 0 : i32
      %dma_start3A_270 = tpu.memref_slice %arg3[%squeeze3A_262, %dma_start3A_269] : memref<1000000x32xf32, #tpu.memory_space<hbm>> -> memref<1x32xf32, #tpu.memory_space<hbm>>
      tpu.enqueue_dma source(%dma_start3A_270 : memref<1x32xf32, #tpu.memory_space<hbm>>) target(%dma_start3A_268 : memref<1x32xf32, #tpu.memory_space<vmem>>) target_semaphore(%arg12 : memref<!tpu.dma_semaphore, #tpu.memory_space<semaphore_mem>>)
      %slice3A_271 = vector.extract_strided_slice %get3A_82 {offsets = [7], sizes = [1], strides = [1]} : vector<16xi32> to vector<1xi32>
      %squeeze3A_272 = vector.extract %slice3A_271[0] : i32 from vector<1xi32>
      %and3A_273 = arith.constant -8 : i32
      %and3A_274 = arith.andi %squeeze3A_272, %and3A_273 : i32
      %min3A_275 = arith.constant 999984 : i32
      %min3A_276 = arith.minsi %and3A_274, %min3A_275 : i32
      %multiple_of3A_277 = tpu.assume_multiple %min3A_276, 8 : i32
      %mul3A_278 = arith.constant 16 : i32
      %mul3A_279 = arith.muli %add3A_260, %mul3A_278 : i32
      %multiple_of3A_280 = tpu.assume_multiple %mul3A_279, 8 : i32
      %dma_start3A_281 = tpu.memref_slice %arg10[%multiple_of3A_280] : memref<8192xf32, #tpu.memory_space<vmem>> -> memref<16xf32, #tpu.memory_space<vmem>>
      %dma_start3A_282 = tpu.memref_slice %arg4[%multiple_of3A_277] : memref<1000000xf32, #tpu.memory_space<hbm>> -> memref<16xf32, #tpu.memory_space<hbm>>
      %dma_start3A_283 = tpu.memref_slice %arg10[%multiple_of3A_280] : memref<8192xf32, #tpu.memory_space<vmem>> -> memref<16xf32, #tpu.memory_space<vmem>>
      %dma_start3A_284 = tpu.memref_slice %arg4[%multiple_of3A_277] : memref<1000000xf32, #tpu.memory_space<hbm>> -> memref<16xf32, #tpu.memory_space<hbm>>
      tpu.enqueue_dma source(%dma_start3A_284 : memref<16xf32, #tpu.memory_space<hbm>>) target(%dma_start3A_283 : memref<16xf32, #tpu.memory_space<vmem>>) target_semaphore(%arg13 : memref<!tpu.dma_semaphore, #tpu.memory_space<semaphore_mem>>)
      %add3A_285 = arith.constant 8 : i32
      %add3A_286 = arith.addi %mul3A_80, %add3A_285 : i32
      %slice3A_287 = vector.extract_strided_slice %get3A_82 {offsets = [8], sizes = [1], strides = [1]} : vector<16xi32> to vector<1xi32>
      %squeeze3A_288 = vector.extract %slice3A_287[0] : i32 from vector<1xi32>
      %dma_start3A_289 = arith.constant 0 : i32
      %dma_start3A_290 = tpu.memref_slice %arg8[%add3A_286, %dma_start3A_289] : memref<512x32xf32, #tpu.memory_space<vmem>> -> memref<1x32xf32, #tpu.memory_space<vmem>>
      %dma_start3A_291 = arith.constant 0 : i32
      %dma_start3A_292 = tpu.memref_slice %arg3[%squeeze3A_288, %dma_start3A_291] : memref<1000000x32xf32, #tpu.memory_space<hbm>> -> memref<1x32xf32, #tpu.memory_space<hbm>>
      %dma_start3A_293 = arith.constant 0 : i32
      %dma_start3A_294 = tpu.memref_slice %arg8[%add3A_286, %dma_start3A_293] : memref<512x32xf32, #tpu.memory_space<vmem>> -> memref<1x32xf32, #tpu.memory_space<vmem>>
      %dma_start3A_295 = arith.constant 0 : i32
      %dma_start3A_296 = tpu.memref_slice %arg3[%squeeze3A_288, %dma_start3A_295] : memref<1000000x32xf32, #tpu.memory_space<hbm>> -> memref<1x32xf32, #tpu.memory_space<hbm>>
      tpu.enqueue_dma source(%dma_start3A_296 : memref<1x32xf32, #tpu.memory_space<hbm>>) target(%dma_start3A_294 : memref<1x32xf32, #tpu.memory_space<vmem>>) target_semaphore(%arg12 : memref<!tpu.dma_semaphore, #tpu.memory_space<semaphore_mem>>)
      %slice3A_297 = vector.extract_strided_slice %get3A_82 {offsets = [8], sizes = [1], strides = [1]} : vector<16xi32> to vector<1xi32>
      %squeeze3A_298 = vector.extract %slice3A_297[0] : i32 from vector<1xi32>
      %and3A_299 = arith.constant -8 : i32
      %and3A_300 = arith.andi %squeeze3A_298, %and3A_299 : i32
      %min3A_301 = arith.constant 999984 : i32
      %min3A_302 = arith.minsi %and3A_300, %min3A_301 : i32
      %multiple_of3A_303 = tpu.assume_multiple %min3A_302, 8 : i32
      %mul3A_304 = arith.constant 16 : i32
      %mul3A_305 = arith.muli %add3A_286, %mul3A_304 : i32
      %multiple_of3A_306 = tpu.assume_multiple %mul3A_305, 8 : i32
      %dma_start3A_307 = tpu.memref_slice %arg10[%multiple_of3A_306] : memref<8192xf32, #tpu.memory_space<vmem>> -> memref<16xf32, #tpu.memory_space<vmem>>
      %dma_start3A_308 = tpu.memref_slice %arg4[%multiple_of3A_303] : memref<1000000xf32, #tpu.memory_space<hbm>> -> memref<16xf32, #tpu.memory_space<hbm>>
      %dma_start3A_309 = tpu.memref_slice %arg10[%multiple_of3A_306] : memref<8192xf32, #tpu.memory_space<vmem>> -> memref<16xf32, #tpu.memory_space<vmem>>
      %dma_start3A_310 = tpu.memref_slice %arg4[%multiple_of3A_303] : memref<1000000xf32, #tpu.memory_space<hbm>> -> memref<16xf32, #tpu.memory_space<hbm>>
      tpu.enqueue_dma source(%dma_start3A_310 : memref<16xf32, #tpu.memory_space<hbm>>) target(%dma_start3A_309 : memref<16xf32, #tpu.memory_space<vmem>>) target_semaphore(%arg13 : memref<!tpu.dma_semaphore, #tpu.memory_space<semaphore_mem>>)
      %add3A_311 = arith.constant 9 : i32
      %add3A_312 = arith.addi %mul3A_80, %add3A_311 : i32
      %slice3A_313 = vector.extract_strided_slice %get3A_82 {offsets = [9], sizes = [1], strides = [1]} : vector<16xi32> to vector<1xi32>
      %squeeze3A_314 = vector.extract %slice3A_313[0] : i32 from vector<1xi32>
      %dma_start3A_315 = arith.constant 0 : i32
      %dma_start3A_316 = tpu.memref_slice %arg8[%add3A_312, %dma_start3A_315] : memref<512x32xf32, #tpu.memory_space<vmem>> -> memref<1x32xf32, #tpu.memory_space<vmem>>
      %dma_start3A_317 = arith.constant 0 : i32
      %dma_start3A_318 = tpu.memref_slice %arg3[%squeeze3A_314, %dma_start3A_317] : memref<1000000x32xf32, #tpu.memory_space<hbm>> -> memref<1x32xf32, #tpu.memory_space<hbm>>
      %dma_start3A_319 = arith.constant 0 : i32
      %dma_start3A_320 = tpu.memref_slice %arg8[%add3A_312, %dma_start3A_319] : memref<512x32xf32, #tpu.memory_space<vmem>> -> memref<1x32xf32, #tpu.memory_space<vmem>>
      %dma_start3A_321 = arith.constant 0 : i32
      %dma_start3A_322 = tpu.memref_slice %arg3[%squeeze3A_314, %dma_start3A_321] : memref<1000000x32xf32, #tpu.memory_space<hbm>> -> memref<1x32xf32, #tpu.memory_space<hbm>>
      tpu.enqueue_dma source(%dma_start3A_322 : memref<1x32xf32, #tpu.memory_space<hbm>>) target(%dma_start3A_320 : memref<1x32xf32, #tpu.memory_space<vmem>>) target_semaphore(%arg12 : memref<!tpu.dma_semaphore, #tpu.memory_space<semaphore_mem>>)
      %slice3A_323 = vector.extract_strided_slice %get3A_82 {offsets = [9], sizes = [1], strides = [1]} : vector<16xi32> to vector<1xi32>
      %squeeze3A_324 = vector.extract %slice3A_323[0] : i32 from vector<1xi32>
      %and3A_325 = arith.constant -8 : i32
      %and3A_326 = arith.andi %squeeze3A_324, %and3A_325 : i32
      %min3A_327 = arith.constant 999984 : i32
      %min3A_328 = arith.minsi %and3A_326, %min3A_327 : i32
      %multiple_of3A_329 = tpu.assume_multiple %min3A_328, 8 : i32
      %mul3A_330 = arith.constant 16 : i32
      %mul3A_331 = arith.muli %add3A_312, %mul3A_330 : i32
      %multiple_of3A_332 = tpu.assume_multiple %mul3A_331, 8 : i32
      %dma_start3A_333 = tpu.memref_slice %arg10[%multiple_of3A_332] : memref<8192xf32, #tpu.memory_space<vmem>> -> memref<16xf32, #tpu.memory_space<vmem>>
      %dma_start3A_334 = tpu.memref_slice %arg4[%multiple_of3A_329] : memref<1000000xf32, #tpu.memory_space<hbm>> -> memref<16xf32, #tpu.memory_space<hbm>>
      %dma_start3A_335 = tpu.memref_slice %arg10[%multiple_of3A_332] : memref<8192xf32, #tpu.memory_space<vmem>> -> memref<16xf32, #tpu.memory_space<vmem>>
      %dma_start3A_336 = tpu.memref_slice %arg4[%multiple_of3A_329] : memref<1000000xf32, #tpu.memory_space<hbm>> -> memref<16xf32, #tpu.memory_space<hbm>>
      tpu.enqueue_dma source(%dma_start3A_336 : memref<16xf32, #tpu.memory_space<hbm>>) target(%dma_start3A_335 : memref<16xf32, #tpu.memory_space<vmem>>) target_semaphore(%arg13 : memref<!tpu.dma_semaphore, #tpu.memory_space<semaphore_mem>>)
      %add3A_337 = arith.constant 10 : i32
      %add3A_338 = arith.addi %mul3A_80, %add3A_337 : i32
      %slice3A_339 = vector.extract_strided_slice %get3A_82 {offsets = [10], sizes = [1], strides = [1]} : vector<16xi32> to vector<1xi32>
      %squeeze3A_340 = vector.extract %slice3A_339[0] : i32 from vector<1xi32>
      %dma_start3A_341 = arith.constant 0 : i32
      %dma_start3A_342 = tpu.memref_slice %arg8[%add3A_338, %dma_start3A_341] : memref<512x32xf32, #tpu.memory_space<vmem>> -> memref<1x32xf32, #tpu.memory_space<vmem>>
      %dma_start3A_343 = arith.constant 0 : i32
      %dma_start3A_344 = tpu.memref_slice %arg3[%squeeze3A_340, %dma_start3A_343] : memref<1000000x32xf32, #tpu.memory_space<hbm>> -> memref<1x32xf32, #tpu.memory_space<hbm>>
      %dma_start3A_345 = arith.constant 0 : i32
      %dma_start3A_346 = tpu.memref_slice %arg8[%add3A_338, %dma_start3A_345] : memref<512x32xf32, #tpu.memory_space<vmem>> -> memref<1x32xf32, #tpu.memory_space<vmem>>
      %dma_start3A_347 = arith.constant 0 : i32
      %dma_start3A_348 = tpu.memref_slice %arg3[%squeeze3A_340, %dma_start3A_347] : memref<1000000x32xf32, #tpu.memory_space<hbm>> -> memref<1x32xf32, #tpu.memory_space<hbm>>
      tpu.enqueue_dma source(%dma_start3A_348 : memref<1x32xf32, #tpu.memory_space<hbm>>) target(%dma_start3A_346 : memref<1x32xf32, #tpu.memory_space<vmem>>) target_semaphore(%arg12 : memref<!tpu.dma_semaphore, #tpu.memory_space<semaphore_mem>>)
      %slice3A_349 = vector.extract_strided_slice %get3A_82 {offsets = [10], sizes = [1], strides = [1]} : vector<16xi32> to vector<1xi32>
      %squeeze3A_350 = vector.extract %slice3A_349[0] : i32 from vector<1xi32>
      %and3A_351 = arith.constant -8 : i32
      %and3A_352 = arith.andi %squeeze3A_350, %and3A_351 : i32
      %min3A_353 = arith.constant 999984 : i32
      %min3A_354 = arith.minsi %and3A_352, %min3A_353 : i32
      %multiple_of3A_355 = tpu.assume_multiple %min3A_354, 8 : i32
      %mul3A_356 = arith.constant 16 : i32
      %mul3A_357 = arith.muli %add3A_338, %mul3A_356 : i32
      %multiple_of3A_358 = tpu.assume_multiple %mul3A_357, 8 : i32
      %dma_start3A_359 = tpu.memref_slice %arg10[%multiple_of3A_358] : memref<8192xf32, #tpu.memory_space<vmem>> -> memref<16xf32, #tpu.memory_space<vmem>>
      %dma_start3A_360 = tpu.memref_slice %arg4[%multiple_of3A_355] : memref<1000000xf32, #tpu.memory_space<hbm>> -> memref<16xf32, #tpu.memory_space<hbm>>
      %dma_start3A_361 = tpu.memref_slice %arg10[%multiple_of3A_358] : memref<8192xf32, #tpu.memory_space<vmem>> -> memref<16xf32, #tpu.memory_space<vmem>>
      %dma_start3A_362 = tpu.memref_slice %arg4[%multiple_of3A_355] : memref<1000000xf32, #tpu.memory_space<hbm>> -> memref<16xf32, #tpu.memory_space<hbm>>
      tpu.enqueue_dma source(%dma_start3A_362 : memref<16xf32, #tpu.memory_space<hbm>>) target(%dma_start3A_361 : memref<16xf32, #tpu.memory_space<vmem>>) target_semaphore(%arg13 : memref<!tpu.dma_semaphore, #tpu.memory_space<semaphore_mem>>)
      %add3A_363 = arith.constant 11 : i32
      %add3A_364 = arith.addi %mul3A_80, %add3A_363 : i32
      %slice3A_365 = vector.extract_strided_slice %get3A_82 {offsets = [11], sizes = [1], strides = [1]} : vector<16xi32> to vector<1xi32>
      %squeeze3A_366 = vector.extract %slice3A_365[0] : i32 from vector<1xi32>
      %dma_start3A_367 = arith.constant 0 : i32
      %dma_start3A_368 = tpu.memref_slice %arg8[%add3A_364, %dma_start3A_367] : memref<512x32xf32, #tpu.memory_space<vmem>> -> memref<1x32xf32, #tpu.memory_space<vmem>>
      %dma_start3A_369 = arith.constant 0 : i32
      %dma_start3A_370 = tpu.memref_slice %arg3[%squeeze3A_366, %dma_start3A_369] : memref<1000000x32xf32, #tpu.memory_space<hbm>> -> memref<1x32xf32, #tpu.memory_space<hbm>>
      %dma_start3A_371 = arith.constant 0 : i32
      %dma_start3A_372 = tpu.memref_slice %arg8[%add3A_364, %dma_start3A_371] : memref<512x32xf32, #tpu.memory_space<vmem>> -> memref<1x32xf32, #tpu.memory_space<vmem>>
      %dma_start3A_373 = arith.constant 0 : i32
      %dma_start3A_374 = tpu.memref_slice %arg3[%squeeze3A_366, %dma_start3A_373] : memref<1000000x32xf32, #tpu.memory_space<hbm>> -> memref<1x32xf32, #tpu.memory_space<hbm>>
      tpu.enqueue_dma source(%dma_start3A_374 : memref<1x32xf32, #tpu.memory_space<hbm>>) target(%dma_start3A_372 : memref<1x32xf32, #tpu.memory_space<vmem>>) target_semaphore(%arg12 : memref<!tpu.dma_semaphore, #tpu.memory_space<semaphore_mem>>)
      %slice3A_375 = vector.extract_strided_slice %get3A_82 {offsets = [11], sizes = [1], strides = [1]} : vector<16xi32> to vector<1xi32>
      %squeeze3A_376 = vector.extract %slice3A_375[0] : i32 from vector<1xi32>
      %and3A_377 = arith.constant -8 : i32
      %and3A_378 = arith.andi %squeeze3A_376, %and3A_377 : i32
      %min3A_379 = arith.constant 999984 : i32
      %min3A_380 = arith.minsi %and3A_378, %min3A_379 : i32
      %multiple_of3A_381 = tpu.assume_multiple %min3A_380, 8 : i32
      %mul3A_382 = arith.constant 16 : i32
      %mul3A_383 = arith.muli %add3A_364, %mul3A_382 : i32
      %multiple_of3A_384 = tpu.assume_multiple %mul3A_383, 8 : i32
      %dma_start3A_385 = tpu.memref_slice %arg10[%multiple_of3A_384] : memref<8192xf32, #tpu.memory_space<vmem>> -> memref<16xf32, #tpu.memory_space<vmem>>
      %dma_start3A_386 = tpu.memref_slice %arg4[%multiple_of3A_381] : memref<1000000xf32, #tpu.memory_space<hbm>> -> memref<16xf32, #tpu.memory_space<hbm>>
      %dma_start3A_387 = tpu.memref_slice %arg10[%multiple_of3A_384] : memref<8192xf32, #tpu.memory_space<vmem>> -> memref<16xf32, #tpu.memory_space<vmem>>
      %dma_start3A_388 = tpu.memref_slice %arg4[%multiple_of3A_381] : memref<1000000xf32, #tpu.memory_space<hbm>> -> memref<16xf32, #tpu.memory_space<hbm>>
      tpu.enqueue_dma source(%dma_start3A_388 : memref<16xf32, #tpu.memory_space<hbm>>) target(%dma_start3A_387 : memref<16xf32, #tpu.memory_space<vmem>>) target_semaphore(%arg13 : memref<!tpu.dma_semaphore, #tpu.memory_space<semaphore_mem>>)
      %add3A_389 = arith.constant 12 : i32
      %add3A_390 = arith.addi %mul3A_80, %add3A_389 : i32
      %slice3A_391 = vector.extract_strided_slice %get3A_82 {offsets = [12], sizes = [1], strides = [1]} : vector<16xi32> to vector<1xi32>
      %squeeze3A_392 = vector.extract %slice3A_391[0] : i32 from vector<1xi32>
      %dma_start3A_393 = arith.constant 0 : i32
      %dma_start3A_394 = tpu.memref_slice %arg8[%add3A_390, %dma_start3A_393] : memref<512x32xf32, #tpu.memory_space<vmem>> -> memref<1x32xf32, #tpu.memory_space<vmem>>
      %dma_start3A_395 = arith.constant 0 : i32
      %dma_start3A_396 = tpu.memref_slice %arg3[%squeeze3A_392, %dma_start3A_395] : memref<1000000x32xf32, #tpu.memory_space<hbm>> -> memref<1x32xf32, #tpu.memory_space<hbm>>
      %dma_start3A_397 = arith.constant 0 : i32
      %dma_start3A_398 = tpu.memref_slice %arg8[%add3A_390, %dma_start3A_397] : memref<512x32xf32, #tpu.memory_space<vmem>> -> memref<1x32xf32, #tpu.memory_space<vmem>>
      %dma_start3A_399 = arith.constant 0 : i32
      %dma_start3A_400 = tpu.memref_slice %arg3[%squeeze3A_392, %dma_start3A_399] : memref<1000000x32xf32, #tpu.memory_space<hbm>> -> memref<1x32xf32, #tpu.memory_space<hbm>>
      tpu.enqueue_dma source(%dma_start3A_400 : memref<1x32xf32, #tpu.memory_space<hbm>>) target(%dma_start3A_398 : memref<1x32xf32, #tpu.memory_space<vmem>>) target_semaphore(%arg12 : memref<!tpu.dma_semaphore, #tpu.memory_space<semaphore_mem>>)
      %slice3A_401 = vector.extract_strided_slice %get3A_82 {offsets = [12], sizes = [1], strides = [1]} : vector<16xi32> to vector<1xi32>
      %squeeze3A_402 = vector.extract %slice3A_401[0] : i32 from vector<1xi32>
      %and3A_403 = arith.constant -8 : i32
      %and3A_404 = arith.andi %squeeze3A_402, %and3A_403 : i32
      %min3A_405 = arith.constant 999984 : i32
      %min3A_406 = arith.minsi %and3A_404, %min3A_405 : i32
      %multiple_of3A_407 = tpu.assume_multiple %min3A_406, 8 : i32
      %mul3A_408 = arith.constant 16 : i32
      %mul3A_409 = arith.muli %add3A_390, %mul3A_408 : i32
      %multiple_of3A_410 = tpu.assume_multiple %mul3A_409, 8 : i32
      %dma_start3A_411 = tpu.memref_slice %arg10[%multiple_of3A_410] : memref<8192xf32, #tpu.memory_space<vmem>> -> memref<16xf32, #tpu.memory_space<vmem>>
      %dma_start3A_412 = tpu.memref_slice %arg4[%multiple_of3A_407] : memref<1000000xf32, #tpu.memory_space<hbm>> -> memref<16xf32, #tpu.memory_space<hbm>>
      %dma_start3A_413 = tpu.memref_slice %arg10[%multiple_of3A_410] : memref<8192xf32, #tpu.memory_space<vmem>> -> memref<16xf32, #tpu.memory_space<vmem>>
      %dma_start3A_414 = tpu.memref_slice %arg4[%multiple_of3A_407] : memref<1000000xf32, #tpu.memory_space<hbm>> -> memref<16xf32, #tpu.memory_space<hbm>>
      tpu.enqueue_dma source(%dma_start3A_414 : memref<16xf32, #tpu.memory_space<hbm>>) target(%dma_start3A_413 : memref<16xf32, #tpu.memory_space<vmem>>) target_semaphore(%arg13 : memref<!tpu.dma_semaphore, #tpu.memory_space<semaphore_mem>>)
      %add3A_415 = arith.constant 13 : i32
      %add3A_416 = arith.addi %mul3A_80, %add3A_415 : i32
      %slice3A_417 = vector.extract_strided_slice %get3A_82 {offsets = [13], sizes = [1], strides = [1]} : vector<16xi32> to vector<1xi32>
      %squeeze3A_418 = vector.extract %slice3A_417[0] : i32 from vector<1xi32>
      %dma_start3A_419 = arith.constant 0 : i32
      %dma_start3A_420 = tpu.memref_slice %arg8[%add3A_416, %dma_start3A_419] : memref<512x32xf32, #tpu.memory_space<vmem>> -> memref<1x32xf32, #tpu.memory_space<vmem>>
      %dma_start3A_421 = arith.constant 0 : i32
      %dma_start3A_422 = tpu.memref_slice %arg3[%squeeze3A_418, %dma_start3A_421] : memref<1000000x32xf32, #tpu.memory_space<hbm>> -> memref<1x32xf32, #tpu.memory_space<hbm>>
      %dma_start3A_423 = arith.constant 0 : i32
      %dma_start3A_424 = tpu.memref_slice %arg8[%add3A_416, %dma_start3A_423] : memref<512x32xf32, #tpu.memory_space<vmem>> -> memref<1x32xf32, #tpu.memory_space<vmem>>
      %dma_start3A_425 = arith.constant 0 : i32
      %dma_start3A_426 = tpu.memref_slice %arg3[%squeeze3A_418, %dma_start3A_425] : memref<1000000x32xf32, #tpu.memory_space<hbm>> -> memref<1x32xf32, #tpu.memory_space<hbm>>
      tpu.enqueue_dma source(%dma_start3A_426 : memref<1x32xf32, #tpu.memory_space<hbm>>) target(%dma_start3A_424 : memref<1x32xf32, #tpu.memory_space<vmem>>) target_semaphore(%arg12 : memref<!tpu.dma_semaphore, #tpu.memory_space<semaphore_mem>>)
      %slice3A_427 = vector.extract_strided_slice %get3A_82 {offsets = [13], sizes = [1], strides = [1]} : vector<16xi32> to vector<1xi32>
      %squeeze3A_428 = vector.extract %slice3A_427[0] : i32 from vector<1xi32>
      %and3A_429 = arith.constant -8 : i32
      %and3A_430 = arith.andi %squeeze3A_428, %and3A_429 : i32
      %min3A_431 = arith.constant 999984 : i32
      %min3A_432 = arith.minsi %and3A_430, %min3A_431 : i32
      %multiple_of3A_433 = tpu.assume_multiple %min3A_432, 8 : i32
      %mul3A_434 = arith.constant 16 : i32
      %mul3A_435 = arith.muli %add3A_416, %mul3A_434 : i32
      %multiple_of3A_436 = tpu.assume_multiple %mul3A_435, 8 : i32
      %dma_start3A_437 = tpu.memref_slice %arg10[%multiple_of3A_436] : memref<8192xf32, #tpu.memory_space<vmem>> -> memref<16xf32, #tpu.memory_space<vmem>>
      %dma_start3A_438 = tpu.memref_slice %arg4[%multiple_of3A_433] : memref<1000000xf32, #tpu.memory_space<hbm>> -> memref<16xf32, #tpu.memory_space<hbm>>
      %dma_start3A_439 = tpu.memref_slice %arg10[%multiple_of3A_436] : memref<8192xf32, #tpu.memory_space<vmem>> -> memref<16xf32, #tpu.memory_space<vmem>>
      %dma_start3A_440 = tpu.memref_slice %arg4[%multiple_of3A_433] : memref<1000000xf32, #tpu.memory_space<hbm>> -> memref<16xf32, #tpu.memory_space<hbm>>
      tpu.enqueue_dma source(%dma_start3A_440 : memref<16xf32, #tpu.memory_space<hbm>>) target(%dma_start3A_439 : memref<16xf32, #tpu.memory_space<vmem>>) target_semaphore(%arg13 : memref<!tpu.dma_semaphore, #tpu.memory_space<semaphore_mem>>)
      %add3A_441 = arith.constant 14 : i32
      %add3A_442 = arith.addi %mul3A_80, %add3A_441 : i32
      %slice3A_443 = vector.extract_strided_slice %get3A_82 {offsets = [14], sizes = [1], strides = [1]} : vector<16xi32> to vector<1xi32>
      %squeeze3A_444 = vector.extract %slice3A_443[0] : i32 from vector<1xi32>
      %dma_start3A_445 = arith.constant 0 : i32
      %dma_start3A_446 = tpu.memref_slice %arg8[%add3A_442, %dma_start3A_445] : memref<512x32xf32, #tpu.memory_space<vmem>> -> memref<1x32xf32, #tpu.memory_space<vmem>>
      %dma_start3A_447 = arith.constant 0 : i32
      %dma_start3A_448 = tpu.memref_slice %arg3[%squeeze3A_444, %dma_start3A_447] : memref<1000000x32xf32, #tpu.memory_space<hbm>> -> memref<1x32xf32, #tpu.memory_space<hbm>>
      %dma_start3A_449 = arith.constant 0 : i32
      %dma_start3A_450 = tpu.memref_slice %arg8[%add3A_442, %dma_start3A_449] : memref<512x32xf32, #tpu.memory_space<vmem>> -> memref<1x32xf32, #tpu.memory_space<vmem>>
      %dma_start3A_451 = arith.constant 0 : i32
      %dma_start3A_452 = tpu.memref_slice %arg3[%squeeze3A_444, %dma_start3A_451] : memref<1000000x32xf32, #tpu.memory_space<hbm>> -> memref<1x32xf32, #tpu.memory_space<hbm>>
      tpu.enqueue_dma source(%dma_start3A_452 : memref<1x32xf32, #tpu.memory_space<hbm>>) target(%dma_start3A_450 : memref<1x32xf32, #tpu.memory_space<vmem>>) target_semaphore(%arg12 : memref<!tpu.dma_semaphore, #tpu.memory_space<semaphore_mem>>)
      %slice3A_453 = vector.extract_strided_slice %get3A_82 {offsets = [14], sizes = [1], strides = [1]} : vector<16xi32> to vector<1xi32>
      %squeeze3A_454 = vector.extract %slice3A_453[0] : i32 from vector<1xi32>
      %and3A_455 = arith.constant -8 : i32
      %and3A_456 = arith.andi %squeeze3A_454, %and3A_455 : i32
      %min3A_457 = arith.constant 999984 : i32
      %min3A_458 = arith.minsi %and3A_456, %min3A_457 : i32
      %multiple_of3A_459 = tpu.assume_multiple %min3A_458, 8 : i32
      %mul3A_460 = arith.constant 16 : i32
      %mul3A_461 = arith.muli %add3A_442, %mul3A_460 : i32
      %multiple_of3A_462 = tpu.assume_multiple %mul3A_461, 8 : i32
      %dma_start3A_463 = tpu.memref_slice %arg10[%multiple_of3A_462] : memref<8192xf32, #tpu.memory_space<vmem>> -> memref<16xf32, #tpu.memory_space<vmem>>
      %dma_start3A_464 = tpu.memref_slice %arg4[%multiple_of3A_459] : memref<1000000xf32, #tpu.memory_space<hbm>> -> memref<16xf32, #tpu.memory_space<hbm>>
      %dma_start3A_465 = tpu.memref_slice %arg10[%multiple_of3A_462] : memref<8192xf32, #tpu.memory_space<vmem>> -> memref<16xf32, #tpu.memory_space<vmem>>
      %dma_start3A_466 = tpu.memref_slice %arg4[%multiple_of3A_459] : memref<1000000xf32, #tpu.memory_space<hbm>> -> memref<16xf32, #tpu.memory_space<hbm>>
      tpu.enqueue_dma source(%dma_start3A_466 : memref<16xf32, #tpu.memory_space<hbm>>) target(%dma_start3A_465 : memref<16xf32, #tpu.memory_space<vmem>>) target_semaphore(%arg13 : memref<!tpu.dma_semaphore, #tpu.memory_space<semaphore_mem>>)
      %add3A_467 = arith.constant 15 : i32
      %add3A_468 = arith.addi %mul3A_80, %add3A_467 : i32
      %slice3A_469 = vector.extract_strided_slice %get3A_82 {offsets = [15], sizes = [1], strides = [1]} : vector<16xi32> to vector<1xi32>
      %squeeze3A_470 = vector.extract %slice3A_469[0] : i32 from vector<1xi32>
      %dma_start3A_471 = arith.constant 0 : i32
      %dma_start3A_472 = tpu.memref_slice %arg8[%add3A_468, %dma_start3A_471] : memref<512x32xf32, #tpu.memory_space<vmem>> -> memref<1x32xf32, #tpu.memory_space<vmem>>
      %dma_start3A_473 = arith.constant 0 : i32
      %dma_start3A_474 = tpu.memref_slice %arg3[%squeeze3A_470, %dma_start3A_473] : memref<1000000x32xf32, #tpu.memory_space<hbm>> -> memref<1x32xf32, #tpu.memory_space<hbm>>
      %dma_start3A_475 = arith.constant 0 : i32
      %dma_start3A_476 = tpu.memref_slice %arg8[%add3A_468, %dma_start3A_475] : memref<512x32xf32, #tpu.memory_space<vmem>> -> memref<1x32xf32, #tpu.memory_space<vmem>>
      %dma_start3A_477 = arith.constant 0 : i32
      %dma_start3A_478 = tpu.memref_slice %arg3[%squeeze3A_470, %dma_start3A_477] : memref<1000000x32xf32, #tpu.memory_space<hbm>> -> memref<1x32xf32, #tpu.memory_space<hbm>>
      tpu.enqueue_dma source(%dma_start3A_478 : memref<1x32xf32, #tpu.memory_space<hbm>>) target(%dma_start3A_476 : memref<1x32xf32, #tpu.memory_space<vmem>>) target_semaphore(%arg12 : memref<!tpu.dma_semaphore, #tpu.memory_space<semaphore_mem>>)
      %slice3A_479 = vector.extract_strided_slice %get3A_82 {offsets = [15], sizes = [1], strides = [1]} : vector<16xi32> to vector<1xi32>
      %squeeze3A_480 = vector.extract %slice3A_479[0] : i32 from vector<1xi32>
      %and3A_481 = arith.constant -8 : i32
      %and3A_482 = arith.andi %squeeze3A_480, %and3A_481 : i32
      %min3A_483 = arith.constant 999984 : i32
      %min3A_484 = arith.minsi %and3A_482, %min3A_483 : i32
      %multiple_of3A_485 = tpu.assume_multiple %min3A_484, 8 : i32
      %mul3A_486 = arith.constant 16 : i32
      %mul3A_487 = arith.muli %add3A_468, %mul3A_486 : i32
      %multiple_of3A_488 = tpu.assume_multiple %mul3A_487, 8 : i32
      %dma_start3A_489 = tpu.memref_slice %arg10[%multiple_of3A_488] : memref<8192xf32, #tpu.memory_space<vmem>> -> memref<16xf32, #tpu.memory_space<vmem>>
      %dma_start3A_490 = tpu.memref_slice %arg4[%multiple_of3A_485] : memref<1000000xf32, #tpu.memory_space<hbm>> -> memref<16xf32, #tpu.memory_space<hbm>>
      %dma_start3A_491 = tpu.memref_slice %arg10[%multiple_of3A_488] : memref<8192xf32, #tpu.memory_space<vmem>> -> memref<16xf32, #tpu.memory_space<vmem>>
      %dma_start3A_492 = tpu.memref_slice %arg4[%multiple_of3A_485] : memref<1000000xf32, #tpu.memory_space<hbm>> -> memref<16xf32, #tpu.memory_space<hbm>>
      tpu.enqueue_dma source(%dma_start3A_492 : memref<16xf32, #tpu.memory_space<hbm>>) target(%dma_start3A_491 : memref<16xf32, #tpu.memory_space<vmem>>) target_semaphore(%arg13 : memref<!tpu.dma_semaphore, #tpu.memory_space<semaphore_mem>>)
    }
    %scan3A_7 = arith.constant 32 : i32
    %dma_wait3A = arith.constant 0 : i32
    %dma_wait3A_8 = tpu.memref_slice %arg4[%dma_wait3A] : memref<1000000xf32, #tpu.memory_space<hbm>> -> memref<8192xf32, #tpu.memory_space<hbm>>
    %dma_wait3A_9 = arith.constant 0 : i32
    %dma_wait3A_10 = tpu.memref_slice %arg4[%dma_wait3A_9] : memref<1000000xf32, #tpu.memory_space<hbm>> -> memref<8192xf32, #tpu.memory_space<hbm>>
    tpu.wait_dma2 semaphore(%arg13 : memref<!tpu.dma_semaphore, #tpu.memory_space<semaphore_mem>>) src(%dma_wait3A_10 : memref<8192xf32, #tpu.memory_space<hbm>>) dst(%arg10 : memref<8192xf32, #tpu.memory_space<vmem>>)
    %iota3A = tpu.iota {dimensions = array<i32: 0>} : vector<16xi32>
    %eq3A = arith.constant 0 : i32
    %eq3A_11 = vector.broadcast %eq3A : i32 to vector<16xi32>
    %eq3A_12 = arith.cmpi eq, %iota3A, %eq3A_11 : vector<16xi32>
    %eq3A_13 = arith.constant 1 : i32
    %eq3A_14 = vector.broadcast %eq3A_13 : i32 to vector<16xi32>
    %eq3A_15 = arith.cmpi eq, %iota3A, %eq3A_14 : vector<16xi32>
    %eq3A_16 = arith.constant 2 : i32
    %eq3A_17 = vector.broadcast %eq3A_16 : i32 to vector<16xi32>
    %eq3A_18 = arith.cmpi eq, %iota3A, %eq3A_17 : vector<16xi32>
    %eq3A_19 = arith.constant 3 : i32
    %eq3A_20 = vector.broadcast %eq3A_19 : i32 to vector<16xi32>
    %eq3A_21 = arith.cmpi eq, %iota3A, %eq3A_20 : vector<16xi32>
    %eq3A_22 = arith.constant 4 : i32
    %eq3A_23 = vector.broadcast %eq3A_22 : i32 to vector<16xi32>
    %eq3A_24 = arith.cmpi eq, %iota3A, %eq3A_23 : vector<16xi32>
    %eq3A_25 = arith.constant 5 : i32
    %eq3A_26 = vector.broadcast %eq3A_25 : i32 to vector<16xi32>
    %eq3A_27 = arith.cmpi eq, %iota3A, %eq3A_26 : vector<16xi32>
    %eq3A_28 = arith.constant 6 : i32
    %eq3A_29 = vector.broadcast %eq3A_28 : i32 to vector<16xi32>
    %eq3A_30 = arith.cmpi eq, %iota3A, %eq3A_29 : vector<16xi32>
    %eq3A_31 = arith.constant 7 : i32
    %eq3A_32 = vector.broadcast %eq3A_31 : i32 to vector<16xi32>
    %eq3A_33 = arith.cmpi eq, %iota3A, %eq3A_32 : vector<16xi32>
    %eq3A_34 = arith.constant 8 : i32
    %eq3A_35 = vector.broadcast %eq3A_34 : i32 to vector<16xi32>
    %eq3A_36 = arith.cmpi eq, %iota3A, %eq3A_35 : vector<16xi32>
    %eq3A_37 = arith.constant 9 : i32
    %eq3A_38 = vector.broadcast %eq3A_37 : i32 to vector<16xi32>
    %eq3A_39 = arith.cmpi eq, %iota3A, %eq3A_38 : vector<16xi32>
    %eq3A_40 = arith.constant 10 : i32
    %eq3A_41 = vector.broadcast %eq3A_40 : i32 to vector<16xi32>
    %eq3A_42 = arith.cmpi eq, %iota3A, %eq3A_41 : vector<16xi32>
    %eq3A_43 = arith.constant 11 : i32
    %eq3A_44 = vector.broadcast %eq3A_43 : i32 to vector<16xi32>
    %eq3A_45 = arith.cmpi eq, %iota3A, %eq3A_44 : vector<16xi32>
    %eq3A_46 = arith.constant 12 : i32
    %eq3A_47 = vector.broadcast %eq3A_46 : i32 to vector<16xi32>
    %eq3A_48 = arith.cmpi eq, %iota3A, %eq3A_47 : vector<16xi32>
    %eq3A_49 = arith.constant 13 : i32
    %eq3A_50 = vector.broadcast %eq3A_49 : i32 to vector<16xi32>
    %eq3A_51 = arith.cmpi eq, %iota3A, %eq3A_50 : vector<16xi32>
    %eq3A_52 = arith.constant 14 : i32
    %eq3A_53 = vector.broadcast %eq3A_52 : i32 to vector<16xi32>
    %eq3A_54 = arith.cmpi eq, %iota3A, %eq3A_53 : vector<16xi32>
    %eq3A_55 = arith.constant 15 : i32
    %eq3A_56 = vector.broadcast %eq3A_55 : i32 to vector<16xi32>
    %eq3A_57 = arith.cmpi eq, %iota3A, %eq3A_56 : vector<16xi32>
    %scan3A_58 = arith.constant 0 : i32
    %scan3A_59 = arith.constant 0 : i32
    %scan3A_60 = arith.constant 32 : i32
    %scan3A_61 = arith.addi %scan3A_59, %scan3A_60 : i32
    %scan3A_62 = arith.constant 1 : i32
    scf.for %scan3A_78 = %scan3A_59 to %scan3A_61 step %scan3A_62  : i32 {
      %mul3A_79 = arith.constant 16 : i32
      %mul3A_80 = arith.muli %scan3A_78, %mul3A_79 : i32
      %get3A = arith.index_cast %mul3A_80 : i32 to index
      %get3A_81 = tpu.vector_load %arg7[%get3A] {strides = array<i32>} : memref<512xi32, #tpu.memory_space<vmem>>, vector<16xi32>,
      %get3A_82 = vector.shape_cast %get3A_81 : vector<16xi32> to vector<16xi32>
      %and3A = arith.constant -8 : i32
      %and3A_83 = vector.broadcast %and3A : i32 to vector<16xi32>
      %and3A_84 = arith.andi %get3A_82, %and3A_83 : vector<16xi32>
      %min3A = arith.constant 999984 : i32
      %min3A_85 = vector.broadcast %min3A : i32 to vector<16xi32>
      %min3A_86 = arith.minsi %and3A_84, %min3A_85 : vector<16xi32>
      %sub3A = arith.subi %get3A_82, %min3A_86 : vector<16xi32>
      %broadcast_in_dim3A = arith.constant 0.000000e+00 : f32
      %broadcast_in_dim3A_87 = vector.broadcast %broadcast_in_dim3A : f32 to vector<16xf32>
      %add3A_88 = arith.constant 0 : i32
      %add3A_89 = arith.addi %mul3A_80, %add3A_88 : i32
      %mul3A_90 = arith.constant 16 : i32
      %mul3A_91 = arith.muli %add3A_89, %mul3A_90 : i32
      %multiple_of3A = tpu.assume_multiple %mul3A_91, 8 : i32
      %get3A_92 = arith.index_cast %multiple_of3A : i32 to index
      %get3A_93 = tpu.vector_load %arg10[%get3A_92] {strides = array<i32>} : memref<8192xf32, #tpu.memory_space<vmem>>, vector<16xf32>,
      %get3A_94 = vector.shape_cast %get3A_93 : vector<16xf32> to vector<16xf32>
      %slice3A = vector.extract_strided_slice %sub3A {offsets = [0], sizes = [1], strides = [1]} : vector<16xi32> to vector<1xi32>
      %squeeze3A = vector.extract %slice3A[0] : i32 from vector<1xi32>
      %broadcast_in_dim3A_95 = vector.broadcast %squeeze3A : i32 to vector<16xi32>
      %broadcast_in_dim3A_96 = vector.shape_cast %broadcast_in_dim3A_95 : vector<16xi32> to vector<16x1xi32>
      %gather3A = vector.shape_cast %broadcast_in_dim3A_96 : vector<16x1xi32> to vector<16xi32>
      %gather3A_97 = tpu.dynamic_gather %get3A_94[%gather3A] in [0] : vector<16xf32>, vector<16xi32> -> vector<16xf32>
      %jit3A = arith.constant 0.000000e+00 : f32
      %broadcast_in_dim3A_98 = vector.broadcast %jit3A : f32 to vector<16xf32>
      %select_n3A = arith.select %eq3A_12, %gather3A_97, %broadcast_in_dim3A_98 : vector<16xi1>, vector<16xf32>
      %add3A_99 = arith.addf %broadcast_in_dim3A_87, %select_n3A : vector<16xf32>
      %add3A_100 = arith.constant 1 : i32
      %add3A_101 = arith.addi %mul3A_80, %add3A_100 : i32
      %mul3A_102 = arith.constant 16 : i32
      %mul3A_103 = arith.muli %add3A_101, %mul3A_102 : i32
      %multiple_of3A_104 = tpu.assume_multiple %mul3A_103, 8 : i32
      %get3A_105 = arith.index_cast %multiple_of3A_104 : i32 to index
      %get3A_106 = tpu.vector_load %arg10[%get3A_105] {strides = array<i32>} : memref<8192xf32, #tpu.memory_space<vmem>>, vector<16xf32>,
      %get3A_107 = vector.shape_cast %get3A_106 : vector<16xf32> to vector<16xf32>
      %slice3A_108 = vector.extract_strided_slice %sub3A {offsets = [1], sizes = [1], strides = [1]} : vector<16xi32> to vector<1xi32>
      %squeeze3A_109 = vector.extract %slice3A_108[0] : i32 from vector<1xi32>
      %broadcast_in_dim3A_110 = vector.broadcast %squeeze3A_109 : i32 to vector<16xi32>
      %broadcast_in_dim3A_111 = vector.shape_cast %broadcast_in_dim3A_110 : vector<16xi32> to vector<16x1xi32>
      %gather3A_112 = vector.shape_cast %broadcast_in_dim3A_111 : vector<16x1xi32> to vector<16xi32>
      %gather3A_113 = tpu.dynamic_gather %get3A_107[%gather3A_112] in [0] : vector<16xf32>, vector<16xi32> -> vector<16xf32>
      %jit3A_114 = arith.constant 0.000000e+00 : f32
      %broadcast_in_dim3A_115 = vector.broadcast %jit3A_114 : f32 to vector<16xf32>
      %select_n3A_116 = arith.select %eq3A_15, %gather3A_113, %broadcast_in_dim3A_115 : vector<16xi1>, vector<16xf32>
      %add3A_117 = arith.addf %add3A_99, %select_n3A_116 : vector<16xf32>
      %add3A_118 = arith.constant 2 : i32
      %add3A_119 = arith.addi %mul3A_80, %add3A_118 : i32
      %mul3A_120 = arith.constant 16 : i32
      %mul3A_121 = arith.muli %add3A_119, %mul3A_120 : i32
      %multiple_of3A_122 = tpu.assume_multiple %mul3A_121, 8 : i32
      %get3A_123 = arith.index_cast %multiple_of3A_122 : i32 to index
      %get3A_124 = tpu.vector_load %arg10[%get3A_123] {strides = array<i32>} : memref<8192xf32, #tpu.memory_space<vmem>>, vector<16xf32>,
      %get3A_125 = vector.shape_cast %get3A_124 : vector<16xf32> to vector<16xf32>
      %slice3A_126 = vector.extract_strided_slice %sub3A {offsets = [2], sizes = [1], strides = [1]} : vector<16xi32> to vector<1xi32>
      %squeeze3A_127 = vector.extract %slice3A_126[0] : i32 from vector<1xi32>
      %broadcast_in_dim3A_128 = vector.broadcast %squeeze3A_127 : i32 to vector<16xi32>
      %broadcast_in_dim3A_129 = vector.shape_cast %broadcast_in_dim3A_128 : vector<16xi32> to vector<16x1xi32>
      %gather3A_130 = vector.shape_cast %broadcast_in_dim3A_129 : vector<16x1xi32> to vector<16xi32>
      %gather3A_131 = tpu.dynamic_gather %get3A_125[%gather3A_130] in [0] : vector<16xf32>, vector<16xi32> -> vector<16xf32>
      %jit3A_132 = arith.constant 0.000000e+00 : f32
      %broadcast_in_dim3A_133 = vector.broadcast %jit3A_132 : f32 to vector<16xf32>
      %select_n3A_134 = arith.select %eq3A_18, %gather3A_131, %broadcast_in_dim3A_133 : vector<16xi1>, vector<16xf32>
      %add3A_135 = arith.addf %add3A_117, %select_n3A_134 : vector<16xf32>
      %add3A_136 = arith.constant 3 : i32
      %add3A_137 = arith.addi %mul3A_80, %add3A_136 : i32
      %mul3A_138 = arith.constant 16 : i32
      %mul3A_139 = arith.muli %add3A_137, %mul3A_138 : i32
      %multiple_of3A_140 = tpu.assume_multiple %mul3A_139, 8 : i32
      %get3A_141 = arith.index_cast %multiple_of3A_140 : i32 to index
      %get3A_142 = tpu.vector_load %arg10[%get3A_141] {strides = array<i32>} : memref<8192xf32, #tpu.memory_space<vmem>>, vector<16xf32>,
      %get3A_143 = vector.shape_cast %get3A_142 : vector<16xf32> to vector<16xf32>
      %slice3A_144 = vector.extract_strided_slice %sub3A {offsets = [3], sizes = [1], strides = [1]} : vector<16xi32> to vector<1xi32>
      %squeeze3A_145 = vector.extract %slice3A_144[0] : i32 from vector<1xi32>
      %broadcast_in_dim3A_146 = vector.broadcast %squeeze3A_145 : i32 to vector<16xi32>
      %broadcast_in_dim3A_147 = vector.shape_cast %broadcast_in_dim3A_146 : vector<16xi32> to vector<16x1xi32>
      %gather3A_148 = vector.shape_cast %broadcast_in_dim3A_147 : vector<16x1xi32> to vector<16xi32>
      %gather3A_149 = tpu.dynamic_gather %get3A_143[%gather3A_148] in [0] : vector<16xf32>, vector<16xi32> -> vector<16xf32>
      %jit3A_150 = arith.constant 0.000000e+00 : f32
      %broadcast_in_dim3A_151 = vector.broadcast %jit3A_150 : f32 to vector<16xf32>
      %select_n3A_152 = arith.select %eq3A_21, %gather3A_149, %broadcast_in_dim3A_151 : vector<16xi1>, vector<16xf32>
      %add3A_153 = arith.addf %add3A_135, %select_n3A_152 : vector<16xf32>
      %add3A_154 = arith.constant 4 : i32
      %add3A_155 = arith.addi %mul3A_80, %add3A_154 : i32
      %mul3A_156 = arith.constant 16 : i32
      %mul3A_157 = arith.muli %add3A_155, %mul3A_156 : i32
      %multiple_of3A_158 = tpu.assume_multiple %mul3A_157, 8 : i32
      %get3A_159 = arith.index_cast %multiple_of3A_158 : i32 to index
      %get3A_160 = tpu.vector_load %arg10[%get3A_159] {strides = array<i32>} : memref<8192xf32, #tpu.memory_space<vmem>>, vector<16xf32>,
      %get3A_161 = vector.shape_cast %get3A_160 : vector<16xf32> to vector<16xf32>
      %slice3A_162 = vector.extract_strided_slice %sub3A {offsets = [4], sizes = [1], strides = [1]} : vector<16xi32> to vector<1xi32>
      %squeeze3A_163 = vector.extract %slice3A_162[0] : i32 from vector<1xi32>
      %broadcast_in_dim3A_164 = vector.broadcast %squeeze3A_163 : i32 to vector<16xi32>
      %broadcast_in_dim3A_165 = vector.shape_cast %broadcast_in_dim3A_164 : vector<16xi32> to vector<16x1xi32>
      %gather3A_166 = vector.shape_cast %broadcast_in_dim3A_165 : vector<16x1xi32> to vector<16xi32>
      %gather3A_167 = tpu.dynamic_gather %get3A_161[%gather3A_166] in [0] : vector<16xf32>, vector<16xi32> -> vector<16xf32>
      %jit3A_168 = arith.constant 0.000000e+00 : f32
      %broadcast_in_dim3A_169 = vector.broadcast %jit3A_168 : f32 to vector<16xf32>
      %select_n3A_170 = arith.select %eq3A_24, %gather3A_167, %broadcast_in_dim3A_169 : vector<16xi1>, vector<16xf32>
      %add3A_171 = arith.addf %add3A_153, %select_n3A_170 : vector<16xf32>
      %add3A_172 = arith.constant 5 : i32
      %add3A_173 = arith.addi %mul3A_80, %add3A_172 : i32
      %mul3A_174 = arith.constant 16 : i32
      %mul3A_175 = arith.muli %add3A_173, %mul3A_174 : i32
      %multiple_of3A_176 = tpu.assume_multiple %mul3A_175, 8 : i32
      %get3A_177 = arith.index_cast %multiple_of3A_176 : i32 to index
      %get3A_178 = tpu.vector_load %arg10[%get3A_177] {strides = array<i32>} : memref<8192xf32, #tpu.memory_space<vmem>>, vector<16xf32>,
      %get3A_179 = vector.shape_cast %get3A_178 : vector<16xf32> to vector<16xf32>
      %slice3A_180 = vector.extract_strided_slice %sub3A {offsets = [5], sizes = [1], strides = [1]} : vector<16xi32> to vector<1xi32>
      %squeeze3A_181 = vector.extract %slice3A_180[0] : i32 from vector<1xi32>
      %broadcast_in_dim3A_182 = vector.broadcast %squeeze3A_181 : i32 to vector<16xi32>
      %broadcast_in_dim3A_183 = vector.shape_cast %broadcast_in_dim3A_182 : vector<16xi32> to vector<16x1xi32>
      %gather3A_184 = vector.shape_cast %broadcast_in_dim3A_183 : vector<16x1xi32> to vector<16xi32>
      %gather3A_185 = tpu.dynamic_gather %get3A_179[%gather3A_184] in [0] : vector<16xf32>, vector<16xi32> -> vector<16xf32>
      %jit3A_186 = arith.constant 0.000000e+00 : f32
      %broadcast_in_dim3A_187 = vector.broadcast %jit3A_186 : f32 to vector<16xf32>
      %select_n3A_188 = arith.select %eq3A_27, %gather3A_185, %broadcast_in_dim3A_187 : vector<16xi1>, vector<16xf32>
      %add3A_189 = arith.addf %add3A_171, %select_n3A_188 : vector<16xf32>
      %add3A_190 = arith.constant 6 : i32
      %add3A_191 = arith.addi %mul3A_80, %add3A_190 : i32
      %mul3A_192 = arith.constant 16 : i32
      %mul3A_193 = arith.muli %add3A_191, %mul3A_192 : i32
      %multiple_of3A_194 = tpu.assume_multiple %mul3A_193, 8 : i32
      %get3A_195 = arith.index_cast %multiple_of3A_194 : i32 to index
      %get3A_196 = tpu.vector_load %arg10[%get3A_195] {strides = array<i32>} : memref<8192xf32, #tpu.memory_space<vmem>>, vector<16xf32>,
      %get3A_197 = vector.shape_cast %get3A_196 : vector<16xf32> to vector<16xf32>
      %slice3A_198 = vector.extract_strided_slice %sub3A {offsets = [6], sizes = [1], strides = [1]} : vector<16xi32> to vector<1xi32>
      %squeeze3A_199 = vector.extract %slice3A_198[0] : i32 from vector<1xi32>
      %broadcast_in_dim3A_200 = vector.broadcast %squeeze3A_199 : i32 to vector<16xi32>
      %broadcast_in_dim3A_201 = vector.shape_cast %broadcast_in_dim3A_200 : vector<16xi32> to vector<16x1xi32>
      %gather3A_202 = vector.shape_cast %broadcast_in_dim3A_201 : vector<16x1xi32> to vector<16xi32>
      %gather3A_203 = tpu.dynamic_gather %get3A_197[%gather3A_202] in [0] : vector<16xf32>, vector<16xi32> -> vector<16xf32>
      %jit3A_204 = arith.constant 0.000000e+00 : f32
      %broadcast_in_dim3A_205 = vector.broadcast %jit3A_204 : f32 to vector<16xf32>
      %select_n3A_206 = arith.select %eq3A_30, %gather3A_203, %broadcast_in_dim3A_205 : vector<16xi1>, vector<16xf32>
      %add3A_207 = arith.addf %add3A_189, %select_n3A_206 : vector<16xf32>
      %add3A_208 = arith.constant 7 : i32
      %add3A_209 = arith.addi %mul3A_80, %add3A_208 : i32
      %mul3A_210 = arith.constant 16 : i32
      %mul3A_211 = arith.muli %add3A_209, %mul3A_210 : i32
      %multiple_of3A_212 = tpu.assume_multiple %mul3A_211, 8 : i32
      %get3A_213 = arith.index_cast %multiple_of3A_212 : i32 to index
      %get3A_214 = tpu.vector_load %arg10[%get3A_213] {strides = array<i32>} : memref<8192xf32, #tpu.memory_space<vmem>>, vector<16xf32>,
      %get3A_215 = vector.shape_cast %get3A_214 : vector<16xf32> to vector<16xf32>
      %slice3A_216 = vector.extract_strided_slice %sub3A {offsets = [7], sizes = [1], strides = [1]} : vector<16xi32> to vector<1xi32>
      %squeeze3A_217 = vector.extract %slice3A_216[0] : i32 from vector<1xi32>
      %broadcast_in_dim3A_218 = vector.broadcast %squeeze3A_217 : i32 to vector<16xi32>
      %broadcast_in_dim3A_219 = vector.shape_cast %broadcast_in_dim3A_218 : vector<16xi32> to vector<16x1xi32>
      %gather3A_220 = vector.shape_cast %broadcast_in_dim3A_219 : vector<16x1xi32> to vector<16xi32>
      %gather3A_221 = tpu.dynamic_gather %get3A_215[%gather3A_220] in [0] : vector<16xf32>, vector<16xi32> -> vector<16xf32>
      %jit3A_222 = arith.constant 0.000000e+00 : f32
      %broadcast_in_dim3A_223 = vector.broadcast %jit3A_222 : f32 to vector<16xf32>
      %select_n3A_224 = arith.select %eq3A_33, %gather3A_221, %broadcast_in_dim3A_223 : vector<16xi1>, vector<16xf32>
      %add3A_225 = arith.addf %add3A_207, %select_n3A_224 : vector<16xf32>
      %add3A_226 = arith.constant 8 : i32
      %add3A_227 = arith.addi %mul3A_80, %add3A_226 : i32
      %mul3A_228 = arith.constant 16 : i32
      %mul3A_229 = arith.muli %add3A_227, %mul3A_228 : i32
      %multiple_of3A_230 = tpu.assume_multiple %mul3A_229, 8 : i32
      %get3A_231 = arith.index_cast %multiple_of3A_230 : i32 to index
      %get3A_232 = tpu.vector_load %arg10[%get3A_231] {strides = array<i32>} : memref<8192xf32, #tpu.memory_space<vmem>>, vector<16xf32>,
      %get3A_233 = vector.shape_cast %get3A_232 : vector<16xf32> to vector<16xf32>
      %slice3A_234 = vector.extract_strided_slice %sub3A {offsets = [8], sizes = [1], strides = [1]} : vector<16xi32> to vector<1xi32>
      %squeeze3A_235 = vector.extract %slice3A_234[0] : i32 from vector<1xi32>
      %broadcast_in_dim3A_236 = vector.broadcast %squeeze3A_235 : i32 to vector<16xi32>
      %broadcast_in_dim3A_237 = vector.shape_cast %broadcast_in_dim3A_236 : vector<16xi32> to vector<16x1xi32>
      %gather3A_238 = vector.shape_cast %broadcast_in_dim3A_237 : vector<16x1xi32> to vector<16xi32>
      %gather3A_239 = tpu.dynamic_gather %get3A_233[%gather3A_238] in [0] : vector<16xf32>, vector<16xi32> -> vector<16xf32>
      %jit3A_240 = arith.constant 0.000000e+00 : f32
      %broadcast_in_dim3A_241 = vector.broadcast %jit3A_240 : f32 to vector<16xf32>
      %select_n3A_242 = arith.select %eq3A_36, %gather3A_239, %broadcast_in_dim3A_241 : vector<16xi1>, vector<16xf32>
      %add3A_243 = arith.addf %add3A_225, %select_n3A_242 : vector<16xf32>
      %add3A_244 = arith.constant 9 : i32
      %add3A_245 = arith.addi %mul3A_80, %add3A_244 : i32
      %mul3A_246 = arith.constant 16 : i32
      %mul3A_247 = arith.muli %add3A_245, %mul3A_246 : i32
      %multiple_of3A_248 = tpu.assume_multiple %mul3A_247, 8 : i32
      %get3A_249 = arith.index_cast %multiple_of3A_248 : i32 to index
      %get3A_250 = tpu.vector_load %arg10[%get3A_249] {strides = array<i32>} : memref<8192xf32, #tpu.memory_space<vmem>>, vector<16xf32>,
      %get3A_251 = vector.shape_cast %get3A_250 : vector<16xf32> to vector<16xf32>
      %slice3A_252 = vector.extract_strided_slice %sub3A {offsets = [9], sizes = [1], strides = [1]} : vector<16xi32> to vector<1xi32>
      %squeeze3A_253 = vector.extract %slice3A_252[0] : i32 from vector<1xi32>
      %broadcast_in_dim3A_254 = vector.broadcast %squeeze3A_253 : i32 to vector<16xi32>
      %broadcast_in_dim3A_255 = vector.shape_cast %broadcast_in_dim3A_254 : vector<16xi32> to vector<16x1xi32>
      %gather3A_256 = vector.shape_cast %broadcast_in_dim3A_255 : vector<16x1xi32> to vector<16xi32>
      %gather3A_257 = tpu.dynamic_gather %get3A_251[%gather3A_256] in [0] : vector<16xf32>, vector<16xi32> -> vector<16xf32>
      %jit3A_258 = arith.constant 0.000000e+00 : f32
      %broadcast_in_dim3A_259 = vector.broadcast %jit3A_258 : f32 to vector<16xf32>
      %select_n3A_260 = arith.select %eq3A_39, %gather3A_257, %broadcast_in_dim3A_259 : vector<16xi1>, vector<16xf32>
      %add3A_261 = arith.addf %add3A_243, %select_n3A_260 : vector<16xf32>
      %add3A_262 = arith.constant 10 : i32
      %add3A_263 = arith.addi %mul3A_80, %add3A_262 : i32
      %mul3A_264 = arith.constant 16 : i32
      %mul3A_265 = arith.muli %add3A_263, %mul3A_264 : i32
      %multiple_of3A_266 = tpu.assume_multiple %mul3A_265, 8 : i32
      %get3A_267 = arith.index_cast %multiple_of3A_266 : i32 to index
      %get3A_268 = tpu.vector_load %arg10[%get3A_267] {strides = array<i32>} : memref<8192xf32, #tpu.memory_space<vmem>>, vector<16xf32>,
      %get3A_269 = vector.shape_cast %get3A_268 : vector<16xf32> to vector<16xf32>
      %slice3A_270 = vector.extract_strided_slice %sub3A {offsets = [10], sizes = [1], strides = [1]} : vector<16xi32> to vector<1xi32>
      %squeeze3A_271 = vector.extract %slice3A_270[0] : i32 from vector<1xi32>
      %broadcast_in_dim3A_272 = vector.broadcast %squeeze3A_271 : i32 to vector<16xi32>
      %broadcast_in_dim3A_273 = vector.shape_cast %broadcast_in_dim3A_272 : vector<16xi32> to vector<16x1xi32>
      %gather3A_274 = vector.shape_cast %broadcast_in_dim3A_273 : vector<16x1xi32> to vector<16xi32>
      %gather3A_275 = tpu.dynamic_gather %get3A_269[%gather3A_274] in [0] : vector<16xf32>, vector<16xi32> -> vector<16xf32>
      %jit3A_276 = arith.constant 0.000000e+00 : f32
      %broadcast_in_dim3A_277 = vector.broadcast %jit3A_276 : f32 to vector<16xf32>
      %select_n3A_278 = arith.select %eq3A_42, %gather3A_275, %broadcast_in_dim3A_277 : vector<16xi1>, vector<16xf32>
      %add3A_279 = arith.addf %add3A_261, %select_n3A_278 : vector<16xf32>
      %add3A_280 = arith.constant 11 : i32
      %add3A_281 = arith.addi %mul3A_80, %add3A_280 : i32
      %mul3A_282 = arith.constant 16 : i32
      %mul3A_283 = arith.muli %add3A_281, %mul3A_282 : i32
      %multiple_of3A_284 = tpu.assume_multiple %mul3A_283, 8 : i32
      %get3A_285 = arith.index_cast %multiple_of3A_284 : i32 to index
      %get3A_286 = tpu.vector_load %arg10[%get3A_285] {strides = array<i32>} : memref<8192xf32, #tpu.memory_space<vmem>>, vector<16xf32>,
      %get3A_287 = vector.shape_cast %get3A_286 : vector<16xf32> to vector<16xf32>
      %slice3A_288 = vector.extract_strided_slice %sub3A {offsets = [11], sizes = [1], strides = [1]} : vector<16xi32> to vector<1xi32>
      %squeeze3A_289 = vector.extract %slice3A_288[0] : i32 from vector<1xi32>
      %broadcast_in_dim3A_290 = vector.broadcast %squeeze3A_289 : i32 to vector<16xi32>
      %broadcast_in_dim3A_291 = vector.shape_cast %broadcast_in_dim3A_290 : vector<16xi32> to vector<16x1xi32>
      %gather3A_292 = vector.shape_cast %broadcast_in_dim3A_291 : vector<16x1xi32> to vector<16xi32>
      %gather3A_293 = tpu.dynamic_gather %get3A_287[%gather3A_292] in [0] : vector<16xf32>, vector<16xi32> -> vector<16xf32>
      %jit3A_294 = arith.constant 0.000000e+00 : f32
      %broadcast_in_dim3A_295 = vector.broadcast %jit3A_294 : f32 to vector<16xf32>
      %select_n3A_296 = arith.select %eq3A_45, %gather3A_293, %broadcast_in_dim3A_295 : vector<16xi1>, vector<16xf32>
      %add3A_297 = arith.addf %add3A_279, %select_n3A_296 : vector<16xf32>
      %add3A_298 = arith.constant 12 : i32
      %add3A_299 = arith.addi %mul3A_80, %add3A_298 : i32
      %mul3A_300 = arith.constant 16 : i32
      %mul3A_301 = arith.muli %add3A_299, %mul3A_300 : i32
      %multiple_of3A_302 = tpu.assume_multiple %mul3A_301, 8 : i32
      %get3A_303 = arith.index_cast %multiple_of3A_302 : i32 to index
      %get3A_304 = tpu.vector_load %arg10[%get3A_303] {strides = array<i32>} : memref<8192xf32, #tpu.memory_space<vmem>>, vector<16xf32>,
      %get3A_305 = vector.shape_cast %get3A_304 : vector<16xf32> to vector<16xf32>
      %slice3A_306 = vector.extract_strided_slice %sub3A {offsets = [12], sizes = [1], strides = [1]} : vector<16xi32> to vector<1xi32>
      %squeeze3A_307 = vector.extract %slice3A_306[0] : i32 from vector<1xi32>
      %broadcast_in_dim3A_308 = vector.broadcast %squeeze3A_307 : i32 to vector<16xi32>
      %broadcast_in_dim3A_309 = vector.shape_cast %broadcast_in_dim3A_308 : vector<16xi32> to vector<16x1xi32>
      %gather3A_310 = vector.shape_cast %broadcast_in_dim3A_309 : vector<16x1xi32> to vector<16xi32>
      %gather3A_311 = tpu.dynamic_gather %get3A_305[%gather3A_310] in [0] : vector<16xf32>, vector<16xi32> -> vector<16xf32>
      %jit3A_312 = arith.constant 0.000000e+00 : f32
      %broadcast_in_dim3A_313 = vector.broadcast %jit3A_312 : f32 to vector<16xf32>
      %select_n3A_314 = arith.select %eq3A_48, %gather3A_311, %broadcast_in_dim3A_313 : vector<16xi1>, vector<16xf32>
      %add3A_315 = arith.addf %add3A_297, %select_n3A_314 : vector<16xf32>
      %add3A_316 = arith.constant 13 : i32
      %add3A_317 = arith.addi %mul3A_80, %add3A_316 : i32
      %mul3A_318 = arith.constant 16 : i32
      %mul3A_319 = arith.muli %add3A_317, %mul3A_318 : i32
      %multiple_of3A_320 = tpu.assume_multiple %mul3A_319, 8 : i32
      %get3A_321 = arith.index_cast %multiple_of3A_320 : i32 to index
      %get3A_322 = tpu.vector_load %arg10[%get3A_321] {strides = array<i32>} : memref<8192xf32, #tpu.memory_space<vmem>>, vector<16xf32>,
      %get3A_323 = vector.shape_cast %get3A_322 : vector<16xf32> to vector<16xf32>
      %slice3A_324 = vector.extract_strided_slice %sub3A {offsets = [13], sizes = [1], strides = [1]} : vector<16xi32> to vector<1xi32>
      %squeeze3A_325 = vector.extract %slice3A_324[0] : i32 from vector<1xi32>
      %broadcast_in_dim3A_326 = vector.broadcast %squeeze3A_325 : i32 to vector<16xi32>
      %broadcast_in_dim3A_327 = vector.shape_cast %broadcast_in_dim3A_326 : vector<16xi32> to vector<16x1xi32>
      %gather3A_328 = vector.shape_cast %broadcast_in_dim3A_327 : vector<16x1xi32> to vector<16xi32>
      %gather3A_329 = tpu.dynamic_gather %get3A_323[%gather3A_328] in [0] : vector<16xf32>, vector<16xi32> -> vector<16xf32>
      %jit3A_330 = arith.constant 0.000000e+00 : f32
      %broadcast_in_dim3A_331 = vector.broadcast %jit3A_330 : f32 to vector<16xf32>
      %select_n3A_332 = arith.select %eq3A_51, %gather3A_329, %broadcast_in_dim3A_331 : vector<16xi1>, vector<16xf32>
      %add3A_333 = arith.addf %add3A_315, %select_n3A_332 : vector<16xf32>
      %add3A_334 = arith.constant 14 : i32
      %add3A_335 = arith.addi %mul3A_80, %add3A_334 : i32
      %mul3A_336 = arith.constant 16 : i32
      %mul3A_337 = arith.muli %add3A_335, %mul3A_336 : i32
      %multiple_of3A_338 = tpu.assume_multiple %mul3A_337, 8 : i32
      %get3A_339 = arith.index_cast %multiple_of3A_338 : i32 to index
      %get3A_340 = tpu.vector_load %arg10[%get3A_339] {strides = array<i32>} : memref<8192xf32, #tpu.memory_space<vmem>>, vector<16xf32>,
      %get3A_341 = vector.shape_cast %get3A_340 : vector<16xf32> to vector<16xf32>
      %slice3A_342 = vector.extract_strided_slice %sub3A {offsets = [14], sizes = [1], strides = [1]} : vector<16xi32> to vector<1xi32>
      %squeeze3A_343 = vector.extract %slice3A_342[0] : i32 from vector<1xi32>
      %broadcast_in_dim3A_344 = vector.broadcast %squeeze3A_343 : i32 to vector<16xi32>
      %broadcast_in_dim3A_345 = vector.shape_cast %broadcast_in_dim3A_344 : vector<16xi32> to vector<16x1xi32>
      %gather3A_346 = vector.shape_cast %broadcast_in_dim3A_345 : vector<16x1xi32> to vector<16xi32>
      %gather3A_347 = tpu.dynamic_gather %get3A_341[%gather3A_346] in [0] : vector<16xf32>, vector<16xi32> -> vector<16xf32>
      %jit3A_348 = arith.constant 0.000000e+00 : f32
      %broadcast_in_dim3A_349 = vector.broadcast %jit3A_348 : f32 to vector<16xf32>
      %select_n3A_350 = arith.select %eq3A_54, %gather3A_347, %broadcast_in_dim3A_349 : vector<16xi1>, vector<16xf32>
      %add3A_351 = arith.addf %add3A_333, %select_n3A_350 : vector<16xf32>
      %add3A_352 = arith.constant 15 : i32
      %add3A_353 = arith.addi %mul3A_80, %add3A_352 : i32
      %mul3A_354 = arith.constant 16 : i32
      %mul3A_355 = arith.muli %add3A_353, %mul3A_354 : i32
      %multiple_of3A_356 = tpu.assume_multiple %mul3A_355, 8 : i32
      %get3A_357 = arith.index_cast %multiple_of3A_356 : i32 to index
      %get3A_358 = tpu.vector_load %arg10[%get3A_357] {strides = array<i32>} : memref<8192xf32, #tpu.memory_space<vmem>>, vector<16xf32>,
      %get3A_359 = vector.shape_cast %get3A_358 : vector<16xf32> to vector<16xf32>
      %slice3A_360 = vector.extract_strided_slice %sub3A {offsets = [15], sizes = [1], strides = [1]} : vector<16xi32> to vector<1xi32>
      %squeeze3A_361 = vector.extract %slice3A_360[0] : i32 from vector<1xi32>
      %broadcast_in_dim3A_362 = vector.broadcast %squeeze3A_361 : i32 to vector<16xi32>
      %broadcast_in_dim3A_363 = vector.shape_cast %broadcast_in_dim3A_362 : vector<16xi32> to vector<16x1xi32>
      %gather3A_364 = vector.shape_cast %broadcast_in_dim3A_363 : vector<16x1xi32> to vector<16xi32>
      %gather3A_365 = tpu.dynamic_gather %get3A_359[%gather3A_364] in [0] : vector<16xf32>, vector<16xi32> -> vector<16xf32>
      %jit3A_366 = arith.constant 0.000000e+00 : f32
      %broadcast_in_dim3A_367 = vector.broadcast %jit3A_366 : f32 to vector<16xf32>
      %select_n3A_368 = arith.select %eq3A_57, %gather3A_365, %broadcast_in_dim3A_367 : vector<16xi1>, vector<16xf32>
      %add3A_369 = arith.addf %add3A_351, %select_n3A_368 : vector<16xf32>
      %swap3A = arith.index_cast %mul3A_80 : i32 to index
      %swap3A_370 = tpu.vector_load %arg11[%swap3A] {strides = array<i32>} : memref<512xf32, #tpu.memory_space<vmem>>, vector<16xf32>,
      %swap3A_371 = vector.shape_cast %swap3A_370 : vector<16xf32> to vector<16xf32>
      %swap3A_372 = vector.shape_cast %add3A_369 : vector<16xf32> to vector<16xf32>
      tpu.vector_store %arg11[%swap3A], %swap3A_372 {strides = array<i32>} : memref<512xf32, #tpu.memory_space<vmem>>, vector<16xf32>,
    }
    %scan3A_63 = arith.constant 32 : i32
    %dma_wait3A_64 = arith.constant 0 : i32
    %dma_wait3A_65 = arith.constant 0 : i32
    %dma_wait3A_66 = tpu.memref_slice %arg3[%dma_wait3A_64, %dma_wait3A_65] : memref<1000000x32xf32, #tpu.memory_space<hbm>> -> memref<512x32xf32, #tpu.memory_space<hbm>>
    %dma_wait3A_67 = arith.constant 0 : i32
    %dma_wait3A_68 = arith.constant 0 : i32
    %dma_wait3A_69 = tpu.memref_slice %arg3[%dma_wait3A_67, %dma_wait3A_68] : memref<1000000x32xf32, #tpu.memory_space<hbm>> -> memref<512x32xf32, #tpu.memory_space<hbm>>
    tpu.wait_dma2 semaphore(%arg12 : memref<!tpu.dma_semaphore, #tpu.memory_space<semaphore_mem>>) src(%dma_wait3A_69 : memref<512x32xf32, #tpu.memory_space<hbm>>) dst(%arg8 : memref<512x32xf32, #tpu.memory_space<vmem>>)
    %scan3A_70 = arith.constant 0 : i32
    %scan3A_71 = arith.constant 0 : i32
    %scan3A_72 = arith.constant 512 : i32
    %scan3A_73 = arith.addi %scan3A_71, %scan3A_72 : i32
    %scan3A_74 = arith.constant 1 : i32
    scf.for %scan3A_78 = %scan3A_71 to %scan3A_73 step %scan3A_74  : i32 {
      %mul3A_79 = arith.constant 32 : i32
      %mul3A_80 = arith.muli %scan3A_78, %mul3A_79 : i32
      %multiple_of3A = tpu.assume_multiple %mul3A_80, 8 : i32
      %get3A = arith.index_cast %scan3A_78 : i32 to index
      %get3A_81 = arith.constant 0 : index
      %get3A_82 = tpu.vector_load %arg8[%get3A, %get3A_81] {strides = array<i32>} : memref<512x32xf32, #tpu.memory_space<vmem>>, vector<1x16xf32>,
      %get3A_83 = vector.shape_cast %get3A_82 : vector<1x16xf32> to vector<16xf32>
      %swap3A = arith.index_cast %multiple_of3A : i32 to index
      %swap3A_84 = tpu.vector_load %arg9[%swap3A] {strides = array<i32>} : memref<16384xf32, #tpu.memory_space<vmem>>, vector<16xf32>,
      %swap3A_85 = vector.shape_cast %swap3A_84 : vector<16xf32> to vector<16xf32>
      %swap3A_86 = vector.shape_cast %get3A_83 : vector<16xf32> to vector<16xf32>
      tpu.vector_store %arg9[%swap3A], %swap3A_86 {strides = array<i32>} : memref<16384xf32, #tpu.memory_space<vmem>>, vector<16xf32>,
      %get3A_87 = arith.index_cast %scan3A_78 : i32 to index
      %get3A_88 = arith.constant 16 : index
      %get3A_89 = tpu.vector_load %arg8[%get3A_87, %get3A_88] {strides = array<i32>} : memref<512x32xf32, #tpu.memory_space<vmem>>, vector<1x16xf32>,
      %get3A_90 = vector.shape_cast %get3A_89 : vector<1x16xf32> to vector<16xf32>
      %add3A_91 = arith.constant 16 : i32
      %add3A_92 = arith.addi %multiple_of3A, %add3A_91 : i32
      %swap3A_93 = arith.index_cast %add3A_92 : i32 to index
      %swap3A_94 = tpu.vector_load %arg9[%swap3A_93] {strides = array<i32>} : memref<16384xf32, #tpu.memory_space<vmem>>, vector<16xf32>,
      %swap3A_95 = vector.shape_cast %swap3A_94 : vector<16xf32> to vector<16xf32>
      %swap3A_96 = vector.shape_cast %get3A_90 : vector<16xf32> to vector<16xf32>
      tpu.vector_store %arg9[%swap3A_93], %swap3A_96 {strides = array<i32>} : memref<16384xf32, #tpu.memory_space<vmem>>, vector<16xf32>,
    }
    %scan3A_75 = arith.constant 512 : i32
    %mul3A_76 = arith.constant 32 : i32
    %mul3A_77 = arith.muli %mul3A_2, %mul3A_76 : i32
    "tpu.region"() ({
      %run_scoped3A = tpu.sem_alloc : memref<!tpu.dma_semaphore, #tpu.memory_space<semaphore_mem>>
      %dma_start3A = tpu.memref_slice %arg5[%mul3A_77] : memref<524288xf32, #tpu.memory_space<hbm>> -> memref<16384xf32, #tpu.memory_space<hbm>>
      %dma_start3A_78 = tpu.memref_slice %arg5[%mul3A_77] : memref<524288xf32, #tpu.memory_space<hbm>> -> memref<16384xf32, #tpu.memory_space<hbm>>
      tpu.enqueue_dma source(%arg9 : memref<16384xf32, #tpu.memory_space<vmem>>) target(%dma_start3A_78 : memref<16384xf32, #tpu.memory_space<hbm>>) target_semaphore(%run_scoped3A : memref<!tpu.dma_semaphore, #tpu.memory_space<semaphore_mem>>)
      %dma_wait3A_79 = tpu.memref_slice %arg5[%mul3A_77] : memref<524288xf32, #tpu.memory_space<hbm>> -> memref<16384xf32, #tpu.memory_space<hbm>>
      %dma_wait3A_80 = tpu.memref_slice %arg5[%mul3A_77] : memref<524288xf32, #tpu.memory_space<hbm>> -> memref<16384xf32, #tpu.memory_space<hbm>>
      tpu.wait_dma2 semaphore(%run_scoped3A : memref<!tpu.dma_semaphore, #tpu.memory_space<semaphore_mem>>) src(%arg9 : memref<16384xf32, #tpu.memory_space<vmem>>) dst(%dma_wait3A_80 : memref<16384xf32, #tpu.memory_space<hbm>>)
      tpu.yield
    }) : () -> ()
    "tpu.region"() ({
      %run_scoped3A = tpu.sem_alloc : memref<!tpu.dma_semaphore, #tpu.memory_space<semaphore_mem>>
      %dma_start3A = tpu.memref_slice %arg6[%mul3A_2] : memref<16384xf32, #tpu.memory_space<hbm>> -> memref<512xf32, #tpu.memory_space<hbm>>
      %dma_start3A_78 = tpu.memref_slice %arg6[%mul3A_2] : memref<16384xf32, #tpu.memory_space<hbm>> -> memref<512xf32, #tpu.memory_space<hbm>>
      tpu.enqueue_dma source(%arg11 : memref<512xf32, #tpu.memory_space<vmem>>) target(%dma_start3A_78 : memref<512xf32, #tpu.memory_space<hbm>>) target_semaphore(%run_scoped3A : memref<!tpu.dma_semaphore, #tpu.memory_space<semaphore_mem>>)
      %dma_wait3A_79 = tpu.memref_slice %arg6[%mul3A_2] : memref<16384xf32, #tpu.memory_space<hbm>> -> memref<512xf32, #tpu.memory_space<hbm>>
      %dma_wait3A_80 = tpu.memref_slice %arg6[%mul3A_2] : memref<16384xf32, #tpu.memory_space<hbm>> -> memref<512xf32, #tpu.memory_space<hbm>>
      tpu.wait_dma2 semaphore(%run_scoped3A : memref<!tpu.dma_semaphore, #tpu.memory_space<semaphore_mem>>) src(%arg11 : memref<512xf32, #tpu.memory_space<vmem>>) dst(%dma_wait3A_80 : memref<512xf32, #tpu.memory_space<hbm>>)
      tpu.yield
    }) : () -> ()
    return
  }
}

</mosaic_0001>

<sc_bundles>
// kernel: kernel.4.cloned.1.call-start
scs
__scs_entry_jumppad:
0x0: {  	(pc) =	sbr.rel $0x88, $3  }
0x1: {  	(tag) =	ssettag $0x0;
	lr =	simm.s32 $0x1  }
0x2: {  	[smem:$0x3F9B] =	sst lr;
	_ =	strace $0xD0000000  }
0x3: {  	_ = 	snop  }
0x4: {  	_ = 	snop  }
0x5: {  	_ = 	snop  }
0x6: {  	_ = 	snop  }
0x7: {  	_ = 	snop  }
__scs_overlays_trampoline_lowered:
0x8: {  	[smem:$0x3FAA] =	sst s0  }
0x9: {  	[smem:$0x3FAB] =	sst s1  }
0xa: {  	[smem:$0x3FAC] =	sst s2  }
0xb: {  	[smem:$0x3FAD] =	sst s3  }
0xc: {  	[smem:$0x3FAE] =	sst s4  }
0xd: {  	[smem:$0x3FAF] =	sst s5  }
0xe: {  	[smem:$0x3FB0] =	sst s6  }
0xf: {  	[smem:$0x3FB1] =	sst s7  }
0x10: {  	[smem:$0x3FB2] =	sst s8  }
0x11: {  	[smem:$0x3FB3] =	sst s9;
	s0 =	simm.s32 @!p0 $0x0  }
0x12: {  	s1 =	sld [smem:$0x3F99];
	s0 =	simm.s32 @p0 $0x1  }
0x13: {  	[smem:$0x3FB4] =	sst s0;
	s0 =	simm.s32 @!p1 $0x0  }
0x14: {  	s2 =	sld [smem:$0x3F98];
	s0 =	simm.s32 @p1 $0x1  }
0x15: {  	[smem:$0x3FB5] =	sst s0;
	s0 =	simm.s32 @!p2 $0x0  }
0x16: {  	s3 =	sld [smem:$0x3FDB];
	s0 =	simm.s32 @p2 $0x1  }
0x17: {  	s4 =	simm.s32 $0x1BF5;
	[smem:$0x3FB7] =	sst s0  }
0x18: {  	s0 =	sld [smem:$0x3F9A];
	_ =	swait.ge [sflag:s4], $0x0  }
0x19: {  	s7 =	sld [smem:$0x3F9B]  }
0x1a: {  	s8 =	sadd.s32 $0xFFFFE003, lr  }
0x1b: {  	s9 =	sadd.s32 $0xFFFFFEF7, lr;
	s5 =	simm.s32 $0xFFFFFFFF;
	p2 =	slt.u32 s8, $0xFFFFF086  }
0x1c: {  	p1 =	slt.u32 s9, $0xF7A;
	s5 =	simm.s32 @!p2 $0x0  }
0x1d: {  	s5 =	simm.s32 @p1 $0x1;
	p0 =	seq.s32 s7, s2  }
0x1e: {  	s7 =	smul.u32 @!p0 $0xF7A, s2;
	p2 =	seq.s32 @!p0 s5, $0x0  }
0x1f: {  	s9 =	smul.u32 $0xF7A, s1;
	s8 =	simm.s32 @!p0 $0x1BF5;
	p2 =	por !p2, p0  }
0x20: {  	[sflag:s8] =	ssyncset.s32 @!p0 $0xFFFFF086;
	s6 =	sadd.s32 @!p0 s3, s7;
	s7 =	simm.s32 @!p0 $0x108  }
0x21: {  	s3 =	sadd.s32 s3, s9;
	s6 =	sadd.s32 @!p0 $0x88, s6;
	s7 =	simm.s32 @p2 $0x1082  }
0x22: {  	[simem:s7], [sflag:s8] =	dma.local @!p0 [hbm:s6], $0xF7A  }
0x23: {  	s9 =	sor.u32 $0xD0000000, s2;
	s6 =	simm.s32 $0x108;
	_ =	swait.ge @!p0 [sflag:s8], $0x0  }
0x24: {  	s3 =	sadd.s32 $0x88, s3;
	s6 =	simm.s32 @!p1 $0x1082;
	[sflag:s4] =	ssyncset.s32 $0xFFFFF086  }
0x25: {  	[simem:s6], [sflag:s4] =	dma.local [hbm:s3], $0xF7A  }
0x26: {  	[smem:$0x3F9B] =	sst s1;
	(tag) =	ssettag s2;
	_ =	strace s9  }
0x27: {  	s1 =	sld [smem:$0x3FAB]  }
0x28: {  	s2 =	sld [smem:$0x3FAC]  }
0x29: {  	s4 =	sld [smem:$0x3FAE]  }
0x2a: {  	p0 =	seq.s32 s5, $0x0;
	s5 =	sld [smem:$0x3FAF]  }
0x2b: {  	s6 =	sld [smem:$0x3FB0]  }
0x2c: {  	s7 =	sld [smem:$0x3FB1]  }
0x2d: {  	s3 =	simm.s32 $0x108;
	s8 =	sld [smem:$0x3FB2]  }
0x2e: {  	s3 =	simm.s32 @!p0 $0x1082;
	s9 =	sld [smem:$0x3FB3]  }
0x2f: {  	lr =	sadd.s32 s0, s3;
	s0 =	sld [smem:$0x3FAA]  }
0x30: {  	s3 =	sld [smem:$0x3FAD]  }
0x31: {  	[smem:$0x3FB6] =	sst s10  }
0x32: {  	s10 =	sld [smem:$0x3FB4];
	_ =	sdelay $0x3  }
0x33: {  	p0 =	seq.s32 s10, $0x1;
	s10 =	sld [smem:$0x3FB6];
	_ =	sdelay $0x3  }
0x34: {  	[smem:$0x3FB6] =	sst s10  }
0x35: {  	s10 =	sld [smem:$0x3FB5];
	_ =	sdelay $0x3  }
0x36: {  	p1 =	seq.s32 s10, $0x1;
	s10 =	sld [smem:$0x3FB6];
	_ =	sdelay $0x3  }
0x37: {  	[smem:$0x3FB6] =	sst s10  }
0x38: {  	s10 =	sld [smem:$0x3FB7]  }
0x39: {  	_ = 	snop;
	(pc) =	sbr.ind lr, $3  }
0x3a: {  	_ = 	snop  }
0x3b: {  	_ = 	snop  }
0x3c: {  	p2 =	seq.s32 s10, $0x1;
	s10 =	sld [smem:$0x3FB6]  }
0x3d: {  	_ =	shalt  }
0x3e: {  	_ =	shalt  }
0x3f: {  	_ =	shalt  }
0x40: {  	_ =	shalt  }
0x41: {  	_ =	shalt  }
0x42: {  	_ =	shalt  }
0x43: {  	_ =	shalt  }
0x44: {  	_ =	shalt  }
0x45: {  	_ =	shalt  }
0x46: {  	_ =	shalt  }
0x47: {  	_ =	shalt  }
0x48: {  	_ =	shalt  }
0x49: {  	_ =	shalt  }
0x4a: {  	_ =	shalt  }
0x4b: {  	_ =	shalt  }
0x4c: {  	_ =	shalt  }
0x4d: {  	_ =	shalt  }
0x4e: {  	_ =	shalt  }
0x4f: {  	_ =	shalt  }
0x50: {  	_ =	shalt  }
0x51: {  	_ =	shalt  }
0x52: {  	_ =	shalt  }
0x53: {  	_ =	shalt  }
0x54: {  	_ =	shalt  }
0x55: {  	_ =	shalt  }
0x56: {  	_ =	shalt  }
0x57: {  	_ =	shalt  }
0x58: {  	_ =	shalt  }
0x59: {  	_ =	shalt  }
0x5a: {  	_ =	shalt  }
0x5b: {  	_ =	shalt  }
0x5c: {  	_ =	shalt  }
0x5d: {  	_ =	shalt  }
0x5e: {  	_ =	shalt  }
0x5f: {  	_ =	shalt  }
0x60: {  	_ =	shalt  }
0x61: {  	_ =	shalt  }
0x62: {  	_ =	shalt  }
0x63: {  	_ =	shalt  }
0x64: {  	_ =	shalt  }
0x65: {  	_ =	shalt  }
0x66: {  	_ =	shalt  }
0x67: {  	_ =	shalt  }
0x68: {  	_ =	shalt  }
0x69: {  	_ =	shalt  }
0x6a: {  	_ =	shalt  }
0x6b: {  	_ =	shalt  }
0x6c: {  	_ =	shalt  }
0x6d: {  	_ =	shalt  }
0x6e: {  	_ =	shalt  }
0x6f: {  	_ =	shalt  }
0x70: {  	_ =	shalt  }
0x71: {  	_ =	shalt  }
0x72: {  	_ =	shalt  }
0x73: {  	_ =	shalt  }
0x74: {  	_ =	shalt  }
0x75: {  	_ =	shalt  }
0x76: {  	_ =	shalt  }
0x77: {  	_ =	shalt  }
0x78: {  	_ =	shalt  }
0x79: {  	_ =	shalt  }
0x7a: {  	_ =	shalt  }
0x7b: {  	_ =	shalt  }
0x7c: {  	_ =	shalt  }
0x7d: {  	_ =	shalt  }
0x7e: {  	_ =	shalt  }
0x7f: {  	_ =	shalt  }
0x80: {  	_ =	shalt  }
0x81: {  	_ =	shalt  }
0x82: {  	_ =	shalt  }
0x83: {  	_ =	shalt  }
0x84: {  	_ =	shalt  }
0x85: {  	_ =	shalt  }
0x86: {  	_ =	shalt  }
0x87: {  	_ =	shalt  }
.Lfunc_end0:
.L_simem_size_0:
called_computation_lowered:
.L_overlay_start_0:
0x88: {  	s2 =	sld [smem:$0x3FD9]  }
0x89: {  	s3 =	sld [smem:$0x3FFE];
	_ =	sdelay $0x1  }
0x8a: {  	s1 =	srdreg.scid  }
0x8b: {  	s0 =	sand.u32 $0x1, s1  }
0x8c: {  	s17 =	sshll.u32 s0, $0xA;
	s2 =	sadd.s32 s3, s2  }
0x8d: {  	s2 =	sadd.s32 s2, s17  }
0x8e: {  	[smem:$0x3FC2] =	sst s2  }
0x8f: {  	_ = 	snop  }
0x90: {  	s2 =	sld [smem:$0x3FC9]  }
0x91: {  	s18 =	sld [smem:$0x3FC5];
	(tm) =	ssettm $0x1  }
0x92: {  	s4 =	sld [smem:$0x3FFB];
	_ =	sdelay $0x3  }
0x93: {  	_ =	strace s4  }
0x94: {  	s4 =	sld [smem:$0x3FFC];
	_ =	sdelay $0x3  }
0x95: {  	_ =	strace s4  }
0x96: {  	s4 =	sld [smem:$0x3FFD];
	_ =	sdelay $0x3  }
0x97: {  	_ =	strace s4  }
0x98: {  	_ =	strace $0x8FFFFFFF  }
0x99: {  	s19 =	sld [smem:$0x3FDB];
	_ =	sdelay $0x1  }
0x9a: {  	s5 =	simm.s32 $_scs_section_size  }
0x9b: {  	s6 =	simm.s32 $_size__tile_overlayer_lowered;
	s7 =	simm.s32 $_tile_overlayer_lowered  }
0x9c: {  	s22 =	simm.s32 $0x1BFF;
	s21 =	sshll.u32 s7, $0x1;
	s4 =	sadd.s32 s5, s19  }
0x9d: {  	s8 =	simm.s32 $0x0;
	s20 =	sshll.u32 s6, $0x1;
	s6 =	sadd.s32 s21, s4  }
0x9e: {  	[timem:s8], [sflag:s22] =	dma.local [hbm:s6], s20  }
0x9f: {  	_ =	swait.ge [sflag:s22], s20  }
0xa0: {  	s5 =	ssub.s32 $0x0, s20;
	[sflag:s22] =	ssyncset.done $0x0  }
0xa1: {  	[sflag:s22] =	ssyncadd.s32 s5;
	_ =	sdelay $0x1  }
0xa2: {  	s23 =	simm.s32 $0x1B8B  }
0xa3: {  	_ =	swait.ge [sflag:s23], $0x1  }
0xa4: {  	[sflag:s23] =	ssyncset.done $0x0  }
0xa5: {  	s25 =	simm.s32 $0x1B8E;
	s24 =	sld [smem:$0x3FFE];
	[sflag:s23] =	ssyncadd.s32 $0xFFFFFFFF  }
0xa6: {  	s26 =	simm.s32 $execute0_lowered;
	[smem:$0x3FD2] =	sst s25  }
0xa7: {  	s6 =	sshll.u32 s26, $0x1;
	_ =	strace $0x80000046;
	[dreg:$0x1] =	wrdreg $0xFFFFFFFF  }
0xa8: {  	s28 =	simm.s32 $_size_execute0_lowered;
	s4 =	sadd.s32 s4, s6;
	[dreg:$0x0] =	wrdreg $0x0  }
0xa9: {  	s6 =	sshll.u32 s28, $0x1;
	[dreg:$0x2] =	wrdreg s4  }
0xaa: {  	[dreg:$0x3] =	wrdreg s6  }
0xab: {  	[dreg:$0x4] =	wrdreg $0xC0  }
0xac: {  	_ =	task [dreg:s8], $0x5FFFF  }
0xad: {  	[dreg:$0x1] =	wrdreg $0xFFFFFFFF  }
0xae: {  	[dreg:$0x0] =	wrdreg $0x60  }
0xaf: {  	[dreg:$0x2] =	wrdreg s2  }
0xb0: {  	[dreg:$0x3] =	wrdreg s24  }
0xb1: {  	[dreg:$0x4] =	wrdreg s18  }
0xb2: {  	[dreg:$0x5] =	wrdreg $0x9  }
0xb3: {  	_ =	task.clear_ibuf [dreg:s8], $0x6FFFF;
	_ =	strace $0x90000046  }
0xb4: {  	s29 =	simm.s32 $0x9;
	_ =	strace $0x80000048  }
0xb5: {  	_ =	swait.ge [sflag:s29], $0x1  }
0xb6: {  	[sflag:s29] =	ssyncadd.s32 $0xFFFFFFFF  }
0xb7: {  	_ =	strace $0x90000048  }
0xb8: {  	_ =	sfence  }
0xb9: {  	s30 =	sld [smem:$0x0];
	_ =	sdelay $0x2  }
0xba: {  	s31 =	sshll.u32 s1, $0xD;
	s1 =	sshrl.u32 s1, $0x2  }
0xbb: {  	s3 =	sand.u32 $0x4000, s31;
	s1 =	sadd.s32 s1, s30  }
0xbc: {  	s0 =	sor.u32 s3, s0;
	s1 =	sshll.u32 s1, $0x11  }
0xbd: {  	s0 =	sor.u32 s1, s0  }
0xbe: {  	s0 =	sadd.s32 $0x8F2B, s0  }
0xbf: {  	[sflag:s0] =	ssyncadd.remote.s32 $0x1  }
0xc0: {  	_ =	sfence.sel $0xFFFF  }
0xc1: {  	[dreg:$0x0] =	wrdreg $0xFFFFFFFF;
	(pc) =	sbr.abs _section_cstart, $3  }
0xc2: {  	[dreg:$0x1] =	wrdreg $0xFFFFFFFF  }
0xc3: {  	_ =	task.clear_ibuf [dreg:s8], $0x2FFFF;
	_ =	strace $0x9FFFFFFF  }
0xc4: {  	(tm) =	ssettm $0x7FFFFFFF  }
0xc5: {  	_ =	shalt  }
tec
execute0_lowered:
.L_overlay_start_1:
0x0: {  	(tag) =	ssettag $0x1  }
0x1: {  	s0 =	rddreg [dreg:$0x0]  }
0x2: {  	s1 =	rddreg [dreg:$0x1]  }
0x3: {  	s21 =	rddreg [dreg:$0x2]  }
0x4: {  	s3 =	simm.s32 $0x0;
	s2 =	srdreg.scid;
	s4 =	stileid.u32  }
0x5: {  	[smem:$0x7FF] =	sst s3;
	s2 =	sand.u32 $0x1, s2;
	s4 =	sshll.u32 s4, $0x1  }
0x6: {  	_ =	strace $0x80000047;
	s5 =	sor.u32 s2, s4;
	s4 =	sadd.s32 $0xE00, s1  }
0x7: {  	vm10 =	vmmov $0x1;
	vm0 =	vcmask $0x308;
	vm2 =	vcmask $0x70C;
	s2 =	ssub.s32 $0x2, s2;
	s6 =	sshll.u32 s5, $0xB;
	s5 =	sshll.u32 s5, $0x6  }
0x8: {  	vm15 =	vcmask $0xB10;
	vm4 =	vcmask $0xF14;
	vm5 =	vcmask $0x1318;
	s7 =	sshrl.u32 s2, $0x1;
	s6 =	sadd.s32 s6, s1;
	s0 =	sadd.s32 s0, s5  }
0x9: {  	vm14 =	vcmask $0x171C;
	vm11 =	vcmask $0x1B20;
	v0 =	vimm.s32 $0x0;
	s1 =	sadd.s32 s5, s1;
	s6 =	sadd.s32 $0xF43200, s6;
	[dreg:$0x16] =	wrdreg s0  }
0xa: {  	vm13 =	vmmov $0x7fff;
	v63 =	vimm.s32 $0x0;
	v0 =	vsel vm10, $0xFFFFFFFF, v0;
	s2 =	ssub.s32 s2, s7;
	s30 =	sadd.s32 $0xF53200, s1;
	[dreg:$0x15] =	wrdreg s6  }
0xb: {  	vm1 =	vcmask $0x1F24;
	vm8 =	vcmask $0x272C;
	[tilespmem:$0x1FFE0] =	vst v0;
	v0 =	vsel vm13, $0xFFFFFFFF, v63;
	s31 =	smax.u32 s2, $0x1;
	[dreg:$0x17] =	wrdreg s30  }
0xc: {  	vm7 =	vcmask $0x2B30;
	vm12 =	vcmask $0x2F34;
	vm9 =	vcmask $0x3338;
	[tilespmem:$0x1FFF0] =	vst v0;
	s1 =	simm.s32 $0x3;
	s2 =	simm.s32 $0x0;
	[dreg:$0x18] =	wrdreg s31  }
.LBB2_1:
0xd: {  	[dreg:$0x19] =	wrdreg s2  }
0xe: {  	s0 =	rddreg [dreg:$0x16]  }
0xf: {  	[tilespmem:s3], [sflag:$0x3] =	stream.linear.gather [hbm4b:s0+s3], $0x200, $0x38;
	[tilespmem:$0x16400] =	vst v63  }
0x10: {  	_ =	swait.ge [sflag:s1], $0x200  }
0x11: {  	[sflag:s1] =	ssyncset.done $0x0  }
0x12: {  	[sflag:s1] =	ssyncadd.s32 $0xFFFFFE00  }
0x13: {  	v0 =	vld [tilespmem:s3+$0x0];
	_ =	sdelay $0x4  }
0x14: {  	(v2sf) =	vpush v0, $0x6  }
0x15: {  	(v2sf) =	vpush v0, $0x1  }
0x16: {  	(v2sf) =	vpush v0, $0x0;
	_ =	sdelay $0x4  }
0x17: {  	s22 =	simm.s32 $0x200  }
0x18: {  	s12 =	simm.s32 $0x500;
	s15 =	simm.s32 $0x0;
	s2 =	simm.s32 $0x14220  }
0x19: {  	s18 =	simm.s32 $0x400;
	s28 =	simm.s32 $0x14290;
	s13 =	simm.s32 $0x14260  }
0x1a: {  	s14 =	simm.s32 $0x14270;
	s31 =	simm.s32 $0x14280;
	s7 =	simm.s32 $0x280;
	(v2sf) =	vpush v0, $0x4  }
0x1b: {  	s8 =	simm.s32 $0x300;
	s24 =	simm.s32 $0x900;
	s23 =	simm.s32 $0x980;
	(v2sf) =	vpush v0, $0x2  }
0x1c: {  	s5 =	simm.s32 $0x14240;
	s26 =	simm.s32 $0x800;
	s25 =	simm.s32 $0x880  }
0x1d: {  	s11 =	simm.s32 $0x14230;
	s19 =	simm.s32 $0x600;
	s20 =	simm.s32 $0x14200  }
0x1e: {  	s29 =	simm.s32 $0xA00;
	s30 =	simm.s32 $0x10;
	[dreg:$0x5] =	wrdreg s12  }
0x1f: {  	s0 =	simm.s32 $0x14250;
	[dreg:$0x8] =	wrdreg s13;
	s6 =	spop (v2sf)  }
0x20: {  	[dreg:$0x6] =	wrdreg s14;
	s12 =	simm.s32 $0x700;
	s9 =	spop (v2sf)  }
0x21: {  	s13 =	simm.s32 $0x780;
	[dreg:$0x9] =	wrdreg s19;
	s10 =	spop (v2sf)  }
0x22: {  	[dreg:$0x7] =	wrdreg s12;
	s16 =	sshll.u32 s10, $0x4;
	s10 =	sand.u32 $0xFFFFFFF8, s10  }
0x23: {  	[dreg:$0x4] =	wrdreg s13;
	(v2sf) =	vpush v0, $0x3;
	s17 =	sand.u32 $0x1FFFFFF0, s16;
	p0 =	slt.s32 s10, $0xF4230  }
0x24: {  	s12 =	simm.s32 $0x580;
	s13 =	sadd.s32 s4, s17;
	s10 =	simm.s32 @!p0 $0xF4230  }
0x25: {  	[tilespmem:s22], [sflag:$0x1] =	stream.linear.gather [hbm4b:s13+s3], $0x80, $0x38;
	[tilespmem:$0x16400] =	vst v63  }
0x26: {  	s22 =	sshll.u32 s9, $0x4;
	s9 =	sand.u32 $0xFFFFFFF8, s9;
	s10 =	sshrl.u32 s10, $0x3  }
0x27: {  	(v2sf) =	vpush v0, $0x7;
	s16 =	simm.s32 $0x14210;
	p0 =	slt.s32 s9, $0xF4230;
	s10 =	sadd.s32 s21, s10  }
0x28: {  	[tilespmem:s20], [sflag:$0x2] =	stream.linear.gather [hbm4b:s10+s3], $0x10, $0x38;
	[tilespmem:$0x16400] =	vst v63  }
0x29: {  	s13 =	sand.u32 $0x1FFFFFF0, s22;
	s10 =	spop (v2sf);
	s9 =	simm.s32 @!p0 $0xF4230  }
0x2a: {  	s14 =	sadd.s32 s4, s13;
	s20 =	simm.s32 $0x680;
	s17 =	spop (v2sf)  }
0x2b: {  	(v2sf) =	vpush v0, $0x8;
	[tilespmem:s7], [sflag:$0x1] =	stream.linear.gather [hbm4b:s14+s3], $0x80, $0x38;
	[tilespmem:$0x16400] =	vst v63  }
0x2c: {  	s9 =	sshrl.u32 s9, $0x3;
	[dreg:$0xa] =	wrdreg s20;
	s7 =	sand.u32 $0xFFFFFFF8, s17  }
0x2d: {  	s19 =	sshll.u32 s17, $0x4;
	s9 =	sadd.s32 s21, s9;
	p0 =	slt.s32 s7, $0xF4230  }
0x2e: {  	[tilespmem:s16], [sflag:$0x2] =	stream.linear.gather [hbm4b:s9+s3], $0x10, $0x38;
	[tilespmem:$0x16400] =	vst v63  }
0x2f: {  	s22 =	sand.u32 $0x1FFFFFF0, s19;
	s19 =	simm.s32 $0x400;
	s7 =	simm.s32 @!p0 $0xF4230  }
0x30: {  	s9 =	sadd.s32 s4, s22;
	s16 =	simm.s32 $0x380;
	s22 =	sshll.u32 s10, $0x4  }
0x31: {  	[tilespmem:s8], [sflag:$0x1] =	stream.linear.gather [hbm4b:s9+s3], $0x80, $0x38;
	[tilespmem:$0x16400] =	vst v63  }
0x32: {  	s10 =	sand.u32 $0xFFFFFFF8, s10;
	s7 =	sshrl.u32 s7, $0x3;
	s1 =	spop (v2sf)  }
0x33: {  	s8 =	simm.s32 $0x480;
	s7 =	sadd.s32 s21, s7;
	(v2sf) =	vpush v0, $0x5;
	s14 =	sshll.u32 s1, $0x4  }
0x34: {  	[tilespmem:s2], [sflag:$0x2] =	stream.linear.gather [hbm4b:s7+s3], $0x10, $0x38;
	[tilespmem:$0x16400] =	vst v63  }
0x35: {  	s13 =	sand.u32 $0xFFFFFFF8, s1;
	s7 =	sshll.u32 s6, $0x4;
	s6 =	sand.u32 $0xFFFFFFF8, s6  }
0x36: {  	s1 =	spop (v2sf);
	s9 =	sand.u32 $0x1FFFFFF0, s14;
	p0 =	slt.s32 s13, $0xF4230  }
0x37: {  	s7 =	sand.u32 $0x1FFFFFF0, s7;
	s17 =	sadd.s32 s4, s9;
	s13 =	simm.s32 @!p0 $0xF4230  }
0x38: {  	(v2sf) =	vpush v0, $0x9;
	[tilespmem:s16], [sflag:$0x1] =	stream.linear.gather [hbm4b:s17+s3], $0x80, $0x38;
	[tilespmem:$0x16400] =	vst v63  }
0x39: {  	p0 =	slt.s32 s10, $0xF4230;
	s20 =	sshrl.u32 s13, $0x3;
	s13 =	sand.u32 $0x1FFFFFF0, s22  }
0x3a: {  	(v2sf) =	vpush v0, $0xA;
	s16 =	sshll.u32 s1, $0x4;
	s17 =	spop (v2sf);
	s10 =	simm.s32 @!p0 $0xF4230  }
0x3b: {  	s9 =	sadd.s32 s21, s20;
	s14 =	sadd.s32 s4, s13;
	s10 =	sshrl.u32 s10, $0x3  }
0x3c: {  	[tilespmem:s11], [sflag:$0x2] =	stream.linear.gather [hbm4b:s9+s3], $0x10, $0x38;
	[tilespmem:$0x16400] =	vst v63  }
0x3d: {  	s2 =	sand.u32 $0x1FFFFFF0, s16;
	s11 =	sand.u32 $0xFFFFFFF8, s17;
	s20 =	sadd.s32 s21, s10  }
0x3e: {  	[tilespmem:s19], [sflag:$0x1] =	stream.linear.gather [hbm4b:s14+s3], $0x80, $0x38;
	[tilespmem:$0x16400] =	vst v63  }
0x3f: {  	(v2sf) =	vpush v0, $0xB;
	p0 =	slt.s32 s11, $0xF4230;
	s19 =	sshll.u32 s17, $0x4;
	s17 =	sand.u32 $0xFFFFFFF8, s1  }
0x40: {  	s11 =	simm.s32 @!p0 $0xF4230;
	s9 =	sand.u32 $0x1FFFFFF0, s19;
	p1 =	slt.s32 s17, $0xF4230  }
0x41: {  	[tilespmem:s5], [sflag:$0x2] =	stream.linear.gather [hbm4b:s20+s3], $0x10, $0x38;
	[tilespmem:$0x16400] =	vst v63  }
0x42: {  	s14 =	sshrl.u32 s11, $0x3;
	s17 =	simm.s32 @!p1 $0xF4230;
	s22 =	spop (v2sf)  }
0x43: {  	s20 =	simm.s32 $0x142C0;
	s1 =	sshll.u32 s22, $0x4;
	s5 =	sand.u32 $0xFFFFFFF8, s22  }
0x44: {  	[dreg:$0xb] =	wrdreg s20;
	s10 =	sand.u32 $0x1FFFFFF0, s1;
	p0 =	slt.s32 s5, $0xF4230  }
0x45: {  	s22 =	sadd.s32 s4, s7;
	s10 =	sadd.s32 s4, s10;
	s5 =	simm.s32 @!p0 $0xF4230  }
0x46: {  	[tilespmem:s8], [sflag:$0x1] =	stream.linear.gather [hbm4b:s10+s3], $0x80, $0x38;
	[tilespmem:$0x16400] =	vst v63  }
0x47: {  	p0 =	slt.s32 s6, $0xF4230;
	s5 =	sshrl.u32 s5, $0x3;
	s10 =	spop (v2sf)  }
0x48: {  	s6 =	simm.s32 @!p0 $0xF4230;
	s5 =	sadd.s32 s21, s5;
	s11 =	sshll.u32 s10, $0x4  }
0x49: {  	s10 =	sand.u32 $0xFFFFFFF8, s10;
	s16 =	sshrl.u32 s6, $0x3;
	s13 =	spop (v2sf)  }
0x4a: {  	s6 =	simm.s32 $0x142A0;
	s7 =	sand.u32 $0x1FFFFFF0, s11;
	p0 =	slt.s32 s10, $0xF4230  }
0x4b: {  	[tilespmem:s0], [sflag:$0x2] =	stream.linear.gather [hbm4b:s5+s3], $0x10, $0x38;
	[tilespmem:$0x16400] =	vst v63  }
0x4c: {  	s19 =	sshll.u32 s13, $0x4;
	s11 =	sand.u32 $0xFFFFFFF8, s13;
	s13 =	simm.s32 $0x142D0  }
0x4d: {  	(v2sf) =	vpush v0, $0xC;
	s5 =	simm.s32 $0x142B0;
	s10 =	simm.s32 @!p0 $0xF4230;
	p1 =	slt.s32 s11, $0xF4230  }
0x4e: {  	vm6 =	vmmov vm0;
	(v2sf) =	vpush v0, $0xD;
	s8 =	sshrl.u32 s10, $0x3;
	s10 =	sand.u32 $0x1FFFFFF0, s19;
	s19 =	spop (v2sf)  }
.LBB2_2:
0x4f: {  	s11 =	simm.s32 @!p1 $0xF4230;
	s20 =	sshll.u32 s19, $0x4  }
0x50: {  	s19 =	sand.u32 $0xFFFFFFF8, s19;
	s0 =	rddreg [dreg:$0x5];
	s16 =	sadd.s32 s21, s16  }
0x51: {  	[tilespmem:s0], [sflag:$0x1] =	stream.linear.gather [hbm4b:s22+s3], $0x80, $0x38;
	[tilespmem:$0x16400] =	vst v63  }
0x52: {  	s2 =	sadd.s32 s4, s2;
	s11 =	sshrl.u32 s11, $0x3;
	s22 =	rddreg [dreg:$0x8]  }
0x53: {  	[tilespmem:s22], [sflag:$0x2] =	stream.linear.gather [hbm4b:s16+s3], $0x10, $0x38;
	[tilespmem:$0x16400] =	vst v63  }
0x54: {  	s20 =	sand.u32 $0x1FFFFFF0, s20;
	s0 =	sshrl.u32 s17, $0x3;
	p0 =	slt.s32 s19, $0xF4230  }
0x55: {  	(v2sf) =	vpush v0, $0xE;
	[tilespmem:s12], [sflag:$0x1] =	stream.linear.gather [hbm4b:s2+s3], $0x80, $0x38;
	[tilespmem:$0x16400] =	vst v63  }
0x56: {  	s1 =	sadd.s32 s21, s0;
	s19 =	simm.s32 @!p0 $0xF4230;
	s16 =	rddreg [dreg:$0x6]  }
0x57: {  	[tilespmem:s16], [sflag:$0x2] =	stream.linear.gather [hbm4b:s1+s3], $0x10, $0x38;
	[tilespmem:$0x16400] =	vst v63  }
0x58: {  	s17 =	sadd.s32 s4, s9;
	s9 =	sshrl.u32 s19, $0x3;
	s1 =	rddreg [dreg:$0x9]  }
0x59: {  	[tilespmem:s1], [sflag:$0x1] =	stream.linear.gather [hbm4b:s17+s3], $0x80, $0x38;
	[tilespmem:$0x16400] =	vst v63  }
0x5a: {  	s19 =	sadd.s32 s4, s7;
	s17 =	sadd.s32 s21, s14;
	s1 =	rddreg [dreg:$0xa]  }
0x5b: {  	[tilespmem:s31], [sflag:$0x2] =	stream.linear.gather [hbm4b:s17+s3], $0x10, $0x38;
	[tilespmem:$0x16400] =	vst v63  }
0x5c: {  	s16 =	sadd.s32 s4, s10;
	s10 =	sadd.s32 s4, s20;
	s17 =	rddreg [dreg:$0x7]  }
0x5d: {  	[tilespmem:s1], [sflag:$0x1] =	stream.linear.gather [hbm4b:s19+s3], $0x80, $0x38;
	[tilespmem:$0x16400] =	vst v63  }
0x5e: {  	s12 =	spop (v2sf);
	s1 =	sadd.s32 s21, s8;
	s19 =	sadd.s32 s21, s11  }
0x5f: {  	(v2sf) =	vpush v0, $0xF;
	s11 =	rddreg [dreg:$0x4];
	s22 =	sshll.u32 s12, $0x4;
	s12 =	sand.u32 $0xFFFFFFF8, s12  }
0x60: {  	s14 =	sand.u32 $0x1FFFFFF0, s22;
	p0 =	slt.s32 s12, $0xF4230;
	s22 =	spop (v2sf)  }
0x61: {  	[tilespmem:s28], [sflag:$0x2] =	stream.linear.gather [hbm4b:s1+s3], $0x10, $0x38;
	[tilespmem:$0x16400] =	vst v63  }
0x62: {  	s12 =	simm.s32 @!p0 $0xF4230;
	s8 =	sshll.u32 s22, $0x4;
	s7 =	sand.u32 $0xFFFFFFF8, s22  }
0x63: {  	[tilespmem:s17], [sflag:$0x1] =	stream.linear.gather [hbm4b:s16+s3], $0x80, $0x38;
	[tilespmem:$0x16400] =	vst v63  }
0x64: {  	s22 =	spop (v2sf);
	s2 =	sand.u32 $0x1FFFFFF0, s8;
	p0 =	slt.s32 s7, $0xF4230  }
0x65: {  	[tilespmem:s6], [sflag:$0x2] =	stream.linear.gather [hbm4b:s19+s3], $0x10, $0x38;
	[tilespmem:$0x16400] =	vst v63  }
0x66: {  	s16 =	sadd.s32 s21, s9;
	s8 =	sand.u32 $0xFFFFFFF8, s22;
	s17 =	sadd.s32 s4, s14  }
0x67: {  	[tilespmem:s11], [sflag:$0x1] =	stream.linear.gather [hbm4b:s10+s3], $0x80, $0x38;
	[tilespmem:$0x16400] =	vst v63  }
0x68: {  	s7 =	simm.s32 @!p0 $0xF4230;
	p0 =	slt.s32 s8, $0xF4230;
	s19 =	sshrl.u32 s12, $0x3  }
0x69: {  	[tilespmem:s5], [sflag:$0x2] =	stream.linear.gather [hbm4b:s16+s3], $0x10, $0x38;
	[tilespmem:$0x16400] =	vst v63  }
0x6a: {  	s6 =	sshll.u32 s22, $0x4;
	s8 =	simm.s32 @!p0 $0xF4230;
	s20 =	sadd.s32 s21, s19  }
0x6b: {  	[tilespmem:s26], [sflag:$0x1] =	stream.linear.gather [hbm4b:s17+s3], $0x80, $0x38;
	[tilespmem:$0x16400] =	vst v63  }
0x6c: {  	s12 =	sshrl.u32 s8, $0x3;
	s10 =	sadd.s32 s4, s2;
	s26 =	rddreg [dreg:$0xb]  }
0x6d: {  	[tilespmem:s26], [sflag:$0x2] =	stream.linear.gather [hbm4b:s20+s3], $0x10, $0x38;
	[tilespmem:$0x16400] =	vst v63  }
0x6e: {  	s11 =	sshrl.u32 s7, $0x3;
	s16 =	sand.u32 $0x1FFFFFF0, s6;
	s9 =	spop (v2sf)  }
0x6f: {  	[tilespmem:s25], [sflag:$0x1] =	stream.linear.gather [hbm4b:s10+s3], $0x80, $0x38;
	[tilespmem:$0x16400] =	vst v63  }
0x70: {  	s14 =	sadd.s32 s21, s11;
	s17 =	sadd.s32 s4, s16;
	s6 =	sand.u32 $0xFFFFFFF8, s9  }
0x71: {  	[tilespmem:s13], [sflag:$0x2] =	stream.linear.gather [hbm4b:s14+s3], $0x10, $0x38;
	[tilespmem:$0x16400] =	vst v63  }
0x72: {  	s20 =	sadd.s32 $0x142E0, s15;
	s22 =	sshll.u32 s9, $0x4;
	p0 =	slt.s32 s6, $0xF4230  }
0x73: {  	[tilespmem:s24], [sflag:$0x1] =	stream.linear.gather [hbm4b:s17+s3], $0x80, $0x38;
	[tilespmem:$0x16400] =	vst v63  }
0x74: {  	s19 =	sand.u32 $0x1FFFFFF0, s22;
	s22 =	sadd.s32 s21, s12;
	s6 =	simm.s32 @!p0 $0xF4230  }
0x75: {  	[tilespmem:s20], [sflag:$0x2] =	stream.linear.gather [hbm4b:s22+s3], $0x10, $0x38;
	[tilespmem:$0x16400] =	vst v63  }
0x76: {  	s25 =	sadd.s32 s4, s19;
	s26 =	sshrl.u32 s6, $0x3  }
0x77: {  	[tilespmem:s23], [sflag:$0x1] =	stream.linear.gather [hbm4b:s25+s3], $0x80, $0x38;
	[tilespmem:$0x16400] =	vst v63  }
0x78: {  	s2 =	sadd.s32 $0x142F0, s15;
	s1 =	sadd.s32 s21, s26  }
0x79: {  	[tilespmem:s2], [sflag:$0x2] =	stream.linear.gather [hbm4b:s1+s3], $0x10, $0x38;
	[tilespmem:$0x16400] =	vst v63  }
0x7a: {  	v0 =	vld [tilespmem:s30+$0x0];
	_ =	sdelay $0x2  }
0x7b: {  	s16 =	sadd.s32 $0x600, s29;
	s15 =	sshra.s32 s18, $0x2  }
0x7c: {  	[dreg:$0x12] =	wrdreg s16;
	s5 =	sadd.s32 $0x14220, s15  }
0x7d: {  	s16 =	sadd.s32 $0x680, s29;
	s7 =	sadd.s32 $0x14270, s15;
	[dreg:$0xe] =	wrdreg s5;
	(v2sf) =	vpush v0, $0x6  }
0x7e: {  	s11 =	sadd.s32 $0x14280, s15;
	s8 =	sadd.s32 $0x14250, s15;
	[dreg:$0x6] =	wrdreg s7;
	(v2sf) =	vpush v0, $0x1  }
0x7f: {  	s9 =	sadd.s32 $0x80, s29;
	[dreg:$0xc] =	wrdreg s8;
	s10 =	sadd.s32 $0x700, s29;
	(v2sf) =	vpush v0, $0x0  }
0x80: {  	s8 =	sadd.s32 $0x100, s29;
	[dreg:$0x13] =	wrdreg s10;
	s12 =	sadd.s32 $0x780, s29  }
0x81: {  	s5 =	sadd.s32 $0x142B0, s15;
	[dreg:$0xd] =	wrdreg s12;
	s13 =	sadd.s32 $0x14240, s15;
	(v2sf) =	vpush v0, $0x4  }
0x82: {  	s10 =	sadd.s32 $0x142D0, s15;
	s19 =	sadd.s32 $0x500, s29;
	[dreg:$0xf] =	wrdreg s13;
	(v2sf) =	vpush v0, $0x2  }
0x83: {  	p0 =	sne.s32 s18, $0x7C00;
	s6 =	sadd.s32 $0x14260, s15;
	[dreg:$0x7] =	wrdreg s19  }
0x84: {  	s18 =	sadd.s32 $0x400, s18;
	s24 =	sadd.s32 $0x300, s29;
	[dreg:$0x8] =	wrdreg s6;
	(v2sf) =	vpush v0, $0x3  }
0x85: {  	s14 =	smov.u32 s29;
	s17 =	sadd.s32 $0x14230, s15;
	[dreg:$0x5] =	wrdreg s24  }
0x86: {  	s19 =	sadd.s32 $0x200, s14;
	s26 =	sadd.s32 $0x142C0, s15;
	[dreg:$0x14] =	wrdreg s17  }
0x87: {  	s13 =	sadd.s32 $0x180, s14;
	s24 =	sadd.s32 $0x480, s29;
	[dreg:$0xb] =	wrdreg s26  }
0x88: {  	s6 =	sadd.s32 $0x142A0, s15;
	s20 =	sadd.s32 $0x580, s29;
	[dreg:$0xa] =	wrdreg s24  }
0x89: {  	s17 =	sadd.s32 $0x14210, s15;
	s22 =	sadd.s32 $0x380, s29;
	[dreg:$0x4] =	wrdreg s20;
	(v2sf) =	vpush v0, $0x7  }
0x8a: {  	[dreg:$0x11] =	wrdreg s22;
	s22 =	sadd.s32 $0x14200, s15;
	s23 =	sadd.s32 $0x400, s29  }
0x8b: {  	s25 =	sadd.s32 $0x280, s14;
	s29 =	sadd.s32 $0x800, s29;
	[dreg:$0x9] =	wrdreg s23  }
0x8c: {  	[dreg:$0x10] =	wrdreg s25;
	s2 =	sadd.s32 $0x14290, s15;
	s0 =	spop (v2sf)  }
0x8d: {  	s30 =	sadd.s32 $0x10, s30;
	s7 =	sshll.u32 s0, $0x4;
	s1 =	spop (v2sf)  }
0x8e: {  	s20 =	sand.u32 $0xFFFFFFF8, s0;
	s12 =	sshll.u32 s1, $0x4;
	s0 =	spop (v2sf)  }
0x8f: {  	s23 =	sand.u32 $0xFFFFFFF8, s1;
	s7 =	sand.u32 $0x1FFFFFF0, s7;
	s1 =	sshll.u32 s0, $0x4  }
0x90: {  	s25 =	sand.u32 $0xFFFFFFF8, s0;
	s28 =	spop (v2sf);
	s24 =	sand.u32 $0x1FFFFFF0, s12  }
0x91: {  	s26 =	sand.u32 $0x1FFFFFF0, s1;
	p1 =	slt.s32 s25, $0xF4230;
	s31 =	spop (v2sf)  }
0x92: {  	s26 =	sadd.s32 s4, s26;
	s25 =	simm.s32 @!p1 $0xF4230;
	p1 =	slt.s32 s23, $0xF4230  }
0x93: {  	s12 =	sshll.u32 s31, $0x4;
	s31 =	sand.u32 $0xFFFFFFF8, s31;
	s1 =	spop (v2sf)  }
0x94: {  	(v2sf) =	vpush v0, $0x8;
	s25 =	sshrl.u32 s25, $0x3;
	s23 =	simm.s32 @!p1 $0xF4230;
	s0 =	sand.u32 $0x1FFFFFF0, s12  }
0x95: {  	p1 =	slt.s32 s31, $0xF4230;
	s12 =	sshll.u32 s1, $0x4;
	s1 =	sand.u32 $0xFFFFFFF8, s1  }
0x96: {  	(v2sf) =	vpush v0, $0x5;
	[tilespmem:s14], [sflag:$0x1] =	stream.linear.gather [hbm4b:s26+s3], $0x80, $0x38;
	[tilespmem:$0x16400] =	vst v63  }
0x97: {  	s23 =	sshrl.u32 s23, $0x3;
	s31 =	simm.s32 @!p1 $0xF4230;
	s12 =	sand.u32 $0x1FFFFFF0, s12  }
0x98: {  	p1 =	slt.s32 s1, $0xF4230;
	s26 =	sadd.s32 s21, s25;
	s25 =	spop (v2sf)  }
0x99: {  	s0 =	sadd.s32 s4, s0;
	s31 =	sshrl.u32 s31, $0x3;
	s1 =	simm.s32 @!p1 $0xF4230  }
0x9a: {  	[tilespmem:s22], [sflag:$0x2] =	stream.linear.gather [hbm4b:s26+s3], $0x10, $0x38;
	[tilespmem:$0x16400] =	vst v63  }
0x9b: {  	s22 =	sadd.s32 s4, s24;
	s24 =	sshll.u32 s28, $0x4;
	s14 =	sshll.u32 s25, $0x4  }
0x9c: {  	[tilespmem:s9], [sflag:$0x1] =	stream.linear.gather [hbm4b:s22+s3], $0x80, $0x38;
	[tilespmem:$0x16400] =	vst v63  }
0x9d: {  	s26 =	sadd.s32 s21, s23;
	s12 =	sadd.s32 s4, s12;
	s9 =	sand.u32 $0xFFFFFFF8, s28  }
0x9e: {  	s1 =	sshrl.u32 s1, $0x3;
	s24 =	sand.u32 $0x1FFFFFF0, s24;
	p1 =	slt.s32 s9, $0xF4230  }
0x9f: {  	(v2sf) =	vpush v0, $0x9;
	[tilespmem:s17], [sflag:$0x2] =	stream.linear.gather [hbm4b:s26+s3], $0x10, $0x38;
	[tilespmem:$0x16400] =	vst v63  }
0xa0: {  	s28 =	smov.u32 s2;
	s9 =	simm.s32 @!p1 $0xF4230;
	s17 =	sand.u32 $0xFFFFFFF8, s25  }
0xa1: {  	s1 =	sadd.s32 s21, s1;
	s26 =	sshrl.u32 s9, $0x3;
	p2 =	slt.s32 s17, $0xF4230  }
0xa2: {  	[tilespmem:s8], [sflag:$0x1] =	stream.linear.gather [hbm4b:s0+s3], $0x80, $0x38;
	[tilespmem:$0x16400] =	vst v63  }
0xa3: {  	s0 =	sadd.s32 s21, s31;
	s31 =	smov.u32 s11;
	s2 =	spop (v2sf)  }
0xa4: {  	s22 =	sshll.u32 s2, $0x4;
	s23 =	sand.u32 $0xFFFFFFF8, s2;
	s2 =	sand.u32 $0x1FFFFFF0, s14  }
0xa5: {  	p1 =	slt.s32 s23, $0xF4230;
	s9 =	sand.u32 $0x1FFFFFF0, s22;
	s8 =	spop (v2sf)  }
0xa6: {  	(v2sf) =	vpush v0, $0xA;
	s23 =	simm.s32 @!p1 $0xF4230;
	s11 =	sshll.u32 s8, $0x4;
	s25 =	sand.u32 $0xFFFFFFF8, s8  }
0xa7: {  	s14 =	sshrl.u32 s23, $0x3;
	s22 =	sand.u32 $0x1FFFFFF0, s11;
	p1 =	slt.s32 s25, $0xF4230  }
0xa8: {  	s23 =	sadd.s32 s4, s22;
	s25 =	simm.s32 @!p1 $0xF4230;
	s22 =	rddreg [dreg:$0xe]  }
0xa9: {  	[tilespmem:s22], [sflag:$0x2] =	stream.linear.gather [hbm4b:s0+s3], $0x10, $0x38;
	[tilespmem:$0x16400] =	vst v63  }
0xaa: {  	s17 =	simm.s32 @!p2 $0xF4230;
	(v2sf) =	vpush v0, $0xB;
	p1 =	slt.s32 s20, $0xF4230;
	s11 =	sshrl.u32 s25, $0x3  }
0xab: {  	s22 =	sadd.s32 s4, s7;
	s7 =	sadd.s32 s4, s24;
	s24 =	rddreg [dreg:$0x13]  }
0xac: {  	s25 =	smov.u32 s16;
	s16 =	rddreg [dreg:$0x14];
	s20 =	simm.s32 @!p1 $0xF4230  }
0xad: {  	[tilespmem:s13], [sflag:$0x1] =	stream.linear.gather [hbm4b:s12+s3], $0x80, $0x38;
	[tilespmem:$0x16400] =	vst v63  }
0xae: {  	s0 =	sadd.s32 s21, s11;
	s11 =	sadd.s32 s21, s26;
	s12 =	spop (v2sf)  }
0xaf: {  	s26 =	rddreg [dreg:$0x12];
	s13 =	smov.u32 s10;
	s8 =	sand.u32 $0xFFFFFFF8, s12  }
0xb0: {  	[tilespmem:s16], [sflag:$0x2] =	stream.linear.gather [hbm4b:s1+s3], $0x10, $0x38;
	[tilespmem:$0x16400] =	vst v63  }
0xb1: {  	s16 =	sshll.u32 s12, $0x4;
	s12 =	rddreg [dreg:$0x11];
	p1 =	slt.s32 s8, $0xF4230  }
0xb2: {  	[tilespmem:s19], [sflag:$0x1] =	stream.linear.gather [hbm4b:s7+s3], $0x80, $0x38;
	[tilespmem:$0x16400] =	vst v63  }
0xb3: {  	s8 =	simm.s32 @!p1 $0xF4230;
	s7 =	sand.u32 $0x1FFFFFF0, s16;
	s19 =	rddreg [dreg:$0xf]  }
0xb4: {  	[tilespmem:s19], [sflag:$0x2] =	stream.linear.gather [hbm4b:s11+s3], $0x10, $0x38;
	[tilespmem:$0x16400] =	vst v63  }
0xb5: {  	s16 =	sshrl.u32 s20, $0x3;
	s8 =	sshrl.u32 s8, $0x3;
	s20 =	spop (v2sf)  }
.Ltmp0:
0xb6: {  	s11 =	rddreg [dreg:$0x10];
	s19 =	sshll.u32 s20, $0x4;
	(pc) =	sbr.rel @p0 .LBB2_2-.Ltmp0, $4  }
0xb7: {  	[tilespmem:s11], [sflag:$0x1] =	stream.linear.gather [hbm4b:s23+s3], $0x80, $0x38;
	[tilespmem:$0x16400] =	vst v63  }
0xb8: {  	s23 =	rddreg [dreg:$0xd];
	s11 =	sand.u32 $0xFFFFFFF8, s20;
	s10 =	sand.u32 $0x1FFFFFF0, s19  }
0xb9: {  	(v2sf) =	vpush v0, $0xC;
	s20 =	rddreg [dreg:$0xc];
	p1 =	slt.s32 s11, $0xF4230;
	s19 =	spop (v2sf)  }
0xba: {  	(v2sf) =	vpush v0, $0xD;
	[tilespmem:s20], [sflag:$0x2] =	stream.linear.gather [hbm4b:s0+s3], $0x10, $0x38;
	[tilespmem:$0x16400] =	vst v63  }
0xbb: {  	s0 =	rddreg [dreg:$0x5]  }
0xbc: {  	[tilespmem:s0], [sflag:$0x1] =	stream.linear.gather [hbm4b:s22+s3], $0x80, $0x38;
	[tilespmem:$0x16400] =	vst v63  }
0xbd: {  	s16 =	sadd.s32 s21, s16;
	s1 =	rddreg [dreg:$0x8]  }
0xbe: {  	[tilespmem:s1], [sflag:$0x2] =	stream.linear.gather [hbm4b:s16+s3], $0x10, $0x38;
	[tilespmem:$0x16400] =	vst v63  }
0xbf: {  	s18 =	sadd.s32 s4, s2;
	s20 =	sshrl.u32 s17, $0x3  }
0xc0: {  	[tilespmem:s12], [sflag:$0x1] =	stream.linear.gather [hbm4b:s18+s3], $0x80, $0x38;
	[tilespmem:$0x16400] =	vst v63  }
0xc1: {  	s0 =	sadd.s32 s21, s20;
	s22 =	rddreg [dreg:$0x6]  }
0xc2: {  	[tilespmem:s22], [sflag:$0x2] =	stream.linear.gather [hbm4b:s0+s3], $0x10, $0x38;
	[tilespmem:$0x16400] =	vst v63  }
0xc3: {  	s29 =	sadd.s32 s4, s9;
	s30 =	rddreg [dreg:$0x9]  }
0xc4: {  	[tilespmem:s30], [sflag:$0x1] =	stream.linear.gather [hbm4b:s29+s3], $0x80, $0x38;
	[tilespmem:$0x16400] =	vst v63  }
0xc5: {  	s1 =	sadd.s32 s21, s14  }
0xc6: {  	[tilespmem:s31], [sflag:$0x2] =	stream.linear.gather [hbm4b:s1+s3], $0x10, $0x38;
	[tilespmem:$0x16400] =	vst v63  }
0xc7: {  	s2 =	sadd.s32 s4, s7;
	s7 =	rddreg [dreg:$0xa]  }
0xc8: {  	[tilespmem:s7], [sflag:$0x1] =	stream.linear.gather [hbm4b:s2+s3], $0x80, $0x38;
	[tilespmem:$0x16400] =	vst v63  }
0xc9: {  	s8 =	sadd.s32 s21, s8;
	s11 =	simm.s32 @!p1 $0xF4230  }
0xca: {  	[tilespmem:s28], [sflag:$0x2] =	stream.linear.gather [hbm4b:s8+s3], $0x10, $0x38;
	[tilespmem:$0x16400] =	vst v63  }
0xcb: {  	s9 =	sadd.s32 s4, s10;
	s10 =	rddreg [dreg:$0x7];
	s12 =	sshrl.u32 s11, $0x3  }
0xcc: {  	[tilespmem:s10], [sflag:$0x1] =	stream.linear.gather [hbm4b:s9+s3], $0x80, $0x38;
	[tilespmem:$0x16400] =	vst v63  }
0xcd: {  	s14 =	sshll.u32 s19, $0x4;
	s0 =	sadd.s32 s21, s12  }
0xce: {  	[tilespmem:s6], [sflag:$0x2] =	stream.linear.gather [hbm4b:s0+s3], $0x10, $0x38;
	[tilespmem:$0x16400] =	vst v63  }
0xcf: {  	s0 =	sand.u32 $0x1FFFFFF0, s14  }
0xd0: {  	s16 =	rddreg [dreg:$0x4];
	s0 =	sadd.s32 s4, s0  }
0xd1: {  	[tilespmem:s16], [sflag:$0x1] =	stream.linear.gather [hbm4b:s0+s3], $0x80, $0x38;
	[tilespmem:$0x16400] =	vst v63  }
0xd2: {  	s0 =	sand.u32 $0xFFFFFFF8, s19  }
0xd3: {  	p0 =	slt.s32 s0, $0xF4230  }
0xd4: {  	s17 =	spop (v2sf);
	(v2sf) =	vpush v0, $0xE;
	s0 =	simm.s32 @!p0 $0xF4230  }
0xd5: {  	s0 =	sshrl.u32 s0, $0x3  }
0xd6: {  	s18 =	sshll.u32 s17, $0x4;
	s0 =	sadd.s32 s21, s0  }
0xd7: {  	[tilespmem:s5], [sflag:$0x2] =	stream.linear.gather [hbm4b:s0+s3], $0x10, $0x38;
	[tilespmem:$0x16400] =	vst v63  }
0xd8: {  	s1 =	sand.u32 $0x1FFFFFF0, s18;
	s0 =	sand.u32 $0xFFFFFFF8, s17  }
0xd9: {  	s1 =	sadd.s32 s4, s1;
	p0 =	slt.s32 s0, $0xF4230  }
0xda: {  	[tilespmem:s26], [sflag:$0x1] =	stream.linear.gather [hbm4b:s1+s3], $0x80, $0x38;
	[tilespmem:$0x16400] =	vst v63  }
0xdb: {  	s20 =	spop (v2sf);
	(v2sf) =	vpush v0, $0xF;
	s0 =	simm.s32 @!p0 $0xF4230  }
0xdc: {  	s0 =	sshrl.u32 s0, $0x3  }
0xdd: {  	s22 =	sshll.u32 s20, $0x4;
	s19 =	rddreg [dreg:$0xb];
	s0 =	sadd.s32 s21, s0  }
0xde: {  	[tilespmem:s19], [sflag:$0x2] =	stream.linear.gather [hbm4b:s0+s3], $0x10, $0x38;
	[tilespmem:$0x16400] =	vst v63  }
0xdf: {  	s1 =	sand.u32 $0x1FFFFFF0, s22;
	s0 =	sand.u32 $0xFFFFFFF8, s20  }
0xe0: {  	s1 =	sadd.s32 s4, s1;
	p0 =	slt.s32 s0, $0xF4230  }
0xe1: {  	[tilespmem:s25], [sflag:$0x1] =	stream.linear.gather [hbm4b:s1+s3], $0x80, $0x38;
	[tilespmem:$0x16400] =	vst v63  }
0xe2: {  	s0 =	simm.s32 @!p0 $0xF4230  }
0xe3: {  	s25 =	spop (v2sf);
	s0 =	sshrl.u32 s0, $0x3  }
0xe4: {  	s26 =	sshll.u32 s25, $0x4;
	s0 =	sadd.s32 s21, s0  }
0xe5: {  	[tilespmem:s13], [sflag:$0x2] =	stream.linear.gather [hbm4b:s0+s3], $0x10, $0x38;
	[tilespmem:$0x16400] =	vst v63  }
0xe6: {  	s1 =	sand.u32 $0x1FFFFFF0, s26;
	s0 =	sand.u32 $0xFFFFFFF8, s25  }
0xe7: {  	s1 =	sadd.s32 s4, s1;
	p0 =	slt.s32 s0, $0xF4230  }
0xe8: {  	[tilespmem:s24], [sflag:$0x1] =	stream.linear.gather [hbm4b:s1+s3], $0x80, $0x38;
	[tilespmem:$0x16400] =	vst v63  }
0xe9: {  	s0 =	simm.s32 @!p0 $0xF4230  }
0xea: {  	s29 =	spop (v2sf);
	s0 =	sshrl.u32 s0, $0x3  }
0xeb: {  	s28 =	sadd.s32 $0x142E0, s15;
	s1 =	sand.u32 $0xFFFFFFF8, s29;
	s0 =	sadd.s32 s21, s0  }
0xec: {  	[tilespmem:s28], [sflag:$0x2] =	stream.linear.gather [hbm4b:s0+s3], $0x10, $0x38;
	[tilespmem:$0x16400] =	vst v63  }
0xed: {  	p0 =	slt.s32 s1, $0xF4230;
	s0 =	sshll.u32 s29, $0x4  }
0xee: {  	s1 =	simm.s32 @!p0 $0xF4230;
	s0 =	sand.u32 $0x1FFFFFF0, s0  }
0xef: {  	s1 =	sshrl.u32 s1, $0x3;
	s0 =	sadd.s32 s4, s0  }
0xf0: {  	[tilespmem:s23], [sflag:$0x1] =	stream.linear.gather [hbm4b:s0+s3], $0x80, $0x38;
	[tilespmem:$0x16400] =	vst v63  }
0xf1: {  	s30 =	sadd.s32 $0x142F0, s15;
	s31 =	simm.s32 $0x2;
	s1 =	sadd.s32 s21, s1  }
0xf2: {  	[tilespmem:s30], [sflag:$0x2] =	stream.linear.gather [hbm4b:s1+s3], $0x10, $0x38;
	[tilespmem:$0x16400] =	vst v63  }
0xf3: {  	_ =	swait.ge [sflag:s31], $0x2000  }
0xf4: {  	[sflag:s31] =	ssyncset.done $0x0  }
0xf5: {  	s1 =	simm.s32 $0x0;
	[sflag:s31] =	ssyncadd.s32 $0xFFFFE000  }
0xf6: {  	v0 =	vld [tilespmem:s1+$0x0];
	_ =	sdelay $0x4  }
0xf7: {  	s0 =	simm.s32 $0x14280;
	v1 =	vand.u32 $0xFFFFFFF8, v0  }
0xf8: {  	v2 =	vld [tilespmem:s0+$0xFFFFFF80];
	vm0 =	vlt.s32 v1, $0xF4230  }
0xf9: {  	v1 =	vnsel vm0, $0xF4230, v1  }
0xfa: {  	v3 =	vsub.s32 v0, v1;
	v0 =	vld [tilespmem:s0+$0xFFFFFF90]  }
0xfb: {  	v1 =	vbroadcast v3, $0x0  }
0xfc: {  	v4 =	vld [tilespmem:s0+$0xFFFFFFA0]  }
0xfd: {  	v1 =	vperm.xlane v2, v1;
	v2 =	vbroadcast v3, $0x1  }
0xfe: {  	v5 =	vld [tilespmem:s0+$0xFFFFFFB0]  }
0xff: {  	v1 =	vnsel vm10, $0x0, v1;
	v0 =	vperm.xlane v0, v2;
	v2 =	vbroadcast v3, $0x2  }
0x100: {  	v6 =	vld [tilespmem:s0+$0xFFFFFFC0];
	v1 =	vadd.f32 $0.0e+00, v1  }
0x101: {  	v0 =	vsel vm6, $0x0, v0;
	v2 =	vperm.xlane v4, v2;
	v4 =	vbroadcast v3, $0x3  }
0x102: {  	v0 =	vadd.f32 v0, v1;
	v1 =	vld [tilespmem:s0+$0xFFFFFFD0]  }
0x103: {  	v2 =	vsel vm2, $0x0, v2;
	v4 =	vperm.xlane v5, v4;
	v5 =	vbroadcast v3, $0x4  }
0x104: {  	v0 =	vadd.f32 v2, v0;
	v2 =	vld [tilespmem:s0+$0xFFFFFFE0]  }
0x105: {  	v55 =	vbroadcast v3, $0x5;
	v4 =	vsel vm15, $0x0, v4;
	v5 =	vperm.xlane v6, v5  }
0x106: {  	v0 =	vadd.f32 v4, v0;
	v4 =	vld [tilespmem:s0+$0xFFFFFFF0]  }
0x107: {  	v56 =	vbroadcast v3, $0x6;
	v5 =	vsel vm4, $0x0, v5;
	v1 =	vperm.xlane v1, v55  }
0x108: {  	v0 =	vadd.f32 v5, v0;
	v5 =	vld [tilespmem:s0+$0x0]  }
0x109: {  	v57 =	vbroadcast v3, $0x7;
	v1 =	vsel vm5, $0x0, v1;
	v2 =	vperm.xlane v2, v56  }
0x10a: {  	v0 =	vadd.f32 v1, v0;
	v1 =	vld [tilespmem:s0+$0x10]  }
0x10b: {  	v58 =	vbroadcast v3, $0x8;
	v2 =	vsel vm14, $0x0, v2;
	v4 =	vperm.xlane v4, v57  }
0x10c: {  	v0 =	vadd.f32 v2, v0;
	v2 =	vld [tilespmem:s0+$0x20]  }
0x10d: {  	v59 =	vbroadcast v3, $0x9;
	v4 =	vsel vm11, $0x0, v4;
	v5 =	vperm.xlane v5, v58  }
0x10e: {  	v0 =	vadd.f32 v4, v0;
	v4 =	vld [tilespmem:s0+$0x30]  }
0x10f: {  	v60 =	vbroadcast v3, $0xA;
	v5 =	vsel vm1, $0x0, v5;
	v1 =	vperm.xlane v1, v59  }
0x110: {  	vm0 =	vmmov vm10;
	vm10 =	vcmask $0x2328;
	v0 =	vadd.f32 v5, v0;
	v5 =	vld [tilespmem:s0+$0x40]  }
0x111: {  	v61 =	vbroadcast v3, $0xB;
	v1 =	vsel vm10, $0x0, v1;
	v2 =	vperm.xlane v2, v60  }
0x112: {  	v0 =	vadd.f32 v1, v0;
	v1 =	vld [tilespmem:s0+$0x50]  }
0x113: {  	v62 =	vbroadcast v3, $0xC;
	v2 =	vsel vm8, $0x0, v2;
	v4 =	vperm.xlane v4, v61  }
0x114: {  	v0 =	vadd.f32 v2, v0  }
0x115: {  	v63 =	vbroadcast v3, $0xD;
	v2 =	vld [tilespmem:s0+$0x60];
	v4 =	vsel vm7, $0x0, v4;
	v5 =	vperm.xlane v5, v62  }
0x116: {  	v0 =	vadd.f32 v4, v0  }
0x117: {  	v4 =	vsel vm12, $0x0, v5;
	v1 =	vperm.xlane v1, v63  }
0x118: {  	v5 =	vbroadcast v3, $0xE;
	v4 =	vadd.f32 v4, v0  }
0x119: {  	v6 =	vsel vm9, $0x0, v1  }
0x11a: {  	v1 =	vperm.xlane v2, v5;
	v2 =	vbroadcast v3, $0xF;
	v3 =	vadd.f32 v6, v4;
	v4 =	vld [tilespmem:$0x1FFF0]  }
0x11b: {  	v0 =	vld [tilespmem:s0+$0x70]  }
0x11c: {  	vm3 =	vmmov vm6;
	vm13 =	vmmov vm12  }
0x11d: {  	vm6 =	vmmov vm4;
	vm4 =	vmmov vm15;
	vm15 =	vmmov vm0  }
0x11e: {  	vm0 =	vcmask $0x373C;
	vm12 =	vmmov vm7;
	vm7 =	vmmov vm14  }
0x11f: {  	s2 =	simm.s32 $0x80;
	s5 =	simm.s32 $0x10;
	vm14 =	vmmov vm9;
	vm9 =	vmmov vm1;
	vm10 =	vnez.u8 v4  }
.LBB2_4:
0x120: {  	p0 =	sne.s32 s2, $0x7C0;
	v4 =	vld [tilespmem:s5+$0x0];
	v1 =	vsel vm0, $0x0, v1;
	v0 =	vperm.xlane v0, v2  }
0x121: {  	v1 =	vadd.f32 v1, v3  }
0x122: {  	v0 =	vsel vm10, $0x0, v0  }
0x123: {  	v0 =	vadd.f32 v0, v1;
	_ =	sdelay $0x1  }
0x124: {  	s0 =	sadd.s32 $0x100, s0;
	v1 =	vand.u32 $0xFFFFFFF8, v4;
	[tilespmem:s1+$0x16200] =	vst v0;
	s1 =	smov.u32 s5  }
0x125: {  	vm1 =	vlt.s32 v1, $0xF4230;
	v0 =	vld [tilespmem:s0+$0xFFFFFF80]  }
0x126: {  	v1 =	vnsel vm1, $0xF4230, v1  }
0x127: {  	v2 =	vsub.s32 v4, v1;
	v1 =	vld [tilespmem:s0+$0xFFFFFF90]  }
0x128: {  	v3 =	vbroadcast v2, $0x0  }
0x129: {  	v4 =	vld [tilespmem:s0+$0xFFFFFFA0]  }
0x12a: {  	v0 =	vperm.xlane v0, v3;
	v3 =	vbroadcast v2, $0x1  }
0x12b: {  	v5 =	vld [tilespmem:s0+$0xFFFFFFB0]  }
0x12c: {  	v0 =	vnsel vm15, $0x0, v0;
	v1 =	vperm.xlane v1, v3;
	v3 =	vbroadcast v2, $0x2  }
0x12d: {  	v0 =	vadd.f32 $0.0e+00, v0;
	v6 =	vld [tilespmem:s0+$0xFFFFFFC0]  }
0x12e: {  	v1 =	vsel vm3, $0x0, v1;
	v3 =	vperm.xlane v4, v3;
	v4 =	vbroadcast v2, $0x3  }
0x12f: {  	v0 =	vadd.f32 v1, v0;
	v1 =	vld [tilespmem:s0+$0xFFFFFFD0]  }
0x130: {  	v3 =	vsel vm2, $0x0, v3;
	v4 =	vperm.xlane v5, v4;
	v5 =	vbroadcast v2, $0x4  }
0x131: {  	v0 =	vadd.f32 v3, v0;
	v3 =	vld [tilespmem:s0+$0xFFFFFFE0]  }
0x132: {  	v4 =	vsel vm4, $0x0, v4;
	v5 =	vperm.xlane v6, v5;
	v6 =	vbroadcast v2, $0x5  }
0x133: {  	v0 =	vadd.f32 v4, v0;
	v4 =	vld [tilespmem:s0+$0xFFFFFFF0]  }
0x134: {  	v5 =	vsel vm6, $0x0, v5;
	v1 =	vperm.xlane v1, v6;
	v6 =	vbroadcast v2, $0x6  }
0x135: {  	v0 =	vadd.f32 v5, v0;
	v5 =	vld [tilespmem:s0+$0x0]  }
0x136: {  	v1 =	vsel vm5, $0x0, v1;
	v3 =	vperm.xlane v3, v6;
	v6 =	vbroadcast v2, $0x7  }
0x137: {  	v0 =	vadd.f32 v1, v0;
	v1 =	vld [tilespmem:s0+$0x10]  }
0x138: {  	v3 =	vsel vm7, $0x0, v3;
	v4 =	vperm.xlane v4, v6;
	v6 =	vbroadcast v2, $0x8  }
0x139: {  	v0 =	vadd.f32 v3, v0;
	v3 =	vld [tilespmem:s0+$0x20]  }
0x13a: {  	v4 =	vsel vm11, $0x0, v4;
	v5 =	vperm.xlane v5, v6;
	v6 =	vbroadcast v2, $0x9  }
0x13b: {  	v0 =	vadd.f32 v4, v0;
	v4 =	vld [tilespmem:s0+$0x30]  }
0x13c: {  	v5 =	vsel vm9, $0x0, v5;
	v1 =	vperm.xlane v1, v6;
	v6 =	vbroadcast v2, $0xA  }
0x13d: {  	vm1 =	vcmask $0x2328;
	v0 =	vadd.f32 v5, v0;
	v5 =	vld [tilespmem:s0+$0x40]  }
0x13e: {  	v1 =	vsel vm1, $0x0, v1;
	v3 =	vperm.xlane v3, v6;
	v6 =	vbroadcast v2, $0xB  }
0x13f: {  	v0 =	vadd.f32 v1, v0;
	v1 =	vld [tilespmem:s0+$0x50]  }
0x140: {  	v3 =	vsel vm8, $0x0, v3;
	v4 =	vperm.xlane v4, v6;
	v6 =	vbroadcast v2, $0xC  }
0x141: {  	v0 =	vadd.f32 v3, v0;
	v3 =	vld [tilespmem:s0+$0x60]  }
0x142: {  	v4 =	vsel vm12, $0x0, v4;
	v5 =	vperm.xlane v5, v6;
	v6 =	vbroadcast v2, $0xD  }
.Ltmp1:
0x143: {  	v4 =	vadd.f32 v4, v0;
	v0 =	vld [tilespmem:s0+$0x70];
	(pc) =	sbr.rel @p0 .LBB2_4-.Ltmp1, $4  }
0x144: {  	v5 =	vsel vm13, $0x0, v5;
	v1 =	vperm.xlane v1, v6;
	v6 =	vbroadcast v2, $0xE  }
0x145: {  	v4 =	vadd.f32 v5, v4  }
0x146: {  	v2 =	vbroadcast v2, $0xF;
	v5 =	vsel vm14, $0x0, v1;
	v1 =	vperm.xlane v3, v6  }
0x147: {  	s5 =	sshra.s32 s2, $0x2;
	s2 =	sadd.s32 $0x40, s2;
	v3 =	vadd.f32 v5, v4  }
0x148: {  	v4 =	vld [tilespmem:s5+$0x0];
	v1 =	vsel vm0, $0x0, v1;
	v0 =	vperm.xlane v0, v2  }
0x149: {  	v1 =	vadd.f32 v1, v3  }
0x14a: {  	v0 =	vsel vm10, $0x0, v0  }
0x14b: {  	v0 =	vadd.f32 v0, v1;
	_ =	sdelay $0x1  }
0x14c: {  	s0 =	sadd.s32 $0x100, s0;
	v1 =	vand.u32 $0xFFFFFFF8, v4;
	[tilespmem:s1+$0x16200] =	vst v0  }
0x14d: {  	vm1 =	vlt.s32 v1, $0xF4230;
	v0 =	vld [tilespmem:s0+$0xFFFFFF80]  }
0x14e: {  	v1 =	vnsel vm1, $0xF4230, v1  }
0x14f: {  	v2 =	vld [tilespmem:s0+$0xFFFFFF90];
	v1 =	vsub.s32 v4, v1  }
0x150: {  	v3 =	vbroadcast v1, $0x0  }
0x151: {  	v46 =	vld [tilespmem:s0+$0xFFFFFFA0]  }
0x152: {  	v0 =	vperm.xlane v0, v3;
	v3 =	vbroadcast v1, $0x1  }
0x153: {  	v5 =	vld [tilespmem:s0+$0xFFFFFFB0]  }
0x154: {  	v0 =	vnsel vm15, $0x0, v0;
	v2 =	vperm.xlane v2, v3;
	v3 =	vbroadcast v1, $0x2  }
0x155: {  	v6 =	vld [tilespmem:s0+$0xFFFFFFC0];
	v0 =	vadd.f32 $0.0e+00, v0  }
0x156: {  	v47 =	vbroadcast v1, $0x3;
	v2 =	vsel vm3, $0x0, v2;
	v3 =	vperm.xlane v46, v3  }
0x157: {  	v0 =	vadd.f32 v2, v0;
	v2 =	vld [tilespmem:s0+$0xFFFFFFD0]  }
0x158: {  	v48 =	vbroadcast v1, $0x4;
	v4 =	vperm.xlane v5, v47;
	v3 =	vsel vm2, $0x0, v3  }
0x159: {  	v0 =	vadd.f32 v3, v0;
	v3 =	vld [tilespmem:s0+$0xFFFFFFE0]  }
0x15a: {  	v49 =	vbroadcast v1, $0x5;
	v5 =	vperm.xlane v6, v48;
	v4 =	vsel vm4, $0x0, v4  }
0x15b: {  	v50 =	vld [tilespmem:s0+$0xFFFFFFF0];
	v0 =	vadd.f32 v4, v0  }
0x15c: {  	v51 =	vbroadcast v1, $0x6;
	v5 =	vsel vm6, $0x0, v5;
	v2 =	vperm.xlane v2, v49  }
0x15d: {  	v52 =	vld [tilespmem:s0+$0x0];
	v0 =	vadd.f32 v5, v0  }
0x15e: {  	v53 =	vbroadcast v1, $0x7;
	v2 =	vsel vm5, $0x0, v2;
	v3 =	vperm.xlane v3, v51  }
0x15f: {  	v0 =	vadd.f32 v2, v0;
	v2 =	vld [tilespmem:s0+$0x10]  }
0x160: {  	v54 =	vbroadcast v1, $0x8;
	v4 =	vperm.xlane v50, v53;
	v3 =	vsel vm7, $0x0, v3  }
0x161: {  	v0 =	vadd.f32 v3, v0;
	v3 =	vld [tilespmem:s0+$0x20]  }
0x162: {  	v55 =	vbroadcast v1, $0x9;
	v4 =	vsel vm11, $0x0, v4;
	v5 =	vperm.xlane v52, v54  }
0x163: {  	v56 =	vld [tilespmem:s0+$0x30];
	v0 =	vadd.f32 v4, v0  }
0x164: {  	v57 =	vbroadcast v1, $0xA;
	v5 =	vsel vm9, $0x0, v5;
	v2 =	vperm.xlane v2, v55  }
0x165: {  	v58 =	vld [tilespmem:s0+$0x40];
	vm2 =	vcmask $0x2328;
	v0 =	vadd.f32 v5, v0  }
0x166: {  	v59 =	vbroadcast v1, $0xB;
	v2 =	vsel vm2, $0x0, v2;
	v3 =	vperm.xlane v3, v57  }
0x167: {  	v0 =	vadd.f32 v2, v0;
	v2 =	vld [tilespmem:s0+$0x50]  }
0x168: {  	v60 =	vbroadcast v1, $0xC;
	v4 =	vperm.xlane v56, v59;
	v3 =	vsel vm8, $0x0, v3  }
0x169: {  	v0 =	vadd.f32 v3, v0;
	v3 =	vld [tilespmem:s0+$0x60]  }
0x16a: {  	v61 =	vbroadcast v1, $0xD;
	v4 =	vsel vm12, $0x0, v4;
	v5 =	vperm.xlane v58, v60  }
0x16b: {  	v62 =	vld [tilespmem:s0+$0x70];
	v0 =	vadd.f32 v4, v0  }
0x16c: {  	v63 =	vbroadcast v1, $0xE;
	v5 =	vsel vm13, $0x0, v5;
	v2 =	vperm.xlane v2, v61  }
0x16d: {  	v0 =	vadd.f32 v5, v0  }
0x16e: {  	v1 =	vbroadcast v1, $0xF;
	v2 =	vsel vm14, $0x0, v2;
	v3 =	vperm.xlane v3, v63  }
0x16f: {  	v0 =	vadd.f32 v2, v0  }
0x170: {  	v1 =	vperm.xlane v62, v1;
	v2 =	vsel vm0, $0x0, v3  }
0x171: {  	v0 =	vadd.f32 v2, v0  }
0x172: {  	v1 =	vsel vm10, $0x0, v1  }
0x173: {  	v0 =	vadd.f32 v1, v0;
	_ =	sdelay $0x1  }
0x174: {  	s31 =	simm.s32 $0x1;
	[tilespmem:s5+$0x16200] =	vst v0  }
0x175: {  	_ =	swait.ge [sflag:s31], $0x10000  }
0x176: {  	vm1 =	vmmov vm9;
	[sflag:s31] =	ssyncset.done $0x0  }
0x177: {  	vm4 =	vmmov vm8;
	vm9 =	vmmov vm14;
	vm7 =	vmmov vm12;
	s0 =	simm.s32 $0x210;
	[sflag:s31] =	ssyncadd.s32 $0xFFFF0000  }
0x178: {  	s2 =	simm.s32 $0x80;
	s1 =	simm.s32 $0x0;
	vm12 =	vmmov vm13;
	vm0 =	vmmov vm3;
	vm3 =	vmmov vm6;
	v0 =	vld [tilespmem:s0+$0xFFFFFFF0]  }
.LBB2_6:
0x179: {  	p0 =	sne.s32 s2, $0xFF80;
	_ =	sdelay $0x2  }
0x17a: {  	s5 =	sshra.s32 s1, $0x2;
	s1 =	smov.u32 s2  }
0x17b: {  	[tilespmem:s5+$0x10200] =	vst v0  }
0x17c: {  	v0 =	vld [tilespmem:s0+$0x0];
	_ =	sdelay $0x1  }
.Ltmp2:
0x17d: {  	(pc) =	sbr.rel @p0 .LBB2_6-.Ltmp2, $3  }
0x17e: {  	_ =	sdelay $0x1  }
0x17f: {  	s0 =	sadd.s32 $0x80, s0;
	[tilespmem:s5+$0x10210] =	vst v0  }
0x180: {  	s2 =	sadd.s32 $0x80, s2;
	v0 =	vld [tilespmem:s0+$0xFFFFFFF0]  }
0x181: {  	_ =	sdelay $0x2  }
0x182: {  	s1 =	sshra.s32 s1, $0x2  }
0x183: {  	[tilespmem:s1+$0x10200] =	vst v0  }
0x184: {  	v0 =	vld [tilespmem:s0+$0x0];
	_ =	sdelay $0x4  }
0x185: {  	s26 =	rddreg [dreg:$0x15];
	s28 =	simm.s32 $0x10200;
	[tilespmem:s1+$0x10210] =	vst v0;
	s1 =	simm.s32 $0x3  }
0x186: {  	[hbm4b:s26+s3] =	stream.linear.scatter [tilespmem:s28], [sflag:$0x3], $0x4000, $0x38;
	[tilespmem:$0x16400] =	vst v63  }
0x187: {  	_ =	swait.ge [sflag:s1], $0x4000  }
0x188: {  	[sflag:s1] =	ssyncset.done $0x0  }
0x189: {  	s2 =	simm.s32 $0x16200;
	s29 =	rddreg [dreg:$0x17];
	[sflag:s1] =	ssyncadd.s32 $0xFFFFC000  }
0x18a: {  	[hbm4b:s29+s3] =	stream.linear.scatter [tilespmem:s2], [sflag:$0x3], $0x200, $0x38;
	[tilespmem:$0x16400] =	vst v63  }
0x18b: {  	_ =	swait.ge [sflag:s1], $0x200  }
0x18c: {  	s30 =	rddreg [dreg:$0x19]  }
0x18d: {  	s31 =	rddreg [dreg:$0x18];
	s2 =	sadd.s32 $0x1, s30  }
0x18e: {  	v63 =	vld [tilespmem:$0x1FFE0];
	p0 =	sne.s32 s2, s31  }
.Ltmp3:
0x18f: {  	_ = 	snop;
	(pc) =	sbr.rel @p0 .LBB2_1-.Ltmp3, $4  }
0x190: {  	_ = 	snop  }
0x191: {  	vm2 =	vcmask $0x70C  }
0x192: {  	vm15 =	vcmask $0xB10;
	vm5 =	vcmask $0x1318;
	vm14 =	vcmask $0x171C;
	[sflag:s1] =	ssyncset.done $0x0  }
0x193: {  	vm8 =	vmmov vm4;
	vm4 =	vmmov vm3;
	[sflag:s1] =	ssyncadd.s32 $0xFFFFFE00;
	vm10 =	vnez.u8 v63  }
0x194: {  	_ =	sfence.sel $0x180000  }
0x195: {  	[bflag:$0x0] =	sbarrier.arrive $0xFFFF  }
0x196: {  	_ =	strace $0x90000047  }
0x197: {  	s0 =	stileid.u32;
	[bflag:$0x2] =	sbarrier.arrive $0xFFFF  }
0x198: {  	p0 =	sne.s32 s0, $0x0;
	s0 =	rddreg [dreg:$0x3]  }
0x199: {  	s0 =	sadd.s32 @!p0 $0x100000, s0  }
0x19a: {  	[sflag:s0] =	ssyncadd.tile.s32 @!p0 $0x1;
	_ =	shalt  }
.Lfunc_end2:
_tile_overlayer_lowered:
.L_overlay_start_2:
0x19b: {  	(tag) =	ssettag $0x2  }
0x19c: {  	s0 =	rddreg [dreg:$0x0];
	s2 =	stileid.u32  }
0x19d: {  	s1 =	rddreg [dreg:$0x1];
	p0 =	sne.s32 s2, $0x0  }
0x19e: {  	s3 =	rddreg [dreg:$0x2];
	[bflag:$0x3] =	sbarrier.arrive $0xFFFF;
	s2 =	simm.s32 @!p0 $0x1C03  }
0x19f: {  	[timem:s3], [sflag:s2] =	dma.local @!p0 [hbm:s0], s1  }
0x1a0: {  	s0 =	simm.s32 @!p0 $0x3  }
0x1a1: {  	_ =	swait.ge @!p0 [sflag:s0], s1  }
0x1a2: {  	s1 =	ssub.s32 @!p0 $0x0, s1;
	[sflag:s0] =	ssyncset.done @!p0 $0x0  }
0x1a3: {  	[sflag:s0] =	ssyncadd.s32 @!p0 s1  }
0x1a4: {  	[bflag:$0x3] =	sbarrier.arrive $0xFFFF  }
0x1a5: {  	_ =	shalt  }

// kernel: kernel.7.cloned.1.call-start
scs
__scs_entry_jumppad:
0x0: {  	(pc) =	sbr.rel $0x88, $3  }
0x1: {  	(tag) =	ssettag $0x0;
	lr =	simm.s32 $0x1  }
0x2: {  	[smem:$0x3F9B] =	sst lr;
	_ =	strace $0xD0000000  }
0x3: {  	_ = 	snop  }
0x4: {  	_ = 	snop  }
0x5: {  	_ = 	snop  }
0x6: {  	_ = 	snop  }
0x7: {  	_ = 	snop  }
__scs_overlays_trampoline_lowered:
0x8: {  	[smem:$0x3FAA] =	sst s0  }
0x9: {  	[smem:$0x3FAB] =	sst s1  }
0xa: {  	[smem:$0x3FAC] =	sst s2  }
0xb: {  	[smem:$0x3FAD] =	sst s3  }
0xc: {  	[smem:$0x3FAE] =	sst s4  }
0xd: {  	[smem:$0x3FAF] =	sst s5  }
0xe: {  	[smem:$0x3FB0] =	sst s6  }
0xf: {  	[smem:$0x3FB1] =	sst s7  }
0x10: {  	[smem:$0x3FB2] =	sst s8  }
0x11: {  	[smem:$0x3FB3] =	sst s9;
	s0 =	simm.s32 @!p0 $0x0  }
0x12: {  	s1 =	sld [smem:$0x3F99];
	s0 =	simm.s32 @p0 $0x1  }
0x13: {  	[smem:$0x3FB4] =	sst s0;
	s0 =	simm.s32 @!p1 $0x0  }
0x14: {  	s2 =	sld [smem:$0x3F98];
	s0 =	simm.s32 @p1 $0x1  }
0x15: {  	[smem:$0x3FB5] =	sst s0;
	s0 =	simm.s32 @!p2 $0x0  }
0x16: {  	s3 =	sld [smem:$0x3FDB];
	s0 =	simm.s32 @p2 $0x1  }
0x17: {  	s4 =	simm.s32 $0x1BF5;
	[smem:$0x3FB7] =	sst s0  }
0x18: {  	s0 =	sld [smem:$0x3F9A];
	_ =	swait.ge [sflag:s4], $0x0  }
0x19: {  	s7 =	sld [smem:$0x3F9B]  }
0x1a: {  	s8 =	sadd.s32 $0xFFFFE003, lr  }
0x1b: {  	s9 =	sadd.s32 $0xFFFFFEF7, lr;
	s5 =	simm.s32 $0xFFFFFFFF;
	p2 =	slt.u32 s8, $0xFFFFF086  }
0x1c: {  	p1 =	slt.u32 s9, $0xF7A;
	s5 =	simm.s32 @!p2 $0x0  }
0x1d: {  	s5 =	simm.s32 @p1 $0x1;
	p0 =	seq.s32 s7, s2  }
0x1e: {  	s7 =	smul.u32 @!p0 $0xF7A, s2;
	p2 =	seq.s32 @!p0 s5, $0x0  }
0x1f: {  	s9 =	smul.u32 $0xF7A, s1;
	s8 =	simm.s32 @!p0 $0x1BF5;
	p2 =	por !p2, p0  }
0x20: {  	[sflag:s8] =	ssyncset.s32 @!p0 $0xFFFFF086;
	s6 =	sadd.s32 @!p0 s3, s7;
	s7 =	simm.s32 @!p0 $0x108  }
0x21: {  	s3 =	sadd.s32 s3, s9;
	s6 =	sadd.s32 @!p0 $0x88, s6;
	s7 =	simm.s32 @p2 $0x1082  }
0x22: {  	[simem:s7], [sflag:s8] =	dma.local @!p0 [hbm:s6], $0xF7A  }
0x23: {  	s9 =	sor.u32 $0xD0000000, s2;
	s6 =	simm.s32 $0x108;
	_ =	swait.ge @!p0 [sflag:s8], $0x0  }
0x24: {  	s3 =	sadd.s32 $0x88, s3;
	s6 =	simm.s32 @!p1 $0x1082;
	[sflag:s4] =	ssyncset.s32 $0xFFFFF086  }
0x25: {  	[simem:s6], [sflag:s4] =	dma.local [hbm:s3], $0xF7A  }
0x26: {  	[smem:$0x3F9B] =	sst s1;
	(tag) =	ssettag s2;
	_ =	strace s9  }
0x27: {  	s1 =	sld [smem:$0x3FAB]  }
0x28: {  	s2 =	sld [smem:$0x3FAC]  }
0x29: {  	s4 =	sld [smem:$0x3FAE]  }
0x2a: {  	p0 =	seq.s32 s5, $0x0;
	s5 =	sld [smem:$0x3FAF]  }
0x2b: {  	s6 =	sld [smem:$0x3FB0]  }
0x2c: {  	s7 =	sld [smem:$0x3FB1]  }
0x2d: {  	s3 =	simm.s32 $0x108;
	s8 =	sld [smem:$0x3FB2]  }
0x2e: {  	s3 =	simm.s32 @!p0 $0x1082;
	s9 =	sld [smem:$0x3FB3]  }
0x2f: {  	lr =	sadd.s32 s0, s3;
	s0 =	sld [smem:$0x3FAA]  }
0x30: {  	s3 =	sld [smem:$0x3FAD]  }
0x31: {  	[smem:$0x3FB6] =	sst s10  }
0x32: {  	s10 =	sld [smem:$0x3FB4];
	_ =	sdelay $0x3  }
0x33: {  	p0 =	seq.s32 s10, $0x1;
	s10 =	sld [smem:$0x3FB6];
	_ =	sdelay $0x3  }
0x34: {  	[smem:$0x3FB6] =	sst s10  }
0x35: {  	s10 =	sld [smem:$0x3FB5];
	_ =	sdelay $0x3  }
0x36: {  	p1 =	seq.s32 s10, $0x1;
	s10 =	sld [smem:$0x3FB6];
	_ =	sdelay $0x3  }
0x37: {  	[smem:$0x3FB6] =	sst s10  }
0x38: {  	s10 =	sld [smem:$0x3FB7]  }
0x39: {  	_ = 	snop;
	(pc) =	sbr.ind lr, $3  }
0x3a: {  	_ = 	snop  }
0x3b: {  	_ = 	snop  }
0x3c: {  	p2 =	seq.s32 s10, $0x1;
	s10 =	sld [smem:$0x3FB6]  }
0x3d: {  	_ =	shalt  }
0x3e: {  	_ =	shalt  }
0x3f: {  	_ =	shalt  }
0x40: {  	_ =	shalt  }
0x41: {  	_ =	shalt  }
0x42: {  	_ =	shalt  }
0x43: {  	_ =	shalt  }
0x44: {  	_ =	shalt  }
0x45: {  	_ =	shalt  }
0x46: {  	_ =	shalt  }
0x47: {  	_ =	shalt  }
0x48: {  	_ =	shalt  }
0x49: {  	_ =	shalt  }
0x4a: {  	_ =	shalt  }
0x4b: {  	_ =	shalt  }
0x4c: {  	_ =	shalt  }
0x4d: {  	_ =	shalt  }
0x4e: {  	_ =	shalt  }
0x4f: {  	_ =	shalt  }
0x50: {  	_ =	shalt  }
0x51: {  	_ =	shalt  }
0x52: {  	_ =	shalt  }
0x53: {  	_ =	shalt  }
0x54: {  	_ =	shalt  }
0x55: {  	_ =	shalt  }
0x56: {  	_ =	shalt  }
0x57: {  	_ =	shalt  }
0x58: {  	_ =	shalt  }
0x59: {  	_ =	shalt  }
0x5a: {  	_ =	shalt  }
0x5b: {  	_ =	shalt  }
0x5c: {  	_ =	shalt  }
0x5d: {  	_ =	shalt  }
0x5e: {  	_ =	shalt  }
0x5f: {  	_ =	shalt  }
0x60: {  	_ =	shalt  }
0x61: {  	_ =	shalt  }
0x62: {  	_ =	shalt  }
0x63: {  	_ =	shalt  }
0x64: {  	_ =	shalt  }
0x65: {  	_ =	shalt  }
0x66: {  	_ =	shalt  }
0x67: {  	_ =	shalt  }
0x68: {  	_ =	shalt  }
0x69: {  	_ =	shalt  }
0x6a: {  	_ =	shalt  }
0x6b: {  	_ =	shalt  }
0x6c: {  	_ =	shalt  }
0x6d: {  	_ =	shalt  }
0x6e: {  	_ =	shalt  }
0x6f: {  	_ =	shalt  }
0x70: {  	_ =	shalt  }
0x71: {  	_ =	shalt  }
0x72: {  	_ =	shalt  }
0x73: {  	_ =	shalt  }
0x74: {  	_ =	shalt  }
0x75: {  	_ =	shalt  }
0x76: {  	_ =	shalt  }
0x77: {  	_ =	shalt  }
0x78: {  	_ =	shalt  }
0x79: {  	_ =	shalt  }
0x7a: {  	_ =	shalt  }
0x7b: {  	_ =	shalt  }
0x7c: {  	_ =	shalt  }
0x7d: {  	_ =	shalt  }
0x7e: {  	_ =	shalt  }
0x7f: {  	_ =	shalt  }
0x80: {  	_ =	shalt  }
0x81: {  	_ =	shalt  }
0x82: {  	_ =	shalt  }
0x83: {  	_ =	shalt  }
0x84: {  	_ =	shalt  }
0x85: {  	_ =	shalt  }
0x86: {  	_ =	shalt  }
0x87: {  	_ =	shalt  }
.Lfunc_end0:
.L_simem_size_0:
called_computation.1_lowered:
.L_overlay_start_0:
0x88: {  	s2 =	sld [smem:$0x3FD9]  }
0x89: {  	s3 =	sld [smem:$0x3FFE];
	_ =	sdelay $0x1  }
0x8a: {  	s1 =	srdreg.scid  }
0x8b: {  	s0 =	sand.u32 $0x1, s1  }
0x8c: {  	s17 =	sshll.u32 s0, $0xA;
	s2 =	sadd.s32 s3, s2  }
0x8d: {  	s2 =	sadd.s32 s2, s17  }
0x8e: {  	[smem:$0x3FC2] =	sst s2  }
0x8f: {  	_ = 	snop  }
0x90: {  	s2 =	sld [smem:$0x3FC8]  }
0x91: {  	s18 =	sld [smem:$0x3FC4]  }
0x92: {  	s4 =	sld [smem:$0x3FD0];
	(tm) =	ssettm $0x1  }
0x93: {  	s5 =	sld [smem:$0x3FFB];
	_ =	sdelay $0x3  }
0x94: {  	_ =	strace s5  }
0x95: {  	s5 =	sld [smem:$0x3FFC];
	_ =	sdelay $0x3  }
0x96: {  	_ =	strace s5  }
0x97: {  	s5 =	sld [smem:$0x3FFD];
	_ =	sdelay $0x3  }
0x98: {  	_ =	strace s5  }
0x99: {  	_ =	strace $0x8FFFFFFF  }
0x9a: {  	s19 =	sld [smem:$0x3FDB];
	_ =	sdelay $0x1  }
0x9b: {  	s6 =	simm.s32 $_scs_section_size  }
0x9c: {  	s7 =	simm.s32 $_size__tile_overlayer_lowered;
	s8 =	simm.s32 $_tile_overlayer_lowered  }
0x9d: {  	s22 =	simm.s32 $0x1BFF;
	s21 =	sshll.u32 s8, $0x1;
	s5 =	sadd.s32 s6, s19  }
0x9e: {  	s9 =	simm.s32 $0x0;
	s20 =	sshll.u32 s7, $0x1;
	s7 =	sadd.s32 s21, s5  }
0x9f: {  	[timem:s9], [sflag:s22] =	dma.local [hbm:s7], s20  }
0xa0: {  	_ =	swait.ge [sflag:s22], s20  }
0xa1: {  	s6 =	ssub.s32 $0x0, s20;
	[sflag:s22] =	ssyncset.done $0x0  }
0xa2: {  	[sflag:s22] =	ssyncadd.s32 s6;
	_ =	sdelay $0x1  }
0xa3: {  	s23 =	simm.s32 $0x1B8B  }
0xa4: {  	_ =	swait.ge [sflag:s23], $0x1  }
0xa5: {  	[sflag:s23] =	ssyncset.done $0x0  }
0xa6: {  	s25 =	simm.s32 $0x1B8E;
	s24 =	sld [smem:$0x3FFE];
	[sflag:s23] =	ssyncadd.s32 $0xFFFFFFFF  }
0xa7: {  	s26 =	simm.s32 $execute0_lowered;
	[smem:$0x3FD2] =	sst s25  }
0xa8: {  	s7 =	sshll.u32 s26, $0x1;
	_ =	strace $0x80000049;
	[dreg:$0x1] =	wrdreg $0xFFFFFFFF  }
0xa9: {  	s28 =	simm.s32 $_size_execute0_lowered;
	s5 =	sadd.s32 s5, s7;
	[dreg:$0x0] =	wrdreg $0x0  }
0xaa: {  	s7 =	sshll.u32 s28, $0x1;
	[dreg:$0x2] =	wrdreg s5  }
0xab: {  	[dreg:$0x3] =	wrdreg s7  }
0xac: {  	[dreg:$0x4] =	wrdreg $0xC0  }
0xad: {  	_ =	task [dreg:s9], $0x5FFFF  }
0xae: {  	[dreg:$0x1] =	wrdreg $0xFFFFFFFF  }
0xaf: {  	[dreg:$0x0] =	wrdreg $0x60  }
0xb0: {  	[dreg:$0x2] =	wrdreg s2  }
0xb1: {  	[dreg:$0x3] =	wrdreg s24  }
0xb2: {  	[dreg:$0x4] =	wrdreg s18  }
0xb3: {  	[dreg:$0x5] =	wrdreg s4  }
0xb4: {  	[dreg:$0x6] =	wrdreg $0x9  }
0xb5: {  	_ =	task.clear_ibuf [dreg:s9], $0x7FFFF;
	_ =	strace $0x90000049  }
0xb6: {  	s29 =	simm.s32 $0x9;
	_ =	strace $0x8000004B  }
0xb7: {  	_ =	swait.ge [sflag:s29], $0x1  }
0xb8: {  	[sflag:s29] =	ssyncadd.s32 $0xFFFFFFFF  }
0xb9: {  	_ =	strace $0x9000004B  }
0xba: {  	_ =	sfence  }
0xbb: {  	s30 =	sld [smem:$0x0];
	_ =	sdelay $0x2  }
0xbc: {  	s31 =	sshll.u32 s1, $0xD;
	s1 =	sshrl.u32 s1, $0x2  }
0xbd: {  	s3 =	sand.u32 $0x4000, s31;
	s1 =	sadd.s32 s1, s30  }
0xbe: {  	s0 =	sor.u32 s3, s0;
	s1 =	sshll.u32 s1, $0x11  }
0xbf: {  	s0 =	sor.u32 s1, s0  }
0xc0: {  	s0 =	sadd.s32 $0x8F2B, s0  }
0xc1: {  	[sflag:s0] =	ssyncadd.remote.s32 $0x1  }
0xc2: {  	_ =	sfence.sel $0xFFFF  }
0xc3: {  	[dreg:$0x0] =	wrdreg $0xFFFFFFFF;
	(pc) =	sbr.abs _section_cstart, $3  }
0xc4: {  	[dreg:$0x1] =	wrdreg $0xFFFFFFFF  }
0xc5: {  	_ =	task.clear_ibuf [dreg:s9], $0x2FFFF;
	_ =	strace $0x9FFFFFFF  }
0xc6: {  	(tm) =	ssettm $0x7FFFFFFF  }
0xc7: {  	_ =	shalt  }
tec
execute0_lowered:
.L_overlay_start_1:
0x0: {  	(tag) =	ssettag $0x1  }
0x1: {  	v0 =	vimm.s32 $0xFEDCBA98;
	v1 =	vimm.s32 $0x76543210;
	v2 =	vimm.s32 $0x3210FEDC  }
0x2: {  	v3 =	vimm.s32 $0xBA987654;
	v4 =	vimm.s32 $0x10FEDCBA;
	v5 =	vimm.s32 $0x98765432  }
0x3: {  	v6 =	vimm.s32 $0xFEDCBA9;
	v7 =	vimm.s32 $0x87654321;
	vm0 =	vmmov $0x1  }
0x4: {  	vm1 =	vcmask $0x308;
	vm2 =	vcmask $0x70C;
	vm3 =	vcmask $0xB10  }
0x5: {  	vm4 =	vcmask $0xF14;
	vm5 =	vcmask $0x1318;
	vm6 =	vcmask $0x171C  }
0x6: {  	s5 =	rddreg [dreg:$0x0];
	vm7 =	vcmask $0x1B20;
	vm8 =	vcmask $0x1F24;
	vm9 =	vcmask $0x2328  }
0x7: {  	s6 =	rddreg [dreg:$0x1];
	vm10 =	vcmask $0x272C;
	vm11 =	vcmask $0x2B30;
	vm12 =	vcmask $0x2F34  }
0x8: {  	s8 =	rddreg [dreg:$0x3];
	s3 =	simm.s32 $0x0;
	v0 =	vunpack.c.l.s4.s8 v0;
	v1 =	vunpack.c.l.s4.s8 v1;
	v2 =	vunpack.c.l.s4.s8 v2  }
0x9: {  	s4 =	srdreg.scid;
	s0 =	stileid.u32;
	s15 =	simm.s32 $0x2;
	v3 =	vunpack.c.l.s4.s8 v3;
	v4 =	vunpack.c.l.s4.s8 v4;
	v5 =	vunpack.c.l.s4.s8 v5  }
0xa: {  	s16 =	simm.s32 $0x1;
	s18 =	simm.s32 $0x0;
	v6 =	vunpack.c.l.s4.s8 v6;
	v7 =	vunpack.c.l.s4.s8 v7;
	[smem:$0x7FF] =	sst s3;
	v0 =	vunpack.c.0.s8.s32 v0  }
0xb: {  	s7 =	sand.u32 $0x1, s4;
	s9 =	sshll.u32 s0, $0x1;
	s4 =	sadd.s32 $0xF53A00, s6;
	v2 =	vunpack.c.0.s8.s32 v2;
	v3 =	vunpack.c.0.s8.s32 v3;
	v4 =	vunpack.c.0.s8.s32 v4  }
0xc: {  	_ =	strace $0x8000004A;
	s9 =	sor.u32 s7, s9;
	s7 =	ssub.s32 $0x2, s7;
	v5 =	vunpack.c.0.s8.s32 v5;
	v6 =	vunpack.c.0.s8.s32 v6;
	v7 =	vunpack.c.0.s8.s32 v7  }
0xd: {  	vm13 =	vcmask $0x3338;
	v1 =	vunpack.c.0.s8.s32 v1;
	s10 =	sshll.u32 s9, $0xB;
	s9 =	sshll.u32 s9, $0x6;
	s31 =	sshrl.u32 s7, $0x1;
	v2 =	vcombine.low v3, v2  }
0xe: {  	s10 =	sadd.s32 s10, s6;
	s11 =	sadd.s32 s9, s6;
	s12 =	ssub.s32 s7, s31;
	v3 =	vcombine.low v5, v4;
	v4 =	vcombine.low v7, v6;
	v0 =	vand.u32 $0xF, v0  }
0xf: {  	vm14 =	vcmask $0x373C;
	vm15 =	vmmov $0x7fff;
	s5 =	sadd.s32 s5, s9;
	s8 =	sadd.s32 s8, s9;
	s6 =	sadd.s32 $0xF43200, s10;
	v0 =	vcombine.low v0, v1  }
0x10: {  	s7 =	sadd.s32 $0xF53200, s11;
	s9 =	smax.u32 s12, $0x1;
	s10 =	simm.s32 $0x3;
	v1 =	vand.u32 $0xF, v2;
	v2 =	vand.u32 $0xF, v3;
	v3 =	vand.u32 $0xF, v4  }
.LBB2_1:
0x11: {  	[tilespmem:s3], [sflag:$0x3] =	stream.linear.gather [hbm4b:s5+s3], $0x200, $0x38;
	[tilespmem:$0x14800] =	vst v63  }
0x12: {  	_ =	swait.ge [sflag:s10], $0x200  }
0x13: {  	[sflag:s10] =	ssyncset.done $0x0  }
0x14: {  	[sflag:s10] =	ssyncadd.s32 $0xFFFFFE00  }
0x15: {  	s1 =	simm.s32 $0x200;
	s2 =	simm.s32 $0x14200;
	s0 =	rddreg [dreg:$0x2]  }
0x16: {  	[tilespmem:s2], [sflag:$0x2] =	stream.indirect.gather [hbm4b:s0+s1], $0x1, s3, s1, $0xb8;
	[tilespmem:$0x14800] =	vst v63  }
0x17: {  	s30 =	simm.s32 $0x10200  }
0x18: {  	[tilespmem:s30], [sflag:$0x2] =	stream.linear.gather [hbm4b:s6+s3], $0x4000, $0x38;
	[tilespmem:$0x14800] =	vst v63  }
0x19: {  	s31 =	simm.s32 $0x14400  }
0x1a: {  	[tilespmem:s31], [sflag:$0x2] =	stream.linear.gather [hbm4b:s7+s3], $0x200, $0x38;
	[tilespmem:$0x14800] =	vst v63  }
0x1b: {  	v4 =	vld [tilespmem:s3+$0x0];
	_ =	sdelay $0x4  }
0x1c: {  	v4 =	vshll.u32 v4, $0x4  }
0x1d: {  	(v2sf) =	vpush v4, $0x0  }
0x1e: {  	(v2sf) =	vpush v4, $0x1  }
0x1f: {  	(v2sf) =	vpush v4, $0x2;
	_ =	sdelay $0x1  }
0x20: {  	(v2sf) =	vpush v4, $0x4;
	_ =	sdelay $0x1  }
0x21: {  	(v2sf) =	vpush v4, $0x3  }
0x22: {  	(v2sf) =	vpush v4, $0x5  }
0x23: {  	s20 =	simm.s32 $0x2000;
	s19 =	simm.s32 $0x0;
	s21 =	simm.s32 $0x0;
	(v2sf) =	vpush v4, $0x6  }
.LBB2_2:
0x24: {  	p0 =	sne.s32 s20, $0x3E000  }
0x25: {  	s1 =	sadd.s32 $0x280, s19;
	s25 =	sadd.s32 $0x780, s19;
	s22 =	smov.u32 s20  }
0x26: {  	s20 =	sadd.s32 $0x2000, s20;
	s29 =	sadd.s32 $0x580, s19;
	s23 =	sadd.s32 $0x800, s19;
	(v2sf) =	vpush v4, $0x7  }
0x27: {  	s31 =	sadd.s32 $0x480, s19;
	s28 =	sadd.s32 $0x600, s19;
	s24 =	sadd.s32 $0x880, s19  }
0x28: {  	s2 =	sadd.s32 $0x200, s19;
	s0 =	sadd.s32 $0x400, s19;
	(v2sf) =	vpush v4, $0x8  }
0x29: {  	s11 =	sadd.s32 $0x500, s19;
	s21 =	sadd.s32 $0x10, s21  }
0x2a: {  	s12 =	sadd.s32 $0x300, s19;
	s26 =	sadd.s32 $0x700, s19;
	s30 =	spop (v2sf);
	(v2sf) =	vpush v4, $0x9  }
0x2b: {  	s13 =	sand.u32 $0x1FFFFFF0, s30;
	s30 =	sadd.s32 $0x680, s19;
	s14 =	spop (v2sf)  }
0x2c: {  	s13 =	sadd.s32 s4, s13;
	s14 =	sand.u32 $0x1FFFFFF0, s14;
	s17 =	spop (v2sf);
	(v2sf) =	vpush v4, $0xA  }
0x2d: {  	[tilespmem:s2], [sflag:$0x1] =	stream.linear.gather [hbm4b:s13+s3], $0x80, $0x38;
	[tilespmem:$0x14800] =	vst v63  }
0x2e: {  	s2 =	sadd.s32 s4, s14;
	s13 =	sadd.s32 $0x380, s19;
	s14 =	spop (v2sf);
	(v2sf) =	vpush v4, $0xB  }
0x2f: {  	[tilespmem:s1], [sflag:$0x1] =	stream.linear.gather [hbm4b:s2+s3], $0x80, $0x38;
	[tilespmem:$0x14800] =	vst v63  }
0x30: {  	s1 =	sand.u32 $0x1FFFFFF0, s17;
	s2 =	sand.u32 $0x1FFFFFF0, s14;
	s14 =	spop (v2sf);
	(v2sf) =	vpush v4, $0xC  }
0x31: {  	s1 =	sadd.s32 s4, s1;
	s14 =	sand.u32 $0x1FFFFFF0, s14;
	s17 =	spop (v2sf)  }
0x32: {  	[tilespmem:s12], [sflag:$0x1] =	stream.linear.gather [hbm4b:s1+s3], $0x80, $0x38;
	(v2sf) =	vpush v4, $0xD;
	[tilespmem:$0x14800] =	vst v63  }
0x33: {  	s1 =	sadd.s32 s4, s14;
	s12 =	sand.u32 $0x1FFFFFF0, s17;
	s14 =	spop (v2sf)  }
0x34: {  	[tilespmem:s13], [sflag:$0x1] =	stream.linear.gather [hbm4b:s1+s3], $0x80, $0x38;
	(v2sf) =	vpush v4, $0xE;
	[tilespmem:$0x14800] =	vst v63  }
0x35: {  	s1 =	sadd.s32 s4, s2;
	s2 =	sand.u32 $0x1FFFFFF0, s14;
	s13 =	spop (v2sf)  }
0x36: {  	[tilespmem:s0], [sflag:$0x1] =	stream.linear.gather [hbm4b:s1+s3], $0x80, $0x38;
	(v2sf) =	vpush v4, $0xF;
	[tilespmem:$0x14800] =	vst v63  }
0x37: {  	s0 =	sadd.s32 s4, s12;
	s1 =	sand.u32 $0x1FFFFFF0, s13;
	s12 =	spop (v2sf)  }
0x38: {  	[tilespmem:s31], [sflag:$0x1] =	stream.linear.gather [hbm4b:s0+s3], $0x80, $0x38;
	[tilespmem:$0x14800] =	vst v63  }
0x39: {  	s0 =	sadd.s32 s4, s2;
	s2 =	sand.u32 $0x1FFFFFF0, s12;
	s12 =	spop (v2sf)  }
0x3a: {  	[tilespmem:s11], [sflag:$0x1] =	stream.linear.gather [hbm4b:s0+s3], $0x80, $0x38;
	[tilespmem:$0x14800] =	vst v63  }
0x3b: {  	s0 =	sadd.s32 s4, s1;
	s1 =	sand.u32 $0x1FFFFFF0, s12;
	s11 =	spop (v2sf)  }
0x3c: {  	[tilespmem:s29], [sflag:$0x1] =	stream.linear.gather [hbm4b:s0+s3], $0x80, $0x38;
	[tilespmem:$0x14800] =	vst v63  }
0x3d: {  	s0 =	sadd.s32 s4, s2;
	s2 =	sand.u32 $0x1FFFFFF0, s11;
	s11 =	spop (v2sf)  }
0x3e: {  	[tilespmem:s28], [sflag:$0x1] =	stream.linear.gather [hbm4b:s0+s3], $0x80, $0x38;
	[tilespmem:$0x14800] =	vst v63  }
0x3f: {  	s0 =	sadd.s32 s4, s1;
	s1 =	sand.u32 $0x1FFFFFF0, s11;
	s11 =	spop (v2sf)  }
0x40: {  	[tilespmem:s30], [sflag:$0x1] =	stream.linear.gather [hbm4b:s0+s3], $0x80, $0x38;
	[tilespmem:$0x14800] =	vst v63  }
0x41: {  	s0 =	sadd.s32 s4, s2;
	s2 =	sand.u32 $0x1FFFFFF0, s11;
	s11 =	spop (v2sf)  }
0x42: {  	[tilespmem:s26], [sflag:$0x1] =	stream.linear.gather [hbm4b:s0+s3], $0x80, $0x38;
	[tilespmem:$0x14800] =	vst v63  }
0x43: {  	s0 =	sadd.s32 s4, s1;
	s1 =	sand.u32 $0x1FFFFFF0, s11;
	s11 =	spop (v2sf)  }
0x44: {  	[tilespmem:s25], [sflag:$0x1] =	stream.linear.gather [hbm4b:s0+s3], $0x80, $0x38;
	[tilespmem:$0x14800] =	vst v63  }
0x45: {  	s0 =	sadd.s32 s4, s2;
	s2 =	sand.u32 $0x1FFFFFF0, s11;
	s11 =	spop (v2sf)  }
0x46: {  	[tilespmem:s23], [sflag:$0x1] =	stream.linear.gather [hbm4b:s0+s3], $0x80, $0x38;
	[tilespmem:$0x14800] =	vst v63  }
0x47: {  	s0 =	sadd.s32 s4, s1;
	s1 =	sand.u32 $0x1FFFFFF0, s11  }
0x48: {  	[tilespmem:s24], [sflag:$0x1] =	stream.linear.gather [hbm4b:s0+s3], $0x80, $0x38;
	[tilespmem:$0x14800] =	vst v63  }
0x49: {  	s2 =	sadd.s32 s4, s2;
	s0 =	sadd.s32 $0x900, s19  }
0x4a: {  	[tilespmem:s0], [sflag:$0x1] =	stream.linear.gather [hbm4b:s2+s3], $0x80, $0x38;
	[tilespmem:$0x14800] =	vst v63  }
0x4b: {  	s1 =	sadd.s32 s4, s1;
	s0 =	sadd.s32 $0x980, s19  }
0x4c: {  	[tilespmem:s0], [sflag:$0x1] =	stream.linear.gather [hbm4b:s1+s3], $0x80, $0x38;
	[tilespmem:$0x14800] =	vst v63  }
0x4d: {  	v4 =	vld [tilespmem:s21+$0x0];
	_ =	sdelay $0x4  }
0x4e: {  	v4 =	vshll.u32 v4, $0x4  }
0x4f: {  	(v2sf) =	vpush v4, $0x0  }
0x50: {  	(v2sf) =	vpush v4, $0x1  }
0x51: {  	(v2sf) =	vpush v4, $0x2;
	_ =	sdelay $0x1  }
0x52: {  	(v2sf) =	vpush v4, $0x4  }
.Ltmp0:
0x53: {  	(pc) =	sbr.rel @p0 .LBB2_2-.Ltmp0, $3  }
0x54: {  	(v2sf) =	vpush v4, $0x3  }
0x55: {  	(v2sf) =	vpush v4, $0x5;
	_ =	sdelay $0x1  }
0x56: {  	s19 =	sshra.s32 s22, $0x2;
	(v2sf) =	vpush v4, $0x6  }
0x57: {  	_ =	sdelay $0x1  }
0x58: {  	s0 =	sadd.s32 $0x280, s19;
	s22 =	sadd.s32 $0x780, s19  }
0x59: {  	s1 =	sadd.s32 $0x580, s19;
	s20 =	sadd.s32 $0x800, s19;
	(v2sf) =	vpush v4, $0x7;
	s2 =	sadd.s32 $0x480, s19  }
0x5a: {  	s11 =	sadd.s32 $0x600, s19;
	s21 =	sadd.s32 $0x880, s19;
	s12 =	sadd.s32 $0x200, s19  }
0x5b: {  	s13 =	sadd.s32 $0x400, s19;
	s14 =	sadd.s32 $0x500, s19;
	(v2sf) =	vpush v4, $0x8;
	s17 =	spop (v2sf)  }
0x5c: {  	s23 =	sadd.s32 $0x300, s19;
	s17 =	sand.u32 $0x1FFFFFF0, s17;
	s24 =	spop (v2sf)  }
0x5d: {  	(v2sf) =	vpush v4, $0x9;
	s17 =	sadd.s32 s4, s17;
	s24 =	sand.u32 $0x1FFFFFF0, s24;
	s25 =	spop (v2sf)  }
0x5e: {  	[tilespmem:s12], [sflag:$0x1] =	stream.linear.gather [hbm4b:s17+s3], $0x80, $0x38;
	[tilespmem:$0x14800] =	vst v63  }
0x5f: {  	(v2sf) =	vpush v4, $0xA;
	s26 =	sadd.s32 s4, s24;
	s29 =	sand.u32 $0x1FFFFFF0, s25;
	s28 =	spop (v2sf)  }
0x60: {  	[tilespmem:s0], [sflag:$0x1] =	stream.linear.gather [hbm4b:s26+s3], $0x80, $0x38;
	[tilespmem:$0x14800] =	vst v63  }
0x61: {  	s12 =	sadd.s32 $0x700, s19;
	(v2sf) =	vpush v4, $0xB;
	s17 =	sadd.s32 s4, s29;
	s30 =	spop (v2sf)  }
0x62: {  	s0 =	sadd.s32 $0x680, s19;
	s26 =	sadd.s32 $0x380, s19;
	s25 =	sand.u32 $0x1FFFFFF0, s30  }
0x63: {  	(v2sf) =	vpush v4, $0xC;
	[tilespmem:s23], [sflag:$0x1] =	stream.linear.gather [hbm4b:s17+s3], $0x80, $0x38;
	[tilespmem:$0x14800] =	vst v63  }
0x64: {  	s31 =	sand.u32 $0x1FFFFFF0, s28;
	s28 =	spop (v2sf);
	s29 =	sadd.s32 s4, s25  }
0x65: {  	(v2sf) =	vpush v4, $0xD;
	[tilespmem:s26], [sflag:$0x1] =	stream.linear.gather [hbm4b:s29+s3], $0x80, $0x38;
	[tilespmem:$0x14800] =	vst v63  }
0x66: {  	s17 =	sadd.s32 s4, s31;
	s23 =	sand.u32 $0x1FFFFFF0, s28;
	s30 =	spop (v2sf)  }
0x67: {  	(v2sf) =	vpush v4, $0xE;
	[tilespmem:s13], [sflag:$0x1] =	stream.linear.gather [hbm4b:s17+s3], $0x80, $0x38;
	[tilespmem:$0x14800] =	vst v63  }
0x68: {  	s23 =	sadd.s32 s4, s23;
	s31 =	sand.u32 $0x1FFFFFF0, s30;
	s24 =	spop (v2sf)  }
0x69: {  	(v2sf) =	vpush v4, $0xF;
	[tilespmem:s2], [sflag:$0x1] =	stream.linear.gather [hbm4b:s23+s3], $0x80, $0x38;
	[tilespmem:$0x14800] =	vst v63  }
0x6a: {  	s25 =	sand.u32 $0x1FFFFFF0, s24;
	s26 =	spop (v2sf);
	s13 =	sadd.s32 s4, s31  }
0x6b: {  	[tilespmem:s14], [sflag:$0x1] =	stream.linear.gather [hbm4b:s13+s3], $0x80, $0x38;
	[tilespmem:$0x14800] =	vst v63  }
0x6c: {  	s28 =	sand.u32 $0x1FFFFFF0, s26;
	s2 =	sadd.s32 s4, s25;
	s29 =	spop (v2sf)  }
0x6d: {  	[tilespmem:s1], [sflag:$0x1] =	stream.linear.gather [hbm4b:s2+s3], $0x80, $0x38;
	[tilespmem:$0x14800] =	vst v63  }
0x6e: {  	s13 =	sadd.s32 s4, s28;
	s30 =	sand.u32 $0x1FFFFFF0, s29;
	s31 =	spop (v2sf)  }
0x6f: {  	[tilespmem:s11], [sflag:$0x1] =	stream.linear.gather [hbm4b:s13+s3], $0x80, $0x38;
	[tilespmem:$0x14800] =	vst v63  }
0x70: {  	s2 =	sand.u32 $0x1FFFFFF0, s31;
	s1 =	sadd.s32 s4, s30;
	s14 =	spop (v2sf)  }
0x71: {  	[tilespmem:s0], [sflag:$0x1] =	stream.linear.gather [hbm4b:s1+s3], $0x80, $0x38;
	[tilespmem:$0x14800] =	vst v63  }
0x72: {  	s2 =	sadd.s32 s4, s2;
	s17 =	sand.u32 $0x1FFFFFF0, s14;
	s23 =	spop (v2sf)  }
0x73: {  	[tilespmem:s12], [sflag:$0x1] =	stream.linear.gather [hbm4b:s2+s3], $0x80, $0x38;
	[tilespmem:$0x14800] =	vst v63  }
0x74: {  	s0 =	sadd.s32 s4, s17;
	s1 =	sand.u32 $0x1FFFFFF0, s23;
	s24 =	spop (v2sf)  }
0x75: {  	[tilespmem:s22], [sflag:$0x1] =	stream.linear.gather [hbm4b:s0+s3], $0x80, $0x38;
	[tilespmem:$0x14800] =	vst v63  }
0x76: {  	s25 =	sand.u32 $0x1FFFFFF0, s24;
	s1 =	sadd.s32 s4, s1;
	s26 =	spop (v2sf)  }
0x77: {  	[tilespmem:s20], [sflag:$0x1] =	stream.linear.gather [hbm4b:s1+s3], $0x80, $0x38;
	[tilespmem:$0x14800] =	vst v63  }
0x78: {  	s28 =	sand.u32 $0x1FFFFFF0, s26;
	s29 =	spop (v2sf);
	s0 =	sadd.s32 s4, s25  }
0x79: {  	[tilespmem:s21], [sflag:$0x1] =	stream.linear.gather [hbm4b:s0+s3], $0x80, $0x38;
	[tilespmem:$0x14800] =	vst v63  }
0x7a: {  	s31 =	sadd.s32 $0x900, s19;
	s30 =	sand.u32 $0x1FFFFFF0, s29;
	s1 =	sadd.s32 s4, s28  }
0x7b: {  	[tilespmem:s31], [sflag:$0x1] =	stream.linear.gather [hbm4b:s1+s3], $0x80, $0x38;
	[tilespmem:$0x14800] =	vst v63  }
0x7c: {  	s2 =	sadd.s32 $0x980, s19;
	s0 =	sadd.s32 s4, s30  }
0x7d: {  	[tilespmem:s2], [sflag:$0x1] =	stream.linear.gather [hbm4b:s0+s3], $0x80, $0x38;
	[tilespmem:$0x14800] =	vst v63  }
0x7e: {  	_ =	swait.ge [sflag:s15], $0x200  }
0x7f: {  	[sflag:s15] =	ssyncset.done $0x0  }
0x80: {  	[sflag:s15] =	ssyncadd.s32 $0xFFFFFE00  }
0x81: {  	_ =	swait.ge [sflag:s15], $0x4000  }
0x82: {  	[sflag:s15] =	ssyncset.done $0x0  }
0x83: {  	[sflag:s15] =	ssyncadd.s32 $0xFFFFC000  }
0x84: {  	_ =	swait.ge [sflag:s15], $0x200  }
0x85: {  	[sflag:s15] =	ssyncset.done $0x0  }
0x86: {  	[sflag:s15] =	ssyncadd.s32 $0xFFFFFE00  }
0x87: {  	_ =	swait.ge [sflag:s16], $0x10000  }
0x88: {  	[sflag:s16] =	ssyncset.done $0x0  }
0x89: {  	s11 =	simm.s32 $0x600;
	[sflag:s16] =	ssyncadd.s32 $0xFFFF0000  }
0x8a: {  	s12 =	simm.s32 $0x10300;
	v4 =	vld [tilespmem:s11+$0xFFFFFE90]  }
0x8b: {  	v5 =	vld [tilespmem:s12+$0xFFFFFF10]  }
0x8c: {  	v6 =	vld [tilespmem:s11+$0xFFFFFC10]  }
0x8d: {  	v7 =	vld [tilespmem:s12+$0xFFFFFF90]  }
0x8e: {  	v8 =	vld [tilespmem:s11+$0xFFFFFD90]  }
0x8f: {  	v9 =	vld [tilespmem:s11+$0xFFFFFD80]  }
0x90: {  	v10 =	vld [tilespmem:s11+$0xFFFFFC00]  }
0x91: {  	v11 =	vld [tilespmem:s11+$0xFFFFFD10]  }
0x92: {  	v12 =	vld [tilespmem:s11+$0xFFFFFD00]  }
0x93: {  	v13 =	vld [tilespmem:s11+$0xFFFFFC90]  }
0x94: {  	v14 =	vld [tilespmem:s11+$0xFFFFFC80]  }
0x95: {  	s13 =	simm.s32 $0x20;
	v15 =	vld [tilespmem:s12+$0xFFFFFF00]  }
0x96: {  	s0 =	sor.u32 $0x30, s13;
	v16 =	vld [tilespmem:s12+$0xFFFFFF20]  }
0x97: {  	v17 =	vld [tilespmem:s0+$0x10200]  }
0x98: {  	v18 =	vld [tilespmem:s12+$0xFFFFFF40]  }
0x99: {  	v30 =	vld [tilespmem:s11+$0xFFFFFE00]  }
0x9a: {  	s20 =	simm.s32 $0xA0;
	v31 =	vld [tilespmem:s12+$0xFFFFFF80]  }
0x9b: {  	s23 =	sor.u32 $0x30, s20;
	v33 =	vld [tilespmem:s11+$0xFFFFFE10]  }
0x9c: {  	v36 =	vld [tilespmem:s23+$0x10200]  }
0x9d: {  	v37 =	vld [tilespmem:s12+$0xFFFFFFA0]  }
0x9e: {  	v38 =	vld [tilespmem:s11+$0xFFFFFE80]  }
0x9f: {  	v20 =	vld [tilespmem:s11+$0xFFFFFF90]  }
0xa0: {  	v42 =	vld [tilespmem:s11+$0xFFFFFF00]  }
0xa1: {  	v44 =	vld [tilespmem:s12+$0xFFFFFFC0]  }
0xa2: {  	v48 =	vld [tilespmem:s11+$0xFFFFFF10]  }
0xa3: {  	v52 =	vld [tilespmem:s11+$0x90]  }
0xa4: {  	s20 =	simm.s32 $0x14400;
	v21 =	vld [tilespmem:s11+$0xFFFFFF80]  }
0xa5: {  	s14 =	simm.s32 $0x40;
	v59 =	vld [tilespmem:s20+$0x0]  }
0xa6: {  	s17 =	simm.s32 $0x60;
	s0 =	sor.u32 $0x50, s14;
	v60 =	vld [tilespmem:s12+$0xFFFFFFE0]  }
0xa7: {  	s19 =	simm.s32 $0xE0;
	v19 =	vld [tilespmem:s0+$0x10200];
	s0 =	sor.u32 $0x70, s17  }
0xa8: {  	v28 =	vld [tilespmem:s0+$0x10200];
	s0 =	sor.u32 $0x70, s19;
	v10 =	vmul.f32 v10, v15;
	v5 =	vmul.f32 v6, v5  }
0xa9: {  	s24 =	simm.s32 $0xC0;
	s19 =	simm.s32 $0x14200;
	v34 =	vld [tilespmem:s0+$0x10200];
	v14 =	vmul.f32 v14, v16;
	v29 =	vmul.f32 v13, v17  }
0xaa: {  	s0 =	sor.u32 $0x50, s24;
	v23 =	vld [tilespmem:s19+$0x0];
	v12 =	vmul.f32 v12, v18;
	v41 =	vmul.f32 v30, v31  }
0xab: {  	v50 =	vld [tilespmem:s0+$0x10200];
	v7 =	vmul.f32 v33, v7;
	v4 =	vmul.f32 v4, v36  }
0xac: {  	s25 =	simm.s32 $0x120;
	v6 =	vld [tilespmem:s12+$0xFFFFFF60];
	v13 =	vmul.f32 v42, v44;
	v15 =	vmul.f32 v21, v60  }
0xad: {  	v54 =	vld [tilespmem:s11+$0x10];
	s0 =	sor.u32 $0x30, s25;
	v11 =	vmul.f32 v11, v19;
	v5 =	vadd.f32 v5, v10;
	v10 =	vadd.f32 v29, v14  }
0xae: {  	v31 =	vld [tilespmem:s0+$0x10200];
	v8 =	vmul.f32 v8, v28;
	v7 =	vadd.f32 v7, v41;
	v18 =	vmul.f32 v20, v34  }
0xaf: {  	v63 =	vld [tilespmem:s12+$0x10];
	v11 =	vadd.f32 v11, v12;
	v32 =	vperm.xlane v5, v0;
	v35 =	vperm.xlane v10, v0  }
0xb0: {  	v14 =	vadd.f32 v59, v23;
	v49 =	vperm.xlane v7, v0;
	v58 =	vmul.f32 v48, v50  }
0xb1: {  	v6 =	vmul.f32 v9, v6;
	v40 =	vperm.xlane v11, v0;
	v15 =	vadd.f32 v18, v15  }
0xb2: {  	v9 =	vmul.f32 v38, v37;
	v5 =	vadd.f32 v5, v32;
	v10 =	vadd.f32 v10, v35  }
0xb3: {  	v33 =	vld [tilespmem:s11+$0x80];
	v12 =	vmul.f32 v52, v31;
	v7 =	vadd.f32 v7, v49;
	v6 =	vadd.f32 v8, v6  }
0xb4: {  	v35 =	vld [tilespmem:s12+$0x20];
	v4 =	vadd.f32 v4, v9;
	v9 =	vmul.f32 v54, v63;
	v41 =	vperm.xlane v15, v0  }
0xb5: {  	v11 =	vadd.f32 v11, v40;
	v39 =	vperm.xlane v5, v1;
	v43 =	vperm.xlane v10, v1  }
0xb6: {  	v57 =	vperm.xlane v7, v1;
	v45 =	vperm.xlane v6, v0;
	v15 =	vadd.f32 v15, v41  }
0xb7: {  	v47 =	vperm.xlane v11, v1;
	v5 =	vadd.f32 v5, v39;
	v10 =	vadd.f32 v10, v43  }
0xb8: {  	v30 =	vld [tilespmem:s12+$0x0];
	v22 =	vperm.xlane v4, v0;
	v7 =	vadd.f32 v7, v57;
	v6 =	vadd.f32 v6, v45  }
0xb9: {  	v29 =	vld [tilespmem:s11+$0x0];
	v11 =	vadd.f32 v11, v47;
	v45 =	vmul.f32 v33, v35;
	v47 =	vperm.xlane v15, v1  }
0xba: {  	v4 =	vadd.f32 v4, v22;
	v46 =	vperm.xlane v5, v2;
	v51 =	vperm.xlane v10, v2  }
0xbb: {  	v42 =	vld [tilespmem:s12+$0x40];
	v28 =	vperm.xlane v7, v2;
	v53 =	vperm.xlane v6, v1;
	v12 =	vadd.f32 v12, v45  }
0xbc: {  	v48 =	vld [tilespmem:s11+$0x180];
	v56 =	vperm.xlane v11, v2;
	v50 =	vadd.f32 v15, v47;
	v5 =	vadd.f32 v5, v46  }
0xbd: {  	s26 =	simm.s32 $0x140;
	v38 =	vld [tilespmem:s11+$0x210];
	v36 =	vperm.xlane v4, v1;
	v8 =	vadd.f32 v10, v51;
	v7 =	vadd.f32 v7, v28  }
0xbe: {  	s0 =	sor.u32 $0x50, s26;
	v49 =	vld [tilespmem:s12+$0x60];
	v10 =	vadd.f32 v11, v56;
	v11 =	vadd.f32 v58, v13;
	v13 =	vmul.f32 v29, v30  }
0xbf: {  	v40 =	vld [tilespmem:s0+$0x10200];
	v6 =	vadd.f32 v6, v53;
	v52 =	vperm.xlane v12, v0;
	v55 =	vperm.xlane v5, v3  }
0xc0: {  	v63 =	vld [tilespmem:s11+$0x390];
	v4 =	vadd.f32 v4, v36;
	v24 =	vperm.xlane v8, v3;
	v34 =	vperm.xlane v7, v3  }
0xc1: {  	v51 =	vld [tilespmem:s11+$0x200];
	v61 =	vperm.xlane v6, v2;
	v62 =	vperm.xlane v10, v3;
	v9 =	vadd.f32 v9, v13  }
0xc2: {  	s28 =	simm.s32 $0x160;
	v53 =	vld [tilespmem:s12+$0x80];
	v37 =	vperm.xlane v11, v0;
	v12 =	vadd.f32 v12, v52;
	v8 =	vadd.f32 v8, v24  }
0xc3: {  	s29 =	simm.s32 $0x1A0;
	s0 =	sor.u32 $0x70, s28;
	v57 =	vld [tilespmem:s11+$0x290];
	v43 =	vperm.xlane v4, v2;
	v5 =	vadd.f32 v5, v55;
	v7 =	vadd.f32 v7, v34  }
0xc4: {  	v46 =	vld [tilespmem:s0+$0x10200];
	s0 =	sor.u32 $0x30, s29;
	v6 =	vadd.f32 v6, v61;
	v10 =	vadd.f32 v10, v62  }
0xc5: {  	v17 =	vmul.f32 v48, v49;
	v58 =	vld [tilespmem:s0+$0x10200];
	v11 =	vadd.f32 v11, v37;
	v4 =	vadd.f32 v4, v43  }
0xc6: {  	s30 =	simm.s32 $0x1C0;
	v39 =	vld [tilespmem:s11+$0x110];
	v54 =	vperm.xlane v9, v0;
	v59 =	vperm.xlane v12, v1;
	v8 =	vsel vm1, $0x0, v8  }
0xc7: {  	s31 =	simm.s32 $0x1E0;
	s0 =	sor.u32 $0x50, s30;
	v55 =	vld [tilespmem:s12+$0x90];
	v5 =	vnsel vm0, $0x0, v5;
	v7 =	vsel vm4, $0x0, v7;
	v13 =	vmul.f32 v51, v53  }
0xc8: {  	v29 =	vld [tilespmem:s0+$0x10200];
	s0 =	sor.u32 $0x70, s31;
	v32 =	vperm.xlane v6, v3;
	v10 =	vsel vm2, $0x0, v10;
	v5 =	vadd.f32 v5, v14  }
0xc9: {  	v37 =	vld [tilespmem:s0+$0x10200];
	v19 =	vperm.xlane v11, v1;
	v9 =	vadd.f32 v9, v54;
	v12 =	vadd.f32 v12, v59  }
0xca: {  	v44 =	vld [tilespmem:s11+$0x100];
	v14 =	vmul.f32 v57, v58;
	v6 =	vadd.f32 v6, v32;
	v5 =	vadd.f32 v8, v5  }
0xcb: {  	v11 =	vadd.f32 v11, v19;
	v8 =	vmul.f32 v39, v40;
	v62 =	vperm.xlane v9, v1  }
0xcc: {  	v41 =	vld [tilespmem:s12+$0xE0];
	v30 =	vmul.f32 v38, v55;
	v34 =	vperm.xlane v12, v2;
	v5 =	vadd.f32 v10, v5  }
0xcd: {  	v39 =	vld [tilespmem:s11+$0x380];
	v6 =	vsel vm3, $0x0, v6;
	v19 =	vperm.xlane v11, v2;
	v9 =	vadd.f32 v9, v62  }
0xce: {  	v47 =	vmul.f32 v63, v37;
	v13 =	vadd.f32 v30, v13;
	v5 =	vadd.f32 v6, v5  }
0xcf: {  	v10 =	vmul.f32 v44, v42;
	v12 =	vadd.f32 v12, v34;
	v11 =	vadd.f32 v11, v19  }
0xd0: {  	v31 =	vld [tilespmem:s11+$0x300];
	v36 =	vperm.xlane v9, v2;
	v5 =	vadd.f32 v7, v5;
	v7 =	vperm.xlane v4, v3  }
0xd1: {  	v6 =	vld [tilespmem:s11+$0x190];
	v8 =	vadd.f32 v8, v10;
	v38 =	vperm.xlane v13, v0;
	v42 =	vperm.xlane v12, v3  }
0xd2: {  	v32 =	vld [tilespmem:s12+$0xC0];
	v48 =	vmul.f32 v39, v41;
	v56 =	vperm.xlane v11, v3;
	v4 =	vadd.f32 v4, v7  }
0xd3: {  	v61 =	vperm.xlane v8, v0;
	v9 =	vadd.f32 v9, v36;
	v13 =	vadd.f32 v13, v38  }
0xd4: {  	v60 =	vld [tilespmem:s11+$0x280];
	v44 =	vadd.f32 v12, v42;
	v15 =	vadd.f32 v47, v48;
	v4 =	vsel vm5, $0x0, v4  }
0xd5: {  	v7 =	vperm.xlane v50, v2;
	v10 =	vadd.f32 v11, v56;
	v4 =	vadd.f32 v4, v5;
	v5 =	vld [tilespmem:s12+$0xA0]  }
0xd6: {  	v35 =	vld [tilespmem:s11+$0x310];
	v8 =	vadd.f32 v8, v61;
	v45 =	vperm.xlane v13, v1;
	v6 =	vmul.f32 v6, v46  }
0xd7: {  	v46 =	vmul.f32 v31, v32;
	v52 =	vperm.xlane v15, v0;
	v7 =	vadd.f32 v50, v7  }
0xd8: {  	v10 =	vsel vm6, $0x0, v10;
	v19 =	vperm.xlane v8, v1;
	v6 =	vadd.f32 v6, v17  }
0xd9: {  	v12 =	vadd.f32 v13, v45;
	v13 =	vadd.f32 v15, v52;
	v28 =	vperm.xlane v7, v3  }
0xda: {  	v8 =	vadd.f32 v8, v19;
	v33 =	vperm.xlane v6, v0;
	v5 =	vmul.f32 v60, v5  }
0xdb: {  	v4 =	vadd.f32 v10, v4;
	v10 =	vmul.f32 v35, v29;
	v7 =	vadd.f32 v7, v28  }
0xdc: {  	v6 =	vadd.f32 v6, v33;
	v5 =	vadd.f32 v14, v5  }
0xdd: {  	v54 =	vperm.xlane v12, v2;
	v40 =	vperm.xlane v8, v2;
	v10 =	vadd.f32 v10, v46  }
0xde: {  	v7 =	vsel vm7, $0x0, v7;
	v43 =	vperm.xlane v6, v1;
	v49 =	vperm.xlane v5, v0  }
0xdf: {  	v8 =	vadd.f32 v8, v40;
	v4 =	vadd.f32 v7, v4;
	v7 =	vperm.xlane v9, v3  }
0xe0: {  	v51 =	vperm.xlane v10, v0;
	v6 =	vadd.f32 v6, v43;
	v5 =	vadd.f32 v5, v49  }
0xe1: {  	v57 =	vperm.xlane v13, v1;
	v50 =	vperm.xlane v8, v3;
	v7 =	vadd.f32 v9, v7  }
0xe2: {  	v9 =	vadd.f32 v10, v51;
	v17 =	vperm.xlane v6, v2;
	v53 =	vperm.xlane v5, v1  }
0xe3: {  	v10 =	vadd.f32 v13, v57;
	v8 =	vadd.f32 v8, v50;
	v7 =	vsel vm8, $0x0, v7  }
0xe4: {  	v56 =	vperm.xlane v9, v1;
	v6 =	vadd.f32 v6, v17;
	v5 =	vadd.f32 v5, v53  }
0xe5: {  	v11 =	vsel vm9, $0x0, v44;
	v4 =	vadd.f32 v7, v4;
	v7 =	vadd.f32 v12, v54  }
0xe6: {  	v9 =	vadd.f32 v9, v56;
	v55 =	vperm.xlane v6, v3;
	v58 =	vperm.xlane v5, v2  }
0xe7: {  	v8 =	vsel vm10, $0x0, v8;
	v4 =	vadd.f32 v11, v4;
	v59 =	vperm.xlane v7, v3  }
0xe8: {  	v60 =	vperm.xlane v9, v2;
	v6 =	vadd.f32 v6, v55;
	v5 =	vadd.f32 v5, v58  }
0xe9: {  	v61 =	vperm.xlane v10, v2;
	v4 =	vadd.f32 v8, v4;
	v7 =	vadd.f32 v7, v59  }
0xea: {  	v9 =	vadd.f32 v9, v60;
	v6 =	vsel vm11, $0x0, v6;
	v62 =	vperm.xlane v5, v3  }
0xeb: {  	v4 =	vadd.f32 v6, v4;
	v6 =	vadd.f32 v10, v61  }
0xec: {  	v7 =	vsel vm12, $0x0, v7;
	v63 =	vperm.xlane v9, v3;
	v5 =	vadd.f32 v5, v62  }
0xed: {  	v4 =	vadd.f32 v7, v4;
	v7 =	vperm.xlane v6, v3  }
0xee: {  	v8 =	vadd.f32 v9, v63;
	v5 =	vsel vm13, $0x0, v5  }
0xef: {  	v6 =	vadd.f32 v6, v7;
	v5 =	vadd.f32 v5, v4  }
0xf0: {  	s22 =	simm.s32 $0x14600;
	s21 =	simm.s32 $0x14600;
	v7 =	vsel vm14, $0x0, v8  }
0xf1: {  	s23 =	simm.s32 $0x3E0;
	s24 =	simm.s32 $0x10500;
	s25 =	simm.s32 $0xE00;
	v4 =	vsel vm15, $0x0, v6;
	v5 =	vadd.f32 v7, v5  }
.LBB2_4:
0xf2: {  	s22 =	sadd.s32 $0x10, s22;
	s20 =	sadd.s32 $0x10, s20;
	s19 =	sadd.s32 $0x10, s19  }
0xf3: {  	p0 =	sne.s32 s23, $0x3FE0;
	s26 =	smov.u32 s23;
	s23 =	sadd.s32 $0x200, s23;
	v4 =	vadd.f32 v4, v5  }
0xf4: {  	_ = 	snop  }
0xf5: {  	v4 =	vsub.f32 $0.0e+00, v4;
	_ =	sdelay $0x1  }
0xf6: {  	v4 =	vmul.f32 $1.442695020e+00, v4;
	_ =	sdelay $0x1  }
0xf7: {  	(erf) = vpow2.f32 v4;
	_ =	sdelay $0x8  }
0xf8: {  	v4 =	vpop (erf)  }
0xf9: {  	v4 =	vadd.f32 $1.000000000e+00, v4;
	_ =	sdelay $0x1  }
0xfa: {  	(erf) = vrcp.f32 v4;
	_ =	sdelay $0x8  }
0xfb: {  	v4 =	vpop (erf)  }
0xfc: {  	v4 =	vmul.f32 $5.250000000e+00, v4  }
0xfd: {  	s0 =	sadd.s32 $0xFFFFFF00, s26  }
0xfe: {  	s0 =	sor.u32 $0x70, s0;
	[tilespmem:s21+$0x0] =	vst v4;
	s21 =	smov.u32 s22  }
0xff: {  	v4 =	vld [tilespmem:s25+$0xFFFFFE90]  }
0x100: {  	v5 =	vld [tilespmem:s24+$0xFFFFFF10]  }
0x101: {  	v6 =	vld [tilespmem:s25+$0xFFFFFC10]  }
0x102: {  	v7 =	vld [tilespmem:s0+$0x10200]  }
0x103: {  	v8 =	vld [tilespmem:s25+$0xFFFFFF90]  }
0x104: {  	v9 =	vld [tilespmem:s24+$0xFFFFFF90]  }
0x105: {  	v10 =	vld [tilespmem:s25+$0xFFFFFD90]  }
0x106: {  	v11 =	vld [tilespmem:s25+$0xFFFFFD80]  }
0x107: {  	v12 =	vld [tilespmem:s25+$0xFFFFFC00]  }
0x108: {  	v13 =	vld [tilespmem:s25+$0xFFFFFD10]  }
0x109: {  	v14 =	vld [tilespmem:s25+$0xFFFFFD00]  }
0x10a: {  	v15 =	vld [tilespmem:s25+$0xFFFFFC90]  }
0x10b: {  	v16 =	vld [tilespmem:s25+$0xFFFFFC80]  }
0x10c: {  	s0 =	sadd.s32 $0xFFFFFE40, s26;
	v17 =	vld [tilespmem:s24+$0xFFFFFF00]  }
0x10d: {  	s0 =	sor.u32 $0x30, s0;
	v18 =	vld [tilespmem:s24+$0xFFFFFF20]  }
0x10e: {  	v19 =	vld [tilespmem:s0+$0x10200];
	s0 =	sadd.s32 $0xFFFFFE60, s26  }
0x10f: {  	v20 =	vld [tilespmem:s24+$0xFFFFFF40];
	s0 =	sor.u32 $0x50, s0  }
0x110: {  	v21 =	vld [tilespmem:s0+$0x10200];
	s0 =	sadd.s32 $0xFFFFFE80, s26  }
0x111: {  	v5 =	vmul.f32 v6, v5;
	v12 =	vmul.f32 v12, v17;
	v6 =	vld [tilespmem:s24+$0xFFFFFF60];
	s0 =	sor.u32 $0x70, s0  }
0x112: {  	v16 =	vmul.f32 v16, v18;
	v17 =	vld [tilespmem:s0+$0x10200]  }
0x113: {  	v5 =	vadd.f32 v5, v12;
	v12 =	vmul.f32 v15, v19;
	v15 =	vld [tilespmem:s25+$0xFFFFFE00]  }
0x114: {  	v14 =	vmul.f32 v14, v20;
	v18 =	vld [tilespmem:s24+$0xFFFFFF80]  }
0x115: {  	s0 =	sadd.s32 $0xFFFFFEC0, s26;
	v19 =	vperm.xlane v5, v0;
	v12 =	vadd.f32 v12, v16;
	v13 =	vmul.f32 v13, v21;
	v16 =	vld [tilespmem:s25+$0xFFFFFE10]  }
0x116: {  	s0 =	sor.u32 $0x30, s0;
	v6 =	vmul.f32 v11, v6;
	v11 =	vld [tilespmem:s24+$0xFFFFFFA0]  }
0x117: {  	v5 =	vadd.f32 v5, v19;
	v19 =	vperm.xlane v12, v0;
	v13 =	vadd.f32 v13, v14;
	v14 =	vld [tilespmem:s0+$0x10200]  }
0x118: {  	v7 =	vmul.f32 v8, v7;
	v10 =	vmul.f32 v10, v17;
	v17 =	vld [tilespmem:s25+$0xFFFFFE80]  }
0x119: {  	v8 =	vperm.xlane v5, v1;
	v12 =	vadd.f32 v12, v19;
	v19 =	vperm.xlane v13, v0;
	v20 =	vld [tilespmem:s25+$0xFFFFFF00]  }
0x11a: {  	v6 =	vadd.f32 v10, v6;
	v10 =	vmul.f32 v15, v18;
	v9 =	vmul.f32 v16, v9;
	v15 =	vld [tilespmem:s24+$0xFFFFFFC0]  }
0x11b: {  	v5 =	vadd.f32 v5, v8;
	v8 =	vperm.xlane v12, v1;
	v13 =	vadd.f32 v13, v19  }
0x11c: {  	s0 =	sadd.s32 $0xFFFFFEE0, s26;
	v16 =	vperm.xlane v6, v0;
	v9 =	vadd.f32 v9, v10;
	v4 =	vmul.f32 v4, v14  }
0x11d: {  	s0 =	sor.u32 $0x50, s0;
	v10 =	vperm.xlane v5, v2;
	v8 =	vadd.f32 v12, v8;
	v12 =	vperm.xlane v13, v1;
	v14 =	vld [tilespmem:s25+$0xFFFFFF10]  }
0x11e: {  	v6 =	vadd.f32 v6, v16;
	v11 =	vmul.f32 v17, v11;
	v16 =	vperm.xlane v9, v0;
	v17 =	vld [tilespmem:s0+$0x10200]  }
0x11f: {  	v5 =	vadd.f32 v5, v10;
	v10 =	vperm.xlane v8, v2;
	v12 =	vadd.f32 v13, v12;
	v13 =	vld [tilespmem:s25+$0x90]  }
0x120: {  	v18 =	vperm.xlane v6, v1;
	v4 =	vadd.f32 v4, v11;
	v9 =	vadd.f32 v9, v16;
	v11 =	vld [tilespmem:s25+$0x10]  }
0x121: {  	v16 =	vperm.xlane v5, v3;
	v8 =	vadd.f32 v8, v10;
	v10 =	vperm.xlane v12, v2;
	v19 =	vld [tilespmem:s25+$0xFFFFFF80]  }
0x122: {  	v6 =	vadd.f32 v6, v18;
	v21 =	vperm.xlane v4, v0;
	v18 =	vperm.xlane v9, v1;
	v22 =	vld [tilespmem:s24+$0xFFFFFFE0]  }
0x123: {  	v23 =	vld [tilespmem:s19+$0x0];
	v24 =	vperm.xlane v8, v3;
	v10 =	vadd.f32 v12, v10;
	v12 =	vmul.f32 v14, v17  }
0x124: {  	v15 =	vmul.f32 v20, v15;
	v17 =	vperm.xlane v6, v2;
	v14 =	vld [tilespmem:s20+$0x0];
	v9 =	vadd.f32 v9, v18  }
0x125: {  	v4 =	vadd.f32 v4, v21;
	v8 =	vadd.f32 v8, v24;
	v18 =	vperm.xlane v10, v3;
	v20 =	vld [tilespmem:s24+$0x10]  }
0x126: {  	s0 =	sadd.s32 $0xFFFFFF40, s26;
	v6 =	vadd.f32 v6, v17;
	v12 =	vadd.f32 v12, v15;
	v17 =	vperm.xlane v9, v2;
	v15 =	vld [tilespmem:s25+$0x0]  }
0x127: {  	s0 =	sor.u32 $0x30, s0;
	v5 =	vadd.f32 v5, v16;
	v8 =	vsel vm1, $0x0, v8;
	v10 =	vadd.f32 v10, v18;
	v16 =	vld [tilespmem:s24+$0x0]  }
0x128: {  	v18 =	vperm.xlane v6, v3;
	v9 =	vadd.f32 v9, v17;
	v17 =	vmul.f32 v19, v22;
	v19 =	vld [tilespmem:s0+$0x10200]  }
0x129: {  	v5 =	vnsel vm0, $0x0, v5;
	v14 =	vadd.f32 v14, v23;
	v10 =	vsel vm2, $0x0, v10;
	v21 =	vld [tilespmem:s25+$0x80]  }
0x12a: {  	v6 =	vadd.f32 v6, v18;
	v18 =	vperm.xlane v9, v3;
	v11 =	vmul.f32 v11, v20;
	v20 =	vld [tilespmem:s24+$0x20]  }
0x12b: {  	v22 =	vperm.xlane v12, v0;
	v5 =	vadd.f32 v5, v14;
	v14 =	vperm.xlane v4, v1  }
0x12c: {  	s0 =	sadd.s32 $0xFFFFFF60, s26;
	v7 =	vadd.f32 v7, v17;
	v6 =	vsel vm3, $0x0, v6;
	v9 =	vadd.f32 v9, v18;
	v17 =	vld [tilespmem:s25+$0x210]  }
0x12d: {  	s0 =	sor.u32 $0x50, s0;
	v5 =	vadd.f32 v8, v5;
	v4 =	vadd.f32 v4, v14;
	v8 =	vmul.f32 v13, v19;
	v13 =	vld [tilespmem:s25+$0x110]  }
0x12e: {  	v12 =	vadd.f32 v12, v22;
	v14 =	vperm.xlane v7, v0;
	v9 =	vsel vm4, $0x0, v9;
	v18 =	vld [tilespmem:s0+$0x10200]  }
0x12f: {  	v15 =	vmul.f32 v15, v16;
	v5 =	vadd.f32 v10, v5;
	v10 =	vperm.xlane v4, v2;
	v16 =	vld [tilespmem:s24+$0x40]  }
0x130: {  	v19 =	vperm.xlane v12, v1;
	s0 =	sadd.s32 $0xFFFFFF80, s26;
	v7 =	vadd.f32 v7, v14;
	v14 =	vmul.f32 v21, v20;
	v20 =	vld [tilespmem:s25+$0x100]  }
0x131: {  	s0 =	sor.u32 $0x70, s0;
	v5 =	vadd.f32 v6, v5;
	v4 =	vadd.f32 v4, v10;
	v6 =	vld [tilespmem:s25+$0x190]  }
0x132: {  	v10 =	vadd.f32 v12, v19;
	v12 =	vperm.xlane v7, v1;
	v8 =	vadd.f32 v8, v14;
	v14 =	vld [tilespmem:s0+$0x10200]  }
0x133: {  	v5 =	vadd.f32 v9, v5;
	v9 =	vperm.xlane v4, v3;
	v13 =	vmul.f32 v13, v18;
	v18 =	vld [tilespmem:s25+$0x180]  }
0x134: {  	v11 =	vadd.f32 v11, v15;
	v19 =	vperm.xlane v10, v2;
	v7 =	vadd.f32 v7, v12;
	v12 =	vld [tilespmem:s24+$0x60]  }
0x135: {  	v4 =	vadd.f32 v4, v9;
	v9 =	vperm.xlane v8, v0;
	v15 =	vmul.f32 v20, v16;
	v16 =	vld [tilespmem:s25+$0x200]  }
0x136: {  	v10 =	vadd.f32 v10, v19;
	v19 =	vperm.xlane v7, v2;
	v20 =	vperm.xlane v11, v0;
	v21 =	vld [tilespmem:s24+$0x80]  }
0x137: {  	v8 =	vadd.f32 v8, v9;
	v9 =	vadd.f32 v13, v15;
	v6 =	vmul.f32 v6, v14;
	v13 =	vld [tilespmem:s24+$0x90]  }
0x138: {  	s0 =	sadd.s32 $0xFFFFFFC0, s26;
	v14 =	vperm.xlane v10, v3;
	v7 =	vadd.f32 v7, v19;
	v11 =	vadd.f32 v11, v20  }
0x139: {  	s0 =	sor.u32 $0x30, s0;
	v15 =	vperm.xlane v8, v1;
	v19 =	vperm.xlane v9, v0;
	v20 =	vld [tilespmem:s25+$0x290]  }
0x13a: {  	v4 =	vsel vm5, $0x0, v4;
	v10 =	vadd.f32 v10, v14;
	v12 =	vmul.f32 v18, v12;
	v14 =	vld [tilespmem:s0+$0x10200]  }
0x13b: {  	v4 =	vadd.f32 v4, v5;
	v5 =	vperm.xlane v11, v1;
	v16 =	vmul.f32 v16, v21;
	v18 =	vld [tilespmem:s25+$0x280]  }
0x13c: {  	v10 =	vsel vm6, $0x0, v10;
	v21 =	vperm.xlane v7, v3;
	v9 =	vadd.f32 v9, v19;
	v19 =	vld [tilespmem:s24+$0xA0]  }
0x13d: {  	v6 =	vadd.f32 v6, v12;
	v4 =	vadd.f32 v10, v4;
	v10 =	vmul.f32 v17, v13  }
0x13e: {  	s0 =	sadd.s32 $0xFFFFFFE0, s26;
	v5 =	vadd.f32 v11, v5;
	v8 =	vadd.f32 v8, v15;
	v11 =	vperm.xlane v9, v1  }
0x13f: {  	s0 =	sor.u32 $0x50, s0;
	v7 =	vadd.f32 v7, v21;
	v12 =	vperm.xlane v6, v0;
	v10 =	vadd.f32 v10, v16;
	v13 =	vld [tilespmem:s25+$0x390]  }
0x140: {  	v15 =	vperm.xlane v5, v2;
	v16 =	vperm.xlane v8, v2;
	v17 =	vld [tilespmem:s0+$0x10200]  }
0x141: {  	v7 =	vsel vm7, $0x0, v7;
	v9 =	vadd.f32 v9, v11;
	v11 =	vmul.f32 v20, v14;
	v14 =	vld [tilespmem:s25+$0x300]  }
0x142: {  	v6 =	vadd.f32 v6, v12;
	v8 =	vadd.f32 v8, v16;
	v12 =	vperm.xlane v10, v0;
	v16 =	vld [tilespmem:s24+$0xC0]  }
0x143: {  	v5 =	vadd.f32 v5, v15;
	v4 =	vadd.f32 v7, v4;
	s0 =	sor.u32 $0x70, s26;
	v7 =	vperm.xlane v9, v2;
	v15 =	vld [tilespmem:s25+$0x310]  }
0x144: {  	v21 =	vperm.xlane v6, v1;
	v20 =	vperm.xlane v8, v3;
	v10 =	vadd.f32 v10, v12;
	v12 =	vld [tilespmem:s0+$0x10200]  }
0x145: {  	v22 =	vperm.xlane v5, v3;
	v7 =	vadd.f32 v9, v7;
	v9 =	vmul.f32 v18, v19;
	v18 =	vld [tilespmem:s25+$0x380]  }
0x146: {  	v6 =	vadd.f32 v6, v21;
	v8 =	vadd.f32 v8, v20;
	v19 =	vperm.xlane v10, v1;
	v20 =	vld [tilespmem:s24+$0xE0]  }
0x147: {  	v5 =	vadd.f32 v5, v22;
	v21 =	vperm.xlane v7, v3;
	v9 =	vadd.f32 v11, v9  }
0x148: {  	v11 =	vperm.xlane v6, v2;
	v10 =	vadd.f32 v10, v19;
	v15 =	vmul.f32 v15, v17  }
0x149: {  	v8 =	vsel vm9, $0x0, v8;
	v7 =	vadd.f32 v7, v21;
	v12 =	vmul.f32 v13, v12  }
0x14a: {  	v5 =	vsel vm8, $0x0, v5;
	v6 =	vadd.f32 v6, v11;
	v11 =	vmul.f32 v14, v16  }
0x14b: {  	v7 =	vsel vm10, $0x0, v7;
	v13 =	vperm.xlane v10, v2;
	v14 =	vmul.f32 v18, v20  }
0x14c: {  	v4 =	vadd.f32 v5, v4;
	v16 =	vperm.xlane v9, v0;
	v5 =	vperm.xlane v6, v3  }
0x14d: {  	v10 =	vadd.f32 v10, v13;
	v12 =	vadd.f32 v12, v14  }
0x14e: {  	v5 =	vadd.f32 v6, v5;
	v6 =	vadd.f32 v15, v11  }
0x14f: {  	v4 =	vadd.f32 v8, v4;
	v8 =	vperm.xlane v10, v3;
	v11 =	vperm.xlane v12, v0  }
0x150: {  	v9 =	vadd.f32 v9, v16;
	v5 =	vsel vm11, $0x0, v5;
	v13 =	vperm.xlane v6, v0  }
0x151: {  	v8 =	vadd.f32 v10, v8;
	v10 =	vadd.f32 v12, v11  }
0x152: {  	v4 =	vadd.f32 v7, v4;
	v7 =	vperm.xlane v9, v1;
	v6 =	vadd.f32 v6, v13  }
0x153: {  	v8 =	vsel vm12, $0x0, v8;
	v11 =	vperm.xlane v10, v1  }
0x154: {  	v4 =	vadd.f32 v5, v4;
	v5 =	vadd.f32 v9, v7;
	v7 =	vperm.xlane v6, v1  }
0x155: {  	v9 =	vadd.f32 v10, v11  }
0x156: {  	v4 =	vadd.f32 v8, v4;
	v8 =	vperm.xlane v5, v2;
	v6 =	vadd.f32 v6, v7  }
0x157: {  	v7 =	vperm.xlane v9, v2  }
0x158: {  	v5 =	vadd.f32 v5, v8;
	v8 =	vperm.xlane v6, v2  }
0x159: {  	v7 =	vadd.f32 v9, v7  }
0x15a: {  	v6 =	vadd.f32 v6, v8;
	v9 =	vperm.xlane v5, v3  }
0x15b: {  	v8 =	vperm.xlane v7, v3  }
0x15c: {  	v5 =	vadd.f32 v5, v9;
	v9 =	vperm.xlane v6, v3  }
.Ltmp1:
0x15d: {  	v7 =	vadd.f32 v7, v8;
	(pc) =	sbr.rel @p0 .LBB2_4-.Ltmp1, $4  }
0x15e: {  	v5 =	vsel vm13, $0x0, v5;
	v6 =	vadd.f32 v6, v9  }
0x15f: {  	v5 =	vadd.f32 v5, v4;
	v4 =	vsel vm15, $0x0, v7  }
0x160: {  	v6 =	vsel vm14, $0x0, v6  }
0x161: {  	s25 =	sadd.s32 $0x800, s25;
	s24 =	sadd.s32 $0x200, s24;
	v5 =	vadd.f32 v6, v5  }
0x162: {  	_ = 	snop  }
0x163: {  	v4 =	vadd.f32 v4, v5;
	_ =	sdelay $0x1  }
0x164: {  	v4 =	vsub.f32 $0.0e+00, v4;
	_ =	sdelay $0x1  }
0x165: {  	v4 =	vmul.f32 $1.442695020e+00, v4;
	_ =	sdelay $0x1  }
0x166: {  	(erf) = vpow2.f32 v4;
	_ =	sdelay $0x8  }
0x167: {  	v4 =	vpop (erf)  }
0x168: {  	v4 =	vadd.f32 $1.000000000e+00, v4;
	_ =	sdelay $0x1  }
0x169: {  	(erf) = vrcp.f32 v4;
	_ =	sdelay $0x8  }
0x16a: {  	v4 =	vpop (erf)  }
0x16b: {  	s18 =	sadd.s32 $0x1, s18;
	v4 =	vmul.f32 $5.250000000e+00, v4  }
0x16c: {  	p0 =	sne.s32 s18, s9  }
.Ltmp2:
0x16d: {  	s0 =	simm.s32 $0x14600;
	[tilespmem:s21+$0x0] =	vst v4;
	(pc) =	sbr.rel @p0 .LBB2_1-.Ltmp2, $4  }
0x16e: {  	[hbm4b:s8+s3] =	stream.linear.scatter [tilespmem:s0], [sflag:$0x3], $0x200, $0x38;
	[tilespmem:$0x14800] =	vst v63  }
0x16f: {  	_ =	swait.ge [sflag:s10], $0x200  }
0x170: {  	[sflag:s10] =	ssyncset.done $0x0  }
0x171: {  	[sflag:s10] =	ssyncadd.s32 $0xFFFFFE00  }
0x172: {  	_ =	sfence.sel $0x180000  }
0x173: {  	[bflag:$0x0] =	sbarrier.arrive $0xFFFF  }
0x174: {  	_ =	strace $0x9000004A  }
0x175: {  	s0 =	stileid.u32;
	[bflag:$0x2] =	sbarrier.arrive $0xFFFF  }
0x176: {  	p0 =	sne.s32 s0, $0x0;
	s0 =	rddreg [dreg:$0x4]  }
0x177: {  	s0 =	sadd.s32 @!p0 $0x100000, s0  }
0x178: {  	[sflag:s0] =	ssyncadd.tile.s32 @!p0 $0x1;
	_ =	shalt  }
.Lfunc_end2:
_tile_overlayer_lowered:
.L_overlay_start_2:
0x179: {  	(tag) =	ssettag $0x2  }
0x17a: {  	s0 =	rddreg [dreg:$0x0];
	s2 =	stileid.u32  }
0x17b: {  	s1 =	rddreg [dreg:$0x1];
	p0 =	sne.s32 s2, $0x0  }
0x17c: {  	s3 =	rddreg [dreg:$0x2];
	[bflag:$0x3] =	sbarrier.arrive $0xFFFF;
	s2 =	simm.s32 @!p0 $0x1C03  }
0x17d: {  	[timem:s3], [sflag:s2] =	dma.local @!p0 [hbm:s0], s1  }
0x17e: {  	s0 =	simm.s32 @!p0 $0x3  }
0x17f: {  	_ =	swait.ge @!p0 [sflag:s0], s1  }
0x180: {  	s1 =	ssub.s32 @!p0 $0x0, s1;
	[sflag:s0] =	ssyncset.done @!p0 $0x0  }
0x181: {  	[sflag:s0] =	ssyncadd.s32 @!p0 s1  }
0x182: {  	[bflag:$0x3] =	sbarrier.arrive $0xFFFF  }
0x183: {  	_ =	shalt  }

</sc_bundles>
